<compile_context>
chip_gen: v7x
topology: tpu7x:2x2x1
jax: 0.10.2.dev20260603
libtpu: 0.0.44.dev20260713+nightly
codegen_flags: <defaults>
</compile_context>

<pallas_src>
import jax
import jax.numpy as jnp
import numpy as np
from jax import lax
from jax.experimental import pallas as pl
from jax.experimental.pallas import tpu as pltpu
from jax.experimental.pallas import tpu_sc as plsc

F = 1025
T = 256
B = 2
MAXP = 5
MARGIN = 3
PWR = 0.1
LLIM = F - (MARGIN + 1)



LANES = 16
FP = 1032


def _bubble(ms, v):
    out = []
    for mj in ms:
        out.append(jnp.maximum(mj, v))
        v = jnp.minimum(mj, v)
    return tuple(out)


CHUNK = 16
NCH = (F - 1) // CHUNK
PWR_NEXT = float(np.nextafter(np.float32(PWR), np.float32(1.0)))


def _sc_body(x_hbm, o_hbm, in_v, cm_v, sem):
    b = lax.axis_index("c")
    t0 = lax.axis_index("s") * LANES
    pltpu.async_copy(x_hbm.at[b, pl.ds(0, F), pl.ds(t0, LANES)], in_v,
                     sem).wait()
    lane = lax.broadcasted_iota(jnp.int32, (LANES,), 0)
    neg = jnp.full((LANES,), -jnp.inf, jnp.float32)
    zero = jnp.zeros((LANES,), jnp.int32)

    def pa(bi, _):
        base = 1 + bi * CHUNK
        m = in_v[base]
        for r in range(1, CHUNK):
            m = jnp.maximum(m, in_v[base + r])
        cm_v[bi] = m
        return 0

    lax.fori_loop(0, NCH, pa, 0, unroll=2)

    def pb(bi, carry):
        vals, idxs = carry
        v = cm_v[bi]
        iv = jnp.full((LANES,), bi, jnp.int32)
        nv, ni = [], []
        for mj, ij in zip(vals, idxs):
            c = v > mj
            nv.append(jnp.where(c, v, mj))
            ni.append(jnp.where(c, iv, ij))
            v, iv = jnp.where(c, mj, v), jnp.where(c, ij, iv)
        return tuple(nv), tuple(ni)

    _, cidxs = lax.fori_loop(0, NCH, pb, ((neg,) * MAXP, (zero,) * MAXP),
                             unroll=2)

    ms = (neg,) * MAXP
    for j in range(MAXP):
        base = 1 + cidxs[j] * CHUNK
        for r in range(CHUNK):
            ms = _bubble(ms, plsc.load_gather(in_v, [base + r, lane]))
    thr = jnp.maximum(ms[MAXP - 1], jnp.float32(PWR_NEXT))

    def p2(bi, bf):
        c = cm_v[bi] >= thr
        return jnp.minimum(bf, jnp.where(c, jnp.full((LANES,), bi), NCH))

    bfirst = lax.fori_loop(0, NCH, p2, jnp.full((LANES,), NCH, jnp.int32),
                           unroll=4)
    base = 1 + jnp.minimum(bfirst, NCH - 1) * CHUNK
    best = jnp.full((LANES,), F, jnp.int32)
    for r in range(CHUNK):
        g = plsc.load_gather(in_v, [base + r, lane])
        best = jnp.minimum(best, jnp.where(g >= thr, base + r, F))
    f0i = jnp.where(bfirst == NCH, 0, best)

    si = jnp.maximum(f0i, 1)
    mmax = (jnp.float32(LLIM - 1) / si.astype(jnp.float32)).astype(jnp.int32)
    mmax = jnp.where((mmax + 1) * si <= LLIM - 1, mmax + 1, mmax)
    mmax = jnp.where(mmax * si > LLIM - 1, mmax - 1, mmax)
    covered = (f0i > 0) & (mmax >= 1)
    ncmax = mmax * f0i
    mi = jnp.where(f0i == 1, 2, jnp.where(f0i == 2, 1, 0))
    c0 = jnp.maximum(mi, 1) * f0i
    nc0 = (mi + 1) * f0i

    def p3(k, carry):
        kv, kk3, c, nc = carry
        bump = (kk3 >= nc) & (nc <= ncmax)
        c = jnp.where(bump, nc, c)
        nc = jnp.where(bump, nc + f0i, nc)
        d = jnp.abs(kv - c)
        d = jnp.where(covered, d, MARGIN + 1)
        val = jnp.maximum(1.0 - d.astype(jnp.float32) * (0.5 / MARGIN), 0.5)
        in_v[k] = val
        return kv + 1, kk3 + 1, c, nc

    three = jnp.full((LANES,), MARGIN, jnp.int32)
    lax.fori_loop(0, F, p3, (zero, three, c0, nc0), unroll=8)

    pltpu.async_copy(in_v, o_hbm.at[b, 0, pl.ds(0, F), pl.ds(t0, LANES)],
                     sem).wait()


@jax.jit
def _sc_mask(x2):
    kern = pl.kernel(
        _sc_body,
        out_type=jax.ShapeDtypeStruct((B, 1, F, T), jnp.float32),
        mesh=plsc.VectorSubcoreMesh(core_axis_name="c", subcore_axis_name="s"),
        compiler_params=pltpu.CompilerParams(
            use_tc_tiling_on_sc=False, needs_layout_passes=False),
        scratch_types=[
            pltpu.VMEM((F, LANES), jnp.float32),
            pltpu.VMEM((NCH, LANES), jnp.float32),
            pltpu.SemaphoreType.DMA,
        ],
    )
    return kern(x2)


def kernel(x):
    xp = jnp.pad(x.reshape(B, F, T), ((0, 0), (0, FP - F), (0, 0)),
                 constant_values=0.5)
    return _sc_mask(xp)

# --- scband reference (transcript-rebuilt; emitter-appended) ---
"""Pipeline reference for scband-harmonic-estimation-43568148251035 (READ-ONLY COPY).

The authoritative reference and input builder live on the scoring server;
editing this copy changes nothing except your own understanding.
"""

import jax, jax.numpy as jnp
import numpy as np

PEAK_DISTANCE = 2
MAX_PEAKS = 5
FREQ_MARGIN = 3
MAX_POWER = 0.1


def setup_inputs(seed: int = 0) -> dict:
    key = jax.random.key(seed)
    x = jax.random.uniform(key, (2, 1, 1025, 256), dtype=jnp.float32)
    return {"x": x}


def _compute_binmask(x):
    # Faithful re-implementation of HarmonicEstimation.forward.
    # Note: the original torch code calls harmonic_estimation on a 1-D slice
    # x[b,0,:,t] while harmonic_estimation indexes z.shape[1]; the only
    # runnable interpretation is per-batch 2-D [freq_bins, time_frames]
    # processing with columns = time frames, which we implement here.
    B, C, F, T = x.shape
    mag = x[:, 0]  # [B, F, T]
    # --- extract_f0, vectorized over columns via top_k (SparseCore-friendly) ---
    # sequential argmax-with-suppression over column[1:] is equivalent to
    # taking the top MAX_PEAKS values (sorted descending) and keeping the
    # prefix whose values exceed MAX_POWER (loop breaks at first failure).
    cols = jnp.swapaxes(mag[:, 1:, :], 1, 2)  # [B, T, F-1]
    vals, idxs = jax.lax.top_k(cols, MAX_PEAKS)
    idxs = idxs + 1  # offset for the column[1:] slice
    valid = vals > MAX_POWER  # descending values -> prefix of Trues
    nvalid = jnp.where(
        jnp.all(valid, axis=-1),
        MAX_PEAKS,
        jnp.argmin(valid.astype(jnp.int32), axis=-1),
    )  # [B, T]
    pos = jnp.arange(MAX_PEAKS)
    masked_idxs = jnp.where(pos[None, None, :] < nvalid[..., None], idxs, F)
    f0 = jnp.where(nvalid > 0, jnp.min(masked_idxs, axis=-1), 0)  # [B, T]
    # --- harmonic mask construction (last-write-wins, as in torch) ---
    # The python loop writes windows around i = m*f0 for m = 1..M with
    # i < F - (FREQ_MARGIN + 1); the last write at bin k comes from the
    # largest admissible multiple m = min(M, (k + FREQ_MARGIN) // f0).
    f0b = f0[:, None, None, :]  # [B, 1, 1, T]
    safe = jnp.maximum(f0b, 1)
    L = F - (FREQ_MARGIN + 1)
    M = (L - 1) // safe
    kk = jnp.arange(F)[None, None, :, None]  # [1, 1, F, 1]
    m = jnp.minimum(M, (kk + FREQ_MARGIN) // safe)
    i = m * f0b
    d = jnp.abs(kk - i)
    cover = (f0b > 0) & (m >= 1) & (d <= FREQ_MARGIN)
    table = jnp.asarray(
        [max(1.0 - 0.5 * (dd / FREQ_MARGIN), 0.5) for dd in range(FREQ_MARGIN + 1)],
        dtype=jnp.float32,
    )
    val = table[jnp.minimum(d, FREQ_MARGIN)]
    out = jnp.where(cover, val, jnp.float32(0.5))  # [B, 1, F, T]
    return out


def reference(x):
    mask = _compute_binmask(x)
    # torch.where(binmasks == 0, 0.5, binmasks)  (no-op since init is 0.5, kept for fidelity)
    mask = jnp.where(mask == 0, jnp.float32(0.5), mask)
    return mask

if __name__ == "__main__":
    import jax
    _d = setup_inputs()
    print(jax.jit(kernel)(*tuple(_d.values())))

</pallas_src>

<mosaic_0001>
#map = affine_map<(d0, d1) -> (0, 0, 0)>
#map1 = affine_map<(d0, d1) -> (0, 0, 0, 0)>
module attributes {stable_mosaic.version = 14 : i64} {
  func.func @_sc_body(%arg0: i32, %arg1: i32, %arg2: memref<2x1032x256xf32, #tpu.memory_space<hbm>>, %arg3: memref<2x1x1025x256xf32, #tpu.memory_space<hbm>>, %arg4: memref<1025x16xf32, #tpu.memory_space<vmem>>, %arg5: memref<64x16xf32, #tpu.memory_space<vmem>>, %arg6: memref<!tpu.dma_semaphore, #tpu.memory_space<semaphore_mem>>) attributes {dimension_semantics = [#tpu.dimension_semantics<core_parallel>, #tpu.dimension_semantics<subcore_parallel>], iteration_bounds = array<i64: 2, 16>, scalar_prefetch = 0 : i64, scratch_operands = 3 : i64, tpu.core_type = #tpu.core_type<sc_vector_subcore>, window_params = [{transform_indices = #map}, {transform_indices = #map1}]} {
    %mul3A = arith.constant 16 : i32
    %mul3A_0 = arith.muli %arg1, %mul3A : i32
    %dma_start3A = arith.constant 0 : i32
    %dma_start3A_1 = tpu.memref_slice %arg2[%arg0, %dma_start3A, %mul3A_0] : memref<2x1032x256xf32, #tpu.memory_space<hbm>> -> memref<1x1025x16xf32, #tpu.memory_space<hbm>>
    %dma_start3A_2 = tpu.memref_squeeze %dma_start3A_1 : memref<1x1025x16xf32, #tpu.memory_space<hbm>> -> memref<1025x16xf32, #tpu.memory_space<hbm>>
    %dma_start3A_3 = arith.constant 0 : i32
    %dma_start3A_4 = tpu.memref_slice %arg2[%arg0, %dma_start3A_3, %mul3A_0] : memref<2x1032x256xf32, #tpu.memory_space<hbm>> -> memref<1x1025x16xf32, #tpu.memory_space<hbm>>
    %dma_start3A_5 = tpu.memref_squeeze %dma_start3A_4 : memref<1x1025x16xf32, #tpu.memory_space<hbm>> -> memref<1025x16xf32, #tpu.memory_space<hbm>>
    tpu.enqueue_dma source(%dma_start3A_5 : memref<1025x16xf32, #tpu.memory_space<hbm>>) target(%arg4 : memref<1025x16xf32, #tpu.memory_space<vmem>>) target_semaphore(%arg6 : memref<!tpu.dma_semaphore, #tpu.memory_space<semaphore_mem>>)
    %dma_wait3A = arith.constant 0 : i32
    %dma_wait3A_6 = tpu.memref_slice %arg2[%arg0, %dma_wait3A, %mul3A_0] : memref<2x1032x256xf32, #tpu.memory_space<hbm>> -> memref<1x1025x16xf32, #tpu.memory_space<hbm>>
    %dma_wait3A_7 = tpu.memref_squeeze %dma_wait3A_6 : memref<1x1025x16xf32, #tpu.memory_space<hbm>> -> memref<1025x16xf32, #tpu.memory_space<hbm>>
    %dma_wait3A_8 = arith.constant 0 : i32
    %dma_wait3A_9 = tpu.memref_slice %arg2[%arg0, %dma_wait3A_8, %mul3A_0] : memref<2x1032x256xf32, #tpu.memory_space<hbm>> -> memref<1x1025x16xf32, #tpu.memory_space<hbm>>
    %dma_wait3A_10 = tpu.memref_squeeze %dma_wait3A_9 : memref<1x1025x16xf32, #tpu.memory_space<hbm>> -> memref<1025x16xf32, #tpu.memory_space<hbm>>
    tpu.wait_dma2 semaphore(%arg6 : memref<!tpu.dma_semaphore, #tpu.memory_space<semaphore_mem>>) src(%dma_wait3A_10 : memref<1025x16xf32, #tpu.memory_space<hbm>>) dst(%arg4 : memref<1025x16xf32, #tpu.memory_space<vmem>>)
    %iota3A = tpu.iota {dimensions = array<i32: 0>} : vector<16xi32>
    %broadcast_in_dim3A = arith.constant 0xFF800000 : f32
    %broadcast_in_dim3A_11 = vector.broadcast %broadcast_in_dim3A : f32 to vector<16xf32>
    %broadcast_in_dim3A_12 = arith.constant 0 : i32
    %broadcast_in_dim3A_13 = vector.broadcast %broadcast_in_dim3A_12 : i32 to vector<16xi32>
    %scan3A = arith.constant 0 : i32
    %scan3A_14 = arith.constant 0 : i32
    %scan3A_15 = arith.constant 64 : i32
    %scan3A_16 = arith.addi %scan3A_14, %scan3A_15 : i32
    %scan3A_17 = arith.constant 2 : i32
    %scan3A_18 = scf.for %scan3A_1491 = %scan3A_14 to %scan3A_16 step %scan3A_17 iter_args(%scan3A_1492 = %scan3A) -> (i32)  : i32 {
      %mul3A_1493 = arith.constant 16 : i32
      %mul3A_1494 = arith.muli %scan3A_1491, %mul3A_1493 : i32
      %add3A_1495 = arith.constant 1 : i32
      %add3A_1496 = arith.addi %add3A_1495, %mul3A_1494 : i32
      %get3A = arith.index_cast %add3A_1496 : i32 to index
      %get3A_1497 = arith.constant 0 : index
      %get3A_1498 = tpu.vector_load %arg4[%get3A, %get3A_1497] {strides = array<i32>} : memref<1025x16xf32, #tpu.memory_space<vmem>>, vector<16xf32>,
      %add3A_1499 = arith.constant 1 : i32
      %add3A_1500 = arith.addi %add3A_1496, %add3A_1499 : i32
      %get3A_1501 = arith.index_cast %add3A_1500 : i32 to index
      %get3A_1502 = arith.constant 0 : index
      %get3A_1503 = tpu.vector_load %arg4[%get3A_1501, %get3A_1502] {strides = array<i32>} : memref<1025x16xf32, #tpu.memory_space<vmem>>, vector<16xf32>,
      %max3A_1504 = arith.maximumf %get3A_1498, %get3A_1503 : vector<16xf32>
      %add3A_1505 = arith.constant 2 : i32
      %add3A_1506 = arith.addi %add3A_1496, %add3A_1505 : i32
      %get3A_1507 = arith.index_cast %add3A_1506 : i32 to index
      %get3A_1508 = arith.constant 0 : index
      %get3A_1509 = tpu.vector_load %arg4[%get3A_1507, %get3A_1508] {strides = array<i32>} : memref<1025x16xf32, #tpu.memory_space<vmem>>, vector<16xf32>,
      %max3A_1510 = arith.maximumf %max3A_1504, %get3A_1509 : vector<16xf32>
      %add3A_1511 = arith.constant 3 : i32
      %add3A_1512 = arith.addi %add3A_1496, %add3A_1511 : i32
      %get3A_1513 = arith.index_cast %add3A_1512 : i32 to index
      %get3A_1514 = arith.constant 0 : index
      %get3A_1515 = tpu.vector_load %arg4[%get3A_1513, %get3A_1514] {strides = array<i32>} : memref<1025x16xf32, #tpu.memory_space<vmem>>, vector<16xf32>,
      %max3A_1516 = arith.maximumf %max3A_1510, %get3A_1515 : vector<16xf32>
      %add3A_1517 = arith.constant 4 : i32
      %add3A_1518 = arith.addi %add3A_1496, %add3A_1517 : i32
      %get3A_1519 = arith.index_cast %add3A_1518 : i32 to index
      %get3A_1520 = arith.constant 0 : index
      %get3A_1521 = tpu.vector_load %arg4[%get3A_1519, %get3A_1520] {strides = array<i32>} : memref<1025x16xf32, #tpu.memory_space<vmem>>, vector<16xf32>,
      %max3A_1522 = arith.maximumf %max3A_1516, %get3A_1521 : vector<16xf32>
      %add3A_1523 = arith.constant 5 : i32
      %add3A_1524 = arith.addi %add3A_1496, %add3A_1523 : i32
      %get3A_1525 = arith.index_cast %add3A_1524 : i32 to index
      %get3A_1526 = arith.constant 0 : index
      %get3A_1527 = tpu.vector_load %arg4[%get3A_1525, %get3A_1526] {strides = array<i32>} : memref<1025x16xf32, #tpu.memory_space<vmem>>, vector<16xf32>,
      %max3A_1528 = arith.maximumf %max3A_1522, %get3A_1527 : vector<16xf32>
      %add3A_1529 = arith.constant 6 : i32
      %add3A_1530 = arith.addi %add3A_1496, %add3A_1529 : i32
      %get3A_1531 = arith.index_cast %add3A_1530 : i32 to index
      %get3A_1532 = arith.constant 0 : index
      %get3A_1533 = tpu.vector_load %arg4[%get3A_1531, %get3A_1532] {strides = array<i32>} : memref<1025x16xf32, #tpu.memory_space<vmem>>, vector<16xf32>,
      %max3A_1534 = arith.maximumf %max3A_1528, %get3A_1533 : vector<16xf32>
      %add3A_1535 = arith.constant 7 : i32
      %add3A_1536 = arith.addi %add3A_1496, %add3A_1535 : i32
      %get3A_1537 = arith.index_cast %add3A_1536 : i32 to index
      %get3A_1538 = arith.constant 0 : index
      %get3A_1539 = tpu.vector_load %arg4[%get3A_1537, %get3A_1538] {strides = array<i32>} : memref<1025x16xf32, #tpu.memory_space<vmem>>, vector<16xf32>,
      %max3A_1540 = arith.maximumf %max3A_1534, %get3A_1539 : vector<16xf32>
      %add3A_1541 = arith.constant 8 : i32
      %add3A_1542 = arith.addi %add3A_1496, %add3A_1541 : i32
      %get3A_1543 = arith.index_cast %add3A_1542 : i32 to index
      %get3A_1544 = arith.constant 0 : index
      %get3A_1545 = tpu.vector_load %arg4[%get3A_1543, %get3A_1544] {strides = array<i32>} : memref<1025x16xf32, #tpu.memory_space<vmem>>, vector<16xf32>,
      %max3A_1546 = arith.maximumf %max3A_1540, %get3A_1545 : vector<16xf32>
      %add3A_1547 = arith.constant 9 : i32
      %add3A_1548 = arith.addi %add3A_1496, %add3A_1547 : i32
      %get3A_1549 = arith.index_cast %add3A_1548 : i32 to index
      %get3A_1550 = arith.constant 0 : index
      %get3A_1551 = tpu.vector_load %arg4[%get3A_1549, %get3A_1550] {strides = array<i32>} : memref<1025x16xf32, #tpu.memory_space<vmem>>, vector<16xf32>,
      %max3A_1552 = arith.maximumf %max3A_1546, %get3A_1551 : vector<16xf32>
      %add3A_1553 = arith.constant 10 : i32
      %add3A_1554 = arith.addi %add3A_1496, %add3A_1553 : i32
      %get3A_1555 = arith.index_cast %add3A_1554 : i32 to index
      %get3A_1556 = arith.constant 0 : index
      %get3A_1557 = tpu.vector_load %arg4[%get3A_1555, %get3A_1556] {strides = array<i32>} : memref<1025x16xf32, #tpu.memory_space<vmem>>, vector<16xf32>,
      %max3A_1558 = arith.maximumf %max3A_1552, %get3A_1557 : vector<16xf32>
      %add3A_1559 = arith.constant 11 : i32
      %add3A_1560 = arith.addi %add3A_1496, %add3A_1559 : i32
      %get3A_1561 = arith.index_cast %add3A_1560 : i32 to index
      %get3A_1562 = arith.constant 0 : index
      %get3A_1563 = tpu.vector_load %arg4[%get3A_1561, %get3A_1562] {strides = array<i32>} : memref<1025x16xf32, #tpu.memory_space<vmem>>, vector<16xf32>,
      %max3A_1564 = arith.maximumf %max3A_1558, %get3A_1563 : vector<16xf32>
      %add3A_1565 = arith.constant 12 : i32
      %add3A_1566 = arith.addi %add3A_1496, %add3A_1565 : i32
      %get3A_1567 = arith.index_cast %add3A_1566 : i32 to index
      %get3A_1568 = arith.constant 0 : index
      %get3A_1569 = tpu.vector_load %arg4[%get3A_1567, %get3A_1568] {strides = array<i32>} : memref<1025x16xf32, #tpu.memory_space<vmem>>, vector<16xf32>,
      %max3A_1570 = arith.maximumf %max3A_1564, %get3A_1569 : vector<16xf32>
      %add3A_1571 = arith.constant 13 : i32
      %add3A_1572 = arith.addi %add3A_1496, %add3A_1571 : i32
      %get3A_1573 = arith.index_cast %add3A_1572 : i32 to index
      %get3A_1574 = arith.constant 0 : index
      %get3A_1575 = tpu.vector_load %arg4[%get3A_1573, %get3A_1574] {strides = array<i32>} : memref<1025x16xf32, #tpu.memory_space<vmem>>, vector<16xf32>,
      %max3A_1576 = arith.maximumf %max3A_1570, %get3A_1575 : vector<16xf32>
      %add3A_1577 = arith.constant 14 : i32
      %add3A_1578 = arith.addi %add3A_1496, %add3A_1577 : i32
      %get3A_1579 = arith.index_cast %add3A_1578 : i32 to index
      %get3A_1580 = arith.constant 0 : index
      %get3A_1581 = tpu.vector_load %arg4[%get3A_1579, %get3A_1580] {strides = array<i32>} : memref<1025x16xf32, #tpu.memory_space<vmem>>, vector<16xf32>,
      %max3A_1582 = arith.maximumf %max3A_1576, %get3A_1581 : vector<16xf32>
      %add3A_1583 = arith.constant 15 : i32
      %add3A_1584 = arith.addi %add3A_1496, %add3A_1583 : i32
      %get3A_1585 = arith.index_cast %add3A_1584 : i32 to index
      %get3A_1586 = arith.constant 0 : index
      %get3A_1587 = tpu.vector_load %arg4[%get3A_1585, %get3A_1586] {strides = array<i32>} : memref<1025x16xf32, #tpu.memory_space<vmem>>, vector<16xf32>,
      %max3A_1588 = arith.maximumf %max3A_1582, %get3A_1587 : vector<16xf32>
      %swap3A_1589 = arith.index_cast %scan3A_1491 : i32 to index
      %swap3A_1590 = arith.constant 0 : index
      %swap3A_1591 = tpu.vector_load %arg5[%swap3A_1589, %swap3A_1590] {strides = array<i32>} : memref<64x16xf32, #tpu.memory_space<vmem>>, vector<16xf32>,
      tpu.vector_store %arg5[%swap3A_1589, %swap3A_1590], %max3A_1588 {strides = array<i32>} : memref<64x16xf32, #tpu.memory_space<vmem>>, vector<16xf32>,
      %scan3A_1592 = arith.constant 0 : i32
      %scan3A_1593 = arith.constant 1 : i32
      %scan3A_1594 = arith.addi %scan3A_1491, %scan3A_1593 : i32
      %mul3A_1595 = arith.constant 16 : i32
      %mul3A_1596 = arith.muli %scan3A_1594, %mul3A_1595 : i32
      %add3A_1597 = arith.constant 1 : i32
      %add3A_1598 = arith.addi %add3A_1597, %mul3A_1596 : i32
      %get3A_1599 = arith.index_cast %add3A_1598 : i32 to index
      %get3A_1600 = arith.constant 0 : index
      %get3A_1601 = tpu.vector_load %arg4[%get3A_1599, %get3A_1600] {strides = array<i32>} : memref<1025x16xf32, #tpu.memory_space<vmem>>, vector<16xf32>,
      %add3A_1602 = arith.constant 1 : i32
      %add3A_1603 = arith.addi %add3A_1598, %add3A_1602 : i32
      %get3A_1604 = arith.index_cast %add3A_1603 : i32 to index
      %get3A_1605 = arith.constant 0 : index
      %get3A_1606 = tpu.vector_load %arg4[%get3A_1604, %get3A_1605] {strides = array<i32>} : memref<1025x16xf32, #tpu.memory_space<vmem>>, vector<16xf32>,
      %max3A_1607 = arith.maximumf %get3A_1601, %get3A_1606 : vector<16xf32>
      %add3A_1608 = arith.constant 2 : i32
      %add3A_1609 = arith.addi %add3A_1598, %add3A_1608 : i32
      %get3A_1610 = arith.index_cast %add3A_1609 : i32 to index
      %get3A_1611 = arith.constant 0 : index
      %get3A_1612 = tpu.vector_load %arg4[%get3A_1610, %get3A_1611] {strides = array<i32>} : memref<1025x16xf32, #tpu.memory_space<vmem>>, vector<16xf32>,
      %max3A_1613 = arith.maximumf %max3A_1607, %get3A_1612 : vector<16xf32>
      %add3A_1614 = arith.constant 3 : i32
      %add3A_1615 = arith.addi %add3A_1598, %add3A_1614 : i32
      %get3A_1616 = arith.index_cast %add3A_1615 : i32 to index
      %get3A_1617 = arith.constant 0 : index
      %get3A_1618 = tpu.vector_load %arg4[%get3A_1616, %get3A_1617] {strides = array<i32>} : memref<1025x16xf32, #tpu.memory_space<vmem>>, vector<16xf32>,
      %max3A_1619 = arith.maximumf %max3A_1613, %get3A_1618 : vector<16xf32>
      %add3A_1620 = arith.constant 4 : i32
      %add3A_1621 = arith.addi %add3A_1598, %add3A_1620 : i32
      %get3A_1622 = arith.index_cast %add3A_1621 : i32 to index
      %get3A_1623 = arith.constant 0 : index
      %get3A_1624 = tpu.vector_load %arg4[%get3A_1622, %get3A_1623] {strides = array<i32>} : memref<1025x16xf32, #tpu.memory_space<vmem>>, vector<16xf32>,
      %max3A_1625 = arith.maximumf %max3A_1619, %get3A_1624 : vector<16xf32>
      %add3A_1626 = arith.constant 5 : i32
      %add3A_1627 = arith.addi %add3A_1598, %add3A_1626 : i32
      %get3A_1628 = arith.index_cast %add3A_1627 : i32 to index
      %get3A_1629 = arith.constant 0 : index
      %get3A_1630 = tpu.vector_load %arg4[%get3A_1628, %get3A_1629] {strides = array<i32>} : memref<1025x16xf32, #tpu.memory_space<vmem>>, vector<16xf32>,
      %max3A_1631 = arith.maximumf %max3A_1625, %get3A_1630 : vector<16xf32>
      %add3A_1632 = arith.constant 6 : i32
      %add3A_1633 = arith.addi %add3A_1598, %add3A_1632 : i32
      %get3A_1634 = arith.index_cast %add3A_1633 : i32 to index
      %get3A_1635 = arith.constant 0 : index
      %get3A_1636 = tpu.vector_load %arg4[%get3A_1634, %get3A_1635] {strides = array<i32>} : memref<1025x16xf32, #tpu.memory_space<vmem>>, vector<16xf32>,
      %max3A_1637 = arith.maximumf %max3A_1631, %get3A_1636 : vector<16xf32>
      %add3A_1638 = arith.constant 7 : i32
      %add3A_1639 = arith.addi %add3A_1598, %add3A_1638 : i32
      %get3A_1640 = arith.index_cast %add3A_1639 : i32 to index
      %get3A_1641 = arith.constant 0 : index
      %get3A_1642 = tpu.vector_load %arg4[%get3A_1640, %get3A_1641] {strides = array<i32>} : memref<1025x16xf32, #tpu.memory_space<vmem>>, vector<16xf32>,
      %max3A_1643 = arith.maximumf %max3A_1637, %get3A_1642 : vector<16xf32>
      %add3A_1644 = arith.constant 8 : i32
      %add3A_1645 = arith.addi %add3A_1598, %add3A_1644 : i32
      %get3A_1646 = arith.index_cast %add3A_1645 : i32 to index
      %get3A_1647 = arith.constant 0 : index
      %get3A_1648 = tpu.vector_load %arg4[%get3A_1646, %get3A_1647] {strides = array<i32>} : memref<1025x16xf32, #tpu.memory_space<vmem>>, vector<16xf32>,
      %max3A_1649 = arith.maximumf %max3A_1643, %get3A_1648 : vector<16xf32>
      %add3A_1650 = arith.constant 9 : i32
      %add3A_1651 = arith.addi %add3A_1598, %add3A_1650 : i32
      %get3A_1652 = arith.index_cast %add3A_1651 : i32 to index
      %get3A_1653 = arith.constant 0 : index
      %get3A_1654 = tpu.vector_load %arg4[%get3A_1652, %get3A_1653] {strides = array<i32>} : memref<1025x16xf32, #tpu.memory_space<vmem>>, vector<16xf32>,
      %max3A_1655 = arith.maximumf %max3A_1649, %get3A_1654 : vector<16xf32>
      %add3A_1656 = arith.constant 10 : i32
      %add3A_1657 = arith.addi %add3A_1598, %add3A_1656 : i32
      %get3A_1658 = arith.index_cast %add3A_1657 : i32 to index
      %get3A_1659 = arith.constant 0 : index
      %get3A_1660 = tpu.vector_load %arg4[%get3A_1658, %get3A_1659] {strides = array<i32>} : memref<1025x16xf32, #tpu.memory_space<vmem>>, vector<16xf32>,
      %max3A_1661 = arith.maximumf %max3A_1655, %get3A_1660 : vector<16xf32>
      %add3A_1662 = arith.constant 11 : i32
      %add3A_1663 = arith.addi %add3A_1598, %add3A_1662 : i32
      %get3A_1664 = arith.index_cast %add3A_1663 : i32 to index
      %get3A_1665 = arith.constant 0 : index
      %get3A_1666 = tpu.vector_load %arg4[%get3A_1664, %get3A_1665] {strides = array<i32>} : memref<1025x16xf32, #tpu.memory_space<vmem>>, vector<16xf32>,
      %max3A_1667 = arith.maximumf %max3A_1661, %get3A_1666 : vector<16xf32>
      %add3A_1668 = arith.constant 12 : i32
      %add3A_1669 = arith.addi %add3A_1598, %add3A_1668 : i32
      %get3A_1670 = arith.index_cast %add3A_1669 : i32 to index
      %get3A_1671 = arith.constant 0 : index
      %get3A_1672 = tpu.vector_load %arg4[%get3A_1670, %get3A_1671] {strides = array<i32>} : memref<1025x16xf32, #tpu.memory_space<vmem>>, vector<16xf32>,
      %max3A_1673 = arith.maximumf %max3A_1667, %get3A_1672 : vector<16xf32>
      %add3A_1674 = arith.constant 13 : i32
      %add3A_1675 = arith.addi %add3A_1598, %add3A_1674 : i32
      %get3A_1676 = arith.index_cast %add3A_1675 : i32 to index
      %get3A_1677 = arith.constant 0 : index
      %get3A_1678 = tpu.vector_load %arg4[%get3A_1676, %get3A_1677] {strides = array<i32>} : memref<1025x16xf32, #tpu.memory_space<vmem>>, vector<16xf32>,
      %max3A_1679 = arith.maximumf %max3A_1673, %get3A_1678 : vector<16xf32>
      %add3A_1680 = arith.constant 14 : i32
      %add3A_1681 = arith.addi %add3A_1598, %add3A_1680 : i32
      %get3A_1682 = arith.index_cast %add3A_1681 : i32 to index
      %get3A_1683 = arith.constant 0 : index
      %get3A_1684 = tpu.vector_load %arg4[%get3A_1682, %get3A_1683] {strides = array<i32>} : memref<1025x16xf32, #tpu.memory_space<vmem>>, vector<16xf32>,
      %max3A_1685 = arith.maximumf %max3A_1679, %get3A_1684 : vector<16xf32>
      %add3A_1686 = arith.constant 15 : i32
      %add3A_1687 = arith.addi %add3A_1598, %add3A_1686 : i32
      %get3A_1688 = arith.index_cast %add3A_1687 : i32 to index
      %get3A_1689 = arith.constant 0 : index
      %get3A_1690 = tpu.vector_load %arg4[%get3A_1688, %get3A_1689] {strides = array<i32>} : memref<1025x16xf32, #tpu.memory_space<vmem>>, vector<16xf32>,
      %max3A_1691 = arith.maximumf %max3A_1685, %get3A_1690 : vector<16xf32>
      %swap3A_1692 = arith.index_cast %scan3A_1594 : i32 to index
      %swap3A_1693 = arith.constant 0 : index
      %swap3A_1694 = tpu.vector_load %arg5[%swap3A_1692, %swap3A_1693] {strides = array<i32>} : memref<64x16xf32, #tpu.memory_space<vmem>>, vector<16xf32>,
      tpu.vector_store %arg5[%swap3A_1692, %swap3A_1693], %max3A_1691 {strides = array<i32>} : memref<64x16xf32, #tpu.memory_space<vmem>>, vector<16xf32>,
      %scan3A_1695 = arith.constant 0 : i32
      scf.yield %scan3A_1695 : i32
    }
    %scan3A_19 = arith.constant 64 : i32
    %scan3A_20 = arith.constant 0 : i32
    %scan3A_21 = arith.constant 64 : i32
    %scan3A_22 = arith.addi %scan3A_20, %scan3A_21 : i32
    %scan3A_23 = arith.constant 2 : i32
    %scan3A_24:10 = scf.for %scan3A_1491 = %scan3A_20 to %scan3A_22 step %scan3A_23 iter_args(%scan3A_1492 = %broadcast_in_dim3A_11, %scan3A_1493 = %broadcast_in_dim3A_11, %scan3A_1494 = %broadcast_in_dim3A_11, %scan3A_1495 = %broadcast_in_dim3A_11, %scan3A_1496 = %broadcast_in_dim3A_11, %scan3A_1497 = %broadcast_in_dim3A_13, %scan3A_1498 = %broadcast_in_dim3A_13, %scan3A_1499 = %broadcast_in_dim3A_13, %scan3A_1500 = %broadcast_in_dim3A_13, %scan3A_1501 = %broadcast_in_dim3A_13) -> (vector<16xf32>, vector<16xf32>, vector<16xf32>, vector<16xf32>, vector<16xf32>, vector<16xi32>, vector<16xi32>, vector<16xi32>, vector<16xi32>, vector<16xi32>)  : i32 {
      %get3A = arith.index_cast %scan3A_1491 : i32 to index
      %get3A_1502 = arith.constant 0 : index
      %get3A_1503 = tpu.vector_load %arg5[%get3A, %get3A_1502] {strides = array<i32>} : memref<64x16xf32, #tpu.memory_space<vmem>>, vector<16xf32>,
      %broadcast_in_dim3A_1504 = vector.broadcast %scan3A_1491 : i32 to vector<16xi32>
      %gt3A_1505 = arith.cmpf ogt, %get3A_1503, %scan3A_1492 : vector<16xf32>
      %select_n3A_1506 = arith.select %gt3A_1505, %get3A_1503, %scan3A_1492 : vector<16xi1>, vector<16xf32>
      %select_n3A_1507 = arith.select %gt3A_1505, %broadcast_in_dim3A_1504, %scan3A_1497 : vector<16xi1>, vector<16xi32>
      %select_n3A_1508 = arith.select %gt3A_1505, %scan3A_1492, %get3A_1503 : vector<16xi1>, vector<16xf32>
      %select_n3A_1509 = arith.select %gt3A_1505, %scan3A_1497, %broadcast_in_dim3A_1504 : vector<16xi1>, vector<16xi32>
      %gt3A_1510 = arith.cmpf ogt, %select_n3A_1508, %scan3A_1493 : vector<16xf32>
      %select_n3A_1511 = arith.select %gt3A_1510, %select_n3A_1508, %scan3A_1493 : vector<16xi1>, vector<16xf32>
      %select_n3A_1512 = arith.select %gt3A_1510, %select_n3A_1509, %scan3A_1498 : vector<16xi1>, vector<16xi32>
      %select_n3A_1513 = arith.select %gt3A_1510, %scan3A_1493, %select_n3A_1508 : vector<16xi1>, vector<16xf32>
      %select_n3A_1514 = arith.select %gt3A_1510, %scan3A_1498, %select_n3A_1509 : vector<16xi1>, vector<16xi32>
      %gt3A_1515 = arith.cmpf ogt, %select_n3A_1513, %scan3A_1494 : vector<16xf32>
      %select_n3A_1516 = arith.select %gt3A_1515, %select_n3A_1513, %scan3A_1494 : vector<16xi1>, vector<16xf32>
      %select_n3A_1517 = arith.select %gt3A_1515, %select_n3A_1514, %scan3A_1499 : vector<16xi1>, vector<16xi32>
      %select_n3A_1518 = arith.select %gt3A_1515, %scan3A_1494, %select_n3A_1513 : vector<16xi1>, vector<16xf32>
      %select_n3A_1519 = arith.select %gt3A_1515, %scan3A_1499, %select_n3A_1514 : vector<16xi1>, vector<16xi32>
      %gt3A_1520 = arith.cmpf ogt, %select_n3A_1518, %scan3A_1495 : vector<16xf32>
      %select_n3A_1521 = arith.select %gt3A_1520, %select_n3A_1518, %scan3A_1495 : vector<16xi1>, vector<16xf32>
      %select_n3A_1522 = arith.select %gt3A_1520, %select_n3A_1519, %scan3A_1500 : vector<16xi1>, vector<16xi32>
      %select_n3A_1523 = arith.select %gt3A_1520, %scan3A_1495, %select_n3A_1518 : vector<16xi1>, vector<16xf32>
      %select_n3A_1524 = arith.select %gt3A_1520, %scan3A_1500, %select_n3A_1519 : vector<16xi1>, vector<16xi32>
      %gt3A_1525 = arith.cmpf ogt, %select_n3A_1523, %scan3A_1496 : vector<16xf32>
      %select_n3A_1526 = arith.select %gt3A_1525, %select_n3A_1523, %scan3A_1496 : vector<16xi1>, vector<16xf32>
      %select_n3A_1527 = arith.select %gt3A_1525, %select_n3A_1524, %scan3A_1501 : vector<16xi1>, vector<16xi32>
      %select_n3A_1528 = arith.select %gt3A_1525, %scan3A_1496, %select_n3A_1523 : vector<16xi1>, vector<16xf32>
      %select_n3A_1529 = arith.select %gt3A_1525, %scan3A_1501, %select_n3A_1524 : vector<16xi1>, vector<16xi32>
      %scan3A_1530 = arith.constant 1 : i32
      %scan3A_1531 = arith.addi %scan3A_1491, %scan3A_1530 : i32
      %get3A_1532 = arith.index_cast %scan3A_1531 : i32 to index
      %get3A_1533 = arith.constant 0 : index
      %get3A_1534 = tpu.vector_load %arg5[%get3A_1532, %get3A_1533] {strides = array<i32>} : memref<64x16xf32, #tpu.memory_space<vmem>>, vector<16xf32>,
      %broadcast_in_dim3A_1535 = vector.broadcast %scan3A_1531 : i32 to vector<16xi32>
      %gt3A_1536 = arith.cmpf ogt, %get3A_1534, %select_n3A_1506 : vector<16xf32>
      %select_n3A_1537 = arith.select %gt3A_1536, %get3A_1534, %select_n3A_1506 : vector<16xi1>, vector<16xf32>
      %select_n3A_1538 = arith.select %gt3A_1536, %broadcast_in_dim3A_1535, %select_n3A_1507 : vector<16xi1>, vector<16xi32>
      %select_n3A_1539 = arith.select %gt3A_1536, %select_n3A_1506, %get3A_1534 : vector<16xi1>, vector<16xf32>
      %select_n3A_1540 = arith.select %gt3A_1536, %select_n3A_1507, %broadcast_in_dim3A_1535 : vector<16xi1>, vector<16xi32>
      %gt3A_1541 = arith.cmpf ogt, %select_n3A_1539, %select_n3A_1511 : vector<16xf32>
      %select_n3A_1542 = arith.select %gt3A_1541, %select_n3A_1539, %select_n3A_1511 : vector<16xi1>, vector<16xf32>
      %select_n3A_1543 = arith.select %gt3A_1541, %select_n3A_1540, %select_n3A_1512 : vector<16xi1>, vector<16xi32>
      %select_n3A_1544 = arith.select %gt3A_1541, %select_n3A_1511, %select_n3A_1539 : vector<16xi1>, vector<16xf32>
      %select_n3A_1545 = arith.select %gt3A_1541, %select_n3A_1512, %select_n3A_1540 : vector<16xi1>, vector<16xi32>
      %gt3A_1546 = arith.cmpf ogt, %select_n3A_1544, %select_n3A_1516 : vector<16xf32>
      %select_n3A_1547 = arith.select %gt3A_1546, %select_n3A_1544, %select_n3A_1516 : vector<16xi1>, vector<16xf32>
      %select_n3A_1548 = arith.select %gt3A_1546, %select_n3A_1545, %select_n3A_1517 : vector<16xi1>, vector<16xi32>
      %select_n3A_1549 = arith.select %gt3A_1546, %select_n3A_1516, %select_n3A_1544 : vector<16xi1>, vector<16xf32>
      %select_n3A_1550 = arith.select %gt3A_1546, %select_n3A_1517, %select_n3A_1545 : vector<16xi1>, vector<16xi32>
      %gt3A_1551 = arith.cmpf ogt, %select_n3A_1549, %select_n3A_1521 : vector<16xf32>
      %select_n3A_1552 = arith.select %gt3A_1551, %select_n3A_1549, %select_n3A_1521 : vector<16xi1>, vector<16xf32>
      %select_n3A_1553 = arith.select %gt3A_1551, %select_n3A_1550, %select_n3A_1522 : vector<16xi1>, vector<16xi32>
      %select_n3A_1554 = arith.select %gt3A_1551, %select_n3A_1521, %select_n3A_1549 : vector<16xi1>, vector<16xf32>
      %select_n3A_1555 = arith.select %gt3A_1551, %select_n3A_1522, %select_n3A_1550 : vector<16xi1>, vector<16xi32>
      %gt3A_1556 = arith.cmpf ogt, %select_n3A_1554, %select_n3A_1526 : vector<16xf32>
      %select_n3A_1557 = arith.select %gt3A_1556, %select_n3A_1554, %select_n3A_1526 : vector<16xi1>, vector<16xf32>
      %select_n3A_1558 = arith.select %gt3A_1556, %select_n3A_1555, %select_n3A_1527 : vector<16xi1>, vector<16xi32>
      %select_n3A_1559 = arith.select %gt3A_1556, %select_n3A_1526, %select_n3A_1554 : vector<16xi1>, vector<16xf32>
      %select_n3A_1560 = arith.select %gt3A_1556, %select_n3A_1527, %select_n3A_1555 : vector<16xi1>, vector<16xi32>
      scf.yield %select_n3A_1537, %select_n3A_1542, %select_n3A_1547, %select_n3A_1552, %select_n3A_1557, %select_n3A_1538, %select_n3A_1543, %select_n3A_1548, %select_n3A_1553, %select_n3A_1558 : vector<16xf32>, vector<16xf32>, vector<16xf32>, vector<16xf32>, vector<16xf32>, vector<16xi32>, vector<16xi32>, vector<16xi32>, vector<16xi32>, vector<16xi32>
    }
    %scan3A_25 = arith.constant 64 : i32
    %mul3A_26 = arith.constant 16 : i32
    %mul3A_27 = vector.broadcast %mul3A_26 : i32 to vector<16xi32>
    %mul3A_28 = arith.muli %scan3A_24#5, %mul3A_27 : vector<16xi32>
    %add3A = arith.constant 1 : i32
    %add3A_29 = vector.broadcast %add3A : i32 to vector<16xi32>
    %add3A_30 = arith.addi %add3A_29, %mul3A_28 : vector<16xi32>
    %add3A_31 = arith.constant 0 : i32
    %add3A_32 = vector.broadcast %add3A_31 : i32 to vector<16xi32>
    %add3A_33 = arith.addi %add3A_30, %add3A_32 : vector<16xi32>
    %gather3A = tpu.vector_load_idx %arg4[%add3A_33, %iota3A] : memref<1025x16xf32, #tpu.memory_space<vmem>>[vector<16xi32>, vector<16xi32>], vector<16xf32>,
    %max3A = arith.maximumf %broadcast_in_dim3A_11, %gather3A : vector<16xf32>
    %min3A = arith.minimumf %broadcast_in_dim3A_11, %gather3A : vector<16xf32>
    %max3A_34 = arith.maximumf %broadcast_in_dim3A_11, %min3A : vector<16xf32>
    %min3A_35 = arith.minimumf %broadcast_in_dim3A_11, %min3A : vector<16xf32>
    %max3A_36 = arith.maximumf %broadcast_in_dim3A_11, %min3A_35 : vector<16xf32>
    %min3A_37 = arith.minimumf %broadcast_in_dim3A_11, %min3A_35 : vector<16xf32>
    %max3A_38 = arith.maximumf %broadcast_in_dim3A_11, %min3A_37 : vector<16xf32>
    %min3A_39 = arith.minimumf %broadcast_in_dim3A_11, %min3A_37 : vector<16xf32>
    %max3A_40 = arith.maximumf %broadcast_in_dim3A_11, %min3A_39 : vector<16xf32>
    %min3A_41 = arith.minimumf %broadcast_in_dim3A_11, %min3A_39 : vector<16xf32>
    %add3A_42 = arith.constant 1 : i32
    %add3A_43 = vector.broadcast %add3A_42 : i32 to vector<16xi32>
    %add3A_44 = arith.addi %add3A_30, %add3A_43 : vector<16xi32>
    %gather3A_45 = tpu.vector_load_idx %arg4[%add3A_44, %iota3A] : memref<1025x16xf32, #tpu.memory_space<vmem>>[vector<16xi32>, vector<16xi32>], vector<16xf32>,
    %max3A_46 = arith.maximumf %max3A, %gather3A_45 : vector<16xf32>
    %min3A_47 = arith.minimumf %max3A, %gather3A_45 : vector<16xf32>
    %max3A_48 = arith.maximumf %max3A_34, %min3A_47 : vector<16xf32>
    %min3A_49 = arith.minimumf %max3A_34, %min3A_47 : vector<16xf32>
    %max3A_50 = arith.maximumf %max3A_36, %min3A_49 : vector<16xf32>
    %min3A_51 = arith.minimumf %max3A_36, %min3A_49 : vector<16xf32>
    %max3A_52 = arith.maximumf %max3A_38, %min3A_51 : vector<16xf32>
    %min3A_53 = arith.minimumf %max3A_38, %min3A_51 : vector<16xf32>
    %max3A_54 = arith.maximumf %max3A_40, %min3A_53 : vector<16xf32>
    %min3A_55 = arith.minimumf %max3A_40, %min3A_53 : vector<16xf32>
    %add3A_56 = arith.constant 2 : i32
    %add3A_57 = vector.broadcast %add3A_56 : i32 to vector<16xi32>
    %add3A_58 = arith.addi %add3A_30, %add3A_57 : vector<16xi32>
    %gather3A_59 = tpu.vector_load_idx %arg4[%add3A_58, %iota3A] : memref<1025x16xf32, #tpu.memory_space<vmem>>[vector<16xi32>, vector<16xi32>], vector<16xf32>,
    %max3A_60 = arith.maximumf %max3A_46, %gather3A_59 : vector<16xf32>
    %min3A_61 = arith.minimumf %max3A_46, %gather3A_59 : vector<16xf32>
    %max3A_62 = arith.maximumf %max3A_48, %min3A_61 : vector<16xf32>
    %min3A_63 = arith.minimumf %max3A_48, %min3A_61 : vector<16xf32>
    %max3A_64 = arith.maximumf %max3A_50, %min3A_63 : vector<16xf32>
    %min3A_65 = arith.minimumf %max3A_50, %min3A_63 : vector<16xf32>
    %max3A_66 = arith.maximumf %max3A_52, %min3A_65 : vector<16xf32>
    %min3A_67 = arith.minimumf %max3A_52, %min3A_65 : vector<16xf32>
    %max3A_68 = arith.maximumf %max3A_54, %min3A_67 : vector<16xf32>
    %min3A_69 = arith.minimumf %max3A_54, %min3A_67 : vector<16xf32>
    %add3A_70 = arith.constant 3 : i32
    %add3A_71 = vector.broadcast %add3A_70 : i32 to vector<16xi32>
    %add3A_72 = arith.addi %add3A_30, %add3A_71 : vector<16xi32>
    %gather3A_73 = tpu.vector_load_idx %arg4[%add3A_72, %iota3A] : memref<1025x16xf32, #tpu.memory_space<vmem>>[vector<16xi32>, vector<16xi32>], vector<16xf32>,
    %max3A_74 = arith.maximumf %max3A_60, %gather3A_73 : vector<16xf32>
    %min3A_75 = arith.minimumf %max3A_60, %gather3A_73 : vector<16xf32>
    %max3A_76 = arith.maximumf %max3A_62, %min3A_75 : vector<16xf32>
    %min3A_77 = arith.minimumf %max3A_62, %min3A_75 : vector<16xf32>
    %max3A_78 = arith.maximumf %max3A_64, %min3A_77 : vector<16xf32>
    %min3A_79 = arith.minimumf %max3A_64, %min3A_77 : vector<16xf32>
    %max3A_80 = arith.maximumf %max3A_66, %min3A_79 : vector<16xf32>
    %min3A_81 = arith.minimumf %max3A_66, %min3A_79 : vector<16xf32>
    %max3A_82 = arith.maximumf %max3A_68, %min3A_81 : vector<16xf32>
    %min3A_83 = arith.minimumf %max3A_68, %min3A_81 : vector<16xf32>
    %add3A_84 = arith.constant 4 : i32
    %add3A_85 = vector.broadcast %add3A_84 : i32 to vector<16xi32>
    %add3A_86 = arith.addi %add3A_30, %add3A_85 : vector<16xi32>
    %gather3A_87 = tpu.vector_load_idx %arg4[%add3A_86, %iota3A] : memref<1025x16xf32, #tpu.memory_space<vmem>>[vector<16xi32>, vector<16xi32>], vector<16xf32>,
    %max3A_88 = arith.maximumf %max3A_74, %gather3A_87 : vector<16xf32>
    %min3A_89 = arith.minimumf %max3A_74, %gather3A_87 : vector<16xf32>
    %max3A_90 = arith.maximumf %max3A_76, %min3A_89 : vector<16xf32>
    %min3A_91 = arith.minimumf %max3A_76, %min3A_89 : vector<16xf32>
    %max3A_92 = arith.maximumf %max3A_78, %min3A_91 : vector<16xf32>
    %min3A_93 = arith.minimumf %max3A_78, %min3A_91 : vector<16xf32>
    %max3A_94 = arith.maximumf %max3A_80, %min3A_93 : vector<16xf32>
    %min3A_95 = arith.minimumf %max3A_80, %min3A_93 : vector<16xf32>
    %max3A_96 = arith.maximumf %max3A_82, %min3A_95 : vector<16xf32>
    %min3A_97 = arith.minimumf %max3A_82, %min3A_95 : vector<16xf32>
    %add3A_98 = arith.constant 5 : i32
    %add3A_99 = vector.broadcast %add3A_98 : i32 to vector<16xi32>
    %add3A_100 = arith.addi %add3A_30, %add3A_99 : vector<16xi32>
    %gather3A_101 = tpu.vector_load_idx %arg4[%add3A_100, %iota3A] : memref<1025x16xf32, #tpu.memory_space<vmem>>[vector<16xi32>, vector<16xi32>], vector<16xf32>,
    %max3A_102 = arith.maximumf %max3A_88, %gather3A_101 : vector<16xf32>
    %min3A_103 = arith.minimumf %max3A_88, %gather3A_101 : vector<16xf32>
    %max3A_104 = arith.maximumf %max3A_90, %min3A_103 : vector<16xf32>
    %min3A_105 = arith.minimumf %max3A_90, %min3A_103 : vector<16xf32>
    %max3A_106 = arith.maximumf %max3A_92, %min3A_105 : vector<16xf32>
    %min3A_107 = arith.minimumf %max3A_92, %min3A_105 : vector<16xf32>
    %max3A_108 = arith.maximumf %max3A_94, %min3A_107 : vector<16xf32>
    %min3A_109 = arith.minimumf %max3A_94, %min3A_107 : vector<16xf32>
    %max3A_110 = arith.maximumf %max3A_96, %min3A_109 : vector<16xf32>
    %min3A_111 = arith.minimumf %max3A_96, %min3A_109 : vector<16xf32>
    %add3A_112 = arith.constant 6 : i32
    %add3A_113 = vector.broadcast %add3A_112 : i32 to vector<16xi32>
    %add3A_114 = arith.addi %add3A_30, %add3A_113 : vector<16xi32>
    %gather3A_115 = tpu.vector_load_idx %arg4[%add3A_114, %iota3A] : memref<1025x16xf32, #tpu.memory_space<vmem>>[vector<16xi32>, vector<16xi32>], vector<16xf32>,
    %max3A_116 = arith.maximumf %max3A_102, %gather3A_115 : vector<16xf32>
    %min3A_117 = arith.minimumf %max3A_102, %gather3A_115 : vector<16xf32>
    %max3A_118 = arith.maximumf %max3A_104, %min3A_117 : vector<16xf32>
    %min3A_119 = arith.minimumf %max3A_104, %min3A_117 : vector<16xf32>
    %max3A_120 = arith.maximumf %max3A_106, %min3A_119 : vector<16xf32>
    %min3A_121 = arith.minimumf %max3A_106, %min3A_119 : vector<16xf32>
    %max3A_122 = arith.maximumf %max3A_108, %min3A_121 : vector<16xf32>
    %min3A_123 = arith.minimumf %max3A_108, %min3A_121 : vector<16xf32>
    %max3A_124 = arith.maximumf %max3A_110, %min3A_123 : vector<16xf32>
    %min3A_125 = arith.minimumf %max3A_110, %min3A_123 : vector<16xf32>
    %add3A_126 = arith.constant 7 : i32
    %add3A_127 = vector.broadcast %add3A_126 : i32 to vector<16xi32>
    %add3A_128 = arith.addi %add3A_30, %add3A_127 : vector<16xi32>
    %gather3A_129 = tpu.vector_load_idx %arg4[%add3A_128, %iota3A] : memref<1025x16xf32, #tpu.memory_space<vmem>>[vector<16xi32>, vector<16xi32>], vector<16xf32>,
    %max3A_130 = arith.maximumf %max3A_116, %gather3A_129 : vector<16xf32>
    %min3A_131 = arith.minimumf %max3A_116, %gather3A_129 : vector<16xf32>
    %max3A_132 = arith.maximumf %max3A_118, %min3A_131 : vector<16xf32>
    %min3A_133 = arith.minimumf %max3A_118, %min3A_131 : vector<16xf32>
    %max3A_134 = arith.maximumf %max3A_120, %min3A_133 : vector<16xf32>
    %min3A_135 = arith.minimumf %max3A_120, %min3A_133 : vector<16xf32>
    %max3A_136 = arith.maximumf %max3A_122, %min3A_135 : vector<16xf32>
    %min3A_137 = arith.minimumf %max3A_122, %min3A_135 : vector<16xf32>
    %max3A_138 = arith.maximumf %max3A_124, %min3A_137 : vector<16xf32>
    %min3A_139 = arith.minimumf %max3A_124, %min3A_137 : vector<16xf32>
    %add3A_140 = arith.constant 8 : i32
    %add3A_141 = vector.broadcast %add3A_140 : i32 to vector<16xi32>
    %add3A_142 = arith.addi %add3A_30, %add3A_141 : vector<16xi32>
    %gather3A_143 = tpu.vector_load_idx %arg4[%add3A_142, %iota3A] : memref<1025x16xf32, #tpu.memory_space<vmem>>[vector<16xi32>, vector<16xi32>], vector<16xf32>,
    %max3A_144 = arith.maximumf %max3A_130, %gather3A_143 : vector<16xf32>
    %min3A_145 = arith.minimumf %max3A_130, %gather3A_143 : vector<16xf32>
    %max3A_146 = arith.maximumf %max3A_132, %min3A_145 : vector<16xf32>
    %min3A_147 = arith.minimumf %max3A_132, %min3A_145 : vector<16xf32>
    %max3A_148 = arith.maximumf %max3A_134, %min3A_147 : vector<16xf32>
    %min3A_149 = arith.minimumf %max3A_134, %min3A_147 : vector<16xf32>
    %max3A_150 = arith.maximumf %max3A_136, %min3A_149 : vector<16xf32>
    %min3A_151 = arith.minimumf %max3A_136, %min3A_149 : vector<16xf32>
    %max3A_152 = arith.maximumf %max3A_138, %min3A_151 : vector<16xf32>
    %min3A_153 = arith.minimumf %max3A_138, %min3A_151 : vector<16xf32>
    %add3A_154 = arith.constant 9 : i32
    %add3A_155 = vector.broadcast %add3A_154 : i32 to vector<16xi32>
    %add3A_156 = arith.addi %add3A_30, %add3A_155 : vector<16xi32>
    %gather3A_157 = tpu.vector_load_idx %arg4[%add3A_156, %iota3A] : memref<1025x16xf32, #tpu.memory_space<vmem>>[vector<16xi32>, vector<16xi32>], vector<16xf32>,
    %max3A_158 = arith.maximumf %max3A_144, %gather3A_157 : vector<16xf32>
    %min3A_159 = arith.minimumf %max3A_144, %gather3A_157 : vector<16xf32>
    %max3A_160 = arith.maximumf %max3A_146, %min3A_159 : vector<16xf32>
    %min3A_161 = arith.minimumf %max3A_146, %min3A_159 : vector<16xf32>
    %max3A_162 = arith.maximumf %max3A_148, %min3A_161 : vector<16xf32>
    %min3A_163 = arith.minimumf %max3A_148, %min3A_161 : vector<16xf32>
    %max3A_164 = arith.maximumf %max3A_150, %min3A_163 : vector<16xf32>
    %min3A_165 = arith.minimumf %max3A_150, %min3A_163 : vector<16xf32>
    %max3A_166 = arith.maximumf %max3A_152, %min3A_165 : vector<16xf32>
    %min3A_167 = arith.minimumf %max3A_152, %min3A_165 : vector<16xf32>
    %add3A_168 = arith.constant 10 : i32
    %add3A_169 = vector.broadcast %add3A_168 : i32 to vector<16xi32>
    %add3A_170 = arith.addi %add3A_30, %add3A_169 : vector<16xi32>
    %gather3A_171 = tpu.vector_load_idx %arg4[%add3A_170, %iota3A] : memref<1025x16xf32, #tpu.memory_space<vmem>>[vector<16xi32>, vector<16xi32>], vector<16xf32>,
    %max3A_172 = arith.maximumf %max3A_158, %gather3A_171 : vector<16xf32>
    %min3A_173 = arith.minimumf %max3A_158, %gather3A_171 : vector<16xf32>
    %max3A_174 = arith.maximumf %max3A_160, %min3A_173 : vector<16xf32>
    %min3A_175 = arith.minimumf %max3A_160, %min3A_173 : vector<16xf32>
    %max3A_176 = arith.maximumf %max3A_162, %min3A_175 : vector<16xf32>
    %min3A_177 = arith.minimumf %max3A_162, %min3A_175 : vector<16xf32>
    %max3A_178 = arith.maximumf %max3A_164, %min3A_177 : vector<16xf32>
    %min3A_179 = arith.minimumf %max3A_164, %min3A_177 : vector<16xf32>
    %max3A_180 = arith.maximumf %max3A_166, %min3A_179 : vector<16xf32>
    %min3A_181 = arith.minimumf %max3A_166, %min3A_179 : vector<16xf32>
    %add3A_182 = arith.constant 11 : i32
    %add3A_183 = vector.broadcast %add3A_182 : i32 to vector<16xi32>
    %add3A_184 = arith.addi %add3A_30, %add3A_183 : vector<16xi32>
    %gather3A_185 = tpu.vector_load_idx %arg4[%add3A_184, %iota3A] : memref<1025x16xf32, #tpu.memory_space<vmem>>[vector<16xi32>, vector<16xi32>], vector<16xf32>,
    %max3A_186 = arith.maximumf %max3A_172, %gather3A_185 : vector<16xf32>
    %min3A_187 = arith.minimumf %max3A_172, %gather3A_185 : vector<16xf32>
    %max3A_188 = arith.maximumf %max3A_174, %min3A_187 : vector<16xf32>
    %min3A_189 = arith.minimumf %max3A_174, %min3A_187 : vector<16xf32>
    %max3A_190 = arith.maximumf %max3A_176, %min3A_189 : vector<16xf32>
    %min3A_191 = arith.minimumf %max3A_176, %min3A_189 : vector<16xf32>
    %max3A_192 = arith.maximumf %max3A_178, %min3A_191 : vector<16xf32>
    %min3A_193 = arith.minimumf %max3A_178, %min3A_191 : vector<16xf32>
    %max3A_194 = arith.maximumf %max3A_180, %min3A_193 : vector<16xf32>
    %min3A_195 = arith.minimumf %max3A_180, %min3A_193 : vector<16xf32>
    %add3A_196 = arith.constant 12 : i32
    %add3A_197 = vector.broadcast %add3A_196 : i32 to vector<16xi32>
    %add3A_198 = arith.addi %add3A_30, %add3A_197 : vector<16xi32>
    %gather3A_199 = tpu.vector_load_idx %arg4[%add3A_198, %iota3A] : memref<1025x16xf32, #tpu.memory_space<vmem>>[vector<16xi32>, vector<16xi32>], vector<16xf32>,
    %max3A_200 = arith.maximumf %max3A_186, %gather3A_199 : vector<16xf32>
    %min3A_201 = arith.minimumf %max3A_186, %gather3A_199 : vector<16xf32>
    %max3A_202 = arith.maximumf %max3A_188, %min3A_201 : vector<16xf32>
    %min3A_203 = arith.minimumf %max3A_188, %min3A_201 : vector<16xf32>
    %max3A_204 = arith.maximumf %max3A_190, %min3A_203 : vector<16xf32>
    %min3A_205 = arith.minimumf %max3A_190, %min3A_203 : vector<16xf32>
    %max3A_206 = arith.maximumf %max3A_192, %min3A_205 : vector<16xf32>
    %min3A_207 = arith.minimumf %max3A_192, %min3A_205 : vector<16xf32>
    %max3A_208 = arith.maximumf %max3A_194, %min3A_207 : vector<16xf32>
    %min3A_209 = arith.minimumf %max3A_194, %min3A_207 : vector<16xf32>
    %add3A_210 = arith.constant 13 : i32
    %add3A_211 = vector.broadcast %add3A_210 : i32 to vector<16xi32>
    %add3A_212 = arith.addi %add3A_30, %add3A_211 : vector<16xi32>
    %gather3A_213 = tpu.vector_load_idx %arg4[%add3A_212, %iota3A] : memref<1025x16xf32, #tpu.memory_space<vmem>>[vector<16xi32>, vector<16xi32>], vector<16xf32>,
    %max3A_214 = arith.maximumf %max3A_200, %gather3A_213 : vector<16xf32>
    %min3A_215 = arith.minimumf %max3A_200, %gather3A_213 : vector<16xf32>
    %max3A_216 = arith.maximumf %max3A_202, %min3A_215 : vector<16xf32>
    %min3A_217 = arith.minimumf %max3A_202, %min3A_215 : vector<16xf32>
    %max3A_218 = arith.maximumf %max3A_204, %min3A_217 : vector<16xf32>
    %min3A_219 = arith.minimumf %max3A_204, %min3A_217 : vector<16xf32>
    %max3A_220 = arith.maximumf %max3A_206, %min3A_219 : vector<16xf32>
    %min3A_221 = arith.minimumf %max3A_206, %min3A_219 : vector<16xf32>
    %max3A_222 = arith.maximumf %max3A_208, %min3A_221 : vector<16xf32>
    %min3A_223 = arith.minimumf %max3A_208, %min3A_221 : vector<16xf32>
    %add3A_224 = arith.constant 14 : i32
    %add3A_225 = vector.broadcast %add3A_224 : i32 to vector<16xi32>
    %add3A_226 = arith.addi %add3A_30, %add3A_225 : vector<16xi32>
    %gather3A_227 = tpu.vector_load_idx %arg4[%add3A_226, %iota3A] : memref<1025x16xf32, #tpu.memory_space<vmem>>[vector<16xi32>, vector<16xi32>], vector<16xf32>,
    %max3A_228 = arith.maximumf %max3A_214, %gather3A_227 : vector<16xf32>
    %min3A_229 = arith.minimumf %max3A_214, %gather3A_227 : vector<16xf32>
    %max3A_230 = arith.maximumf %max3A_216, %min3A_229 : vector<16xf32>
    %min3A_231 = arith.minimumf %max3A_216, %min3A_229 : vector<16xf32>
    %max3A_232 = arith.maximumf %max3A_218, %min3A_231 : vector<16xf32>
    %min3A_233 = arith.minimumf %max3A_218, %min3A_231 : vector<16xf32>
    %max3A_234 = arith.maximumf %max3A_220, %min3A_233 : vector<16xf32>
    %min3A_235 = arith.minimumf %max3A_220, %min3A_233 : vector<16xf32>
    %max3A_236 = arith.maximumf %max3A_222, %min3A_235 : vector<16xf32>
    %min3A_237 = arith.minimumf %max3A_222, %min3A_235 : vector<16xf32>
    %add3A_238 = arith.constant 15 : i32
    %add3A_239 = vector.broadcast %add3A_238 : i32 to vector<16xi32>
    %add3A_240 = arith.addi %add3A_30, %add3A_239 : vector<16xi32>
    %gather3A_241 = tpu.vector_load_idx %arg4[%add3A_240, %iota3A] : memref<1025x16xf32, #tpu.memory_space<vmem>>[vector<16xi32>, vector<16xi32>], vector<16xf32>,
    %max3A_242 = arith.maximumf %max3A_228, %gather3A_241 : vector<16xf32>
    %min3A_243 = arith.minimumf %max3A_228, %gather3A_241 : vector<16xf32>
    %max3A_244 = arith.maximumf %max3A_230, %min3A_243 : vector<16xf32>
    %min3A_245 = arith.minimumf %max3A_230, %min3A_243 : vector<16xf32>
    %max3A_246 = arith.maximumf %max3A_232, %min3A_245 : vector<16xf32>
    %min3A_247 = arith.minimumf %max3A_232, %min3A_245 : vector<16xf32>
    %max3A_248 = arith.maximumf %max3A_234, %min3A_247 : vector<16xf32>
    %min3A_249 = arith.minimumf %max3A_234, %min3A_247 : vector<16xf32>
    %max3A_250 = arith.maximumf %max3A_236, %min3A_249 : vector<16xf32>
    %min3A_251 = arith.minimumf %max3A_236, %min3A_249 : vector<16xf32>
    %mul3A_252 = arith.constant 16 : i32
    %mul3A_253 = vector.broadcast %mul3A_252 : i32 to vector<16xi32>
    %mul3A_254 = arith.muli %scan3A_24#6, %mul3A_253 : vector<16xi32>
    %add3A_255 = arith.constant 1 : i32
    %add3A_256 = vector.broadcast %add3A_255 : i32 to vector<16xi32>
    %add3A_257 = arith.addi %add3A_256, %mul3A_254 : vector<16xi32>
    %add3A_258 = arith.constant 0 : i32
    %add3A_259 = vector.broadcast %add3A_258 : i32 to vector<16xi32>
    %add3A_260 = arith.addi %add3A_257, %add3A_259 : vector<16xi32>
    %gather3A_261 = tpu.vector_load_idx %arg4[%add3A_260, %iota3A] : memref<1025x16xf32, #tpu.memory_space<vmem>>[vector<16xi32>, vector<16xi32>], vector<16xf32>,
    %max3A_262 = arith.maximumf %max3A_242, %gather3A_261 : vector<16xf32>
    %min3A_263 = arith.minimumf %max3A_242, %gather3A_261 : vector<16xf32>
    %max3A_264 = arith.maximumf %max3A_244, %min3A_263 : vector<16xf32>
    %min3A_265 = arith.minimumf %max3A_244, %min3A_263 : vector<16xf32>
    %max3A_266 = arith.maximumf %max3A_246, %min3A_265 : vector<16xf32>
    %min3A_267 = arith.minimumf %max3A_246, %min3A_265 : vector<16xf32>
    %max3A_268 = arith.maximumf %max3A_248, %min3A_267 : vector<16xf32>
    %min3A_269 = arith.minimumf %max3A_248, %min3A_267 : vector<16xf32>
    %max3A_270 = arith.maximumf %max3A_250, %min3A_269 : vector<16xf32>
    %min3A_271 = arith.minimumf %max3A_250, %min3A_269 : vector<16xf32>
    %add3A_272 = arith.constant 1 : i32
    %add3A_273 = vector.broadcast %add3A_272 : i32 to vector<16xi32>
    %add3A_274 = arith.addi %add3A_257, %add3A_273 : vector<16xi32>
    %gather3A_275 = tpu.vector_load_idx %arg4[%add3A_274, %iota3A] : memref<1025x16xf32, #tpu.memory_space<vmem>>[vector<16xi32>, vector<16xi32>], vector<16xf32>,
    %max3A_276 = arith.maximumf %max3A_262, %gather3A_275 : vector<16xf32>
    %min3A_277 = arith.minimumf %max3A_262, %gather3A_275 : vector<16xf32>
    %max3A_278 = arith.maximumf %max3A_264, %min3A_277 : vector<16xf32>
    %min3A_279 = arith.minimumf %max3A_264, %min3A_277 : vector<16xf32>
    %max3A_280 = arith.maximumf %max3A_266, %min3A_279 : vector<16xf32>
    %min3A_281 = arith.minimumf %max3A_266, %min3A_279 : vector<16xf32>
    %max3A_282 = arith.maximumf %max3A_268, %min3A_281 : vector<16xf32>
    %min3A_283 = arith.minimumf %max3A_268, %min3A_281 : vector<16xf32>
    %max3A_284 = arith.maximumf %max3A_270, %min3A_283 : vector<16xf32>
    %min3A_285 = arith.minimumf %max3A_270, %min3A_283 : vector<16xf32>
    %add3A_286 = arith.constant 2 : i32
    %add3A_287 = vector.broadcast %add3A_286 : i32 to vector<16xi32>
    %add3A_288 = arith.addi %add3A_257, %add3A_287 : vector<16xi32>
    %gather3A_289 = tpu.vector_load_idx %arg4[%add3A_288, %iota3A] : memref<1025x16xf32, #tpu.memory_space<vmem>>[vector<16xi32>, vector<16xi32>], vector<16xf32>,
    %max3A_290 = arith.maximumf %max3A_276, %gather3A_289 : vector<16xf32>
    %min3A_291 = arith.minimumf %max3A_276, %gather3A_289 : vector<16xf32>
    %max3A_292 = arith.maximumf %max3A_278, %min3A_291 : vector<16xf32>
    %min3A_293 = arith.minimumf %max3A_278, %min3A_291 : vector<16xf32>
    %max3A_294 = arith.maximumf %max3A_280, %min3A_293 : vector<16xf32>
    %min3A_295 = arith.minimumf %max3A_280, %min3A_293 : vector<16xf32>
    %max3A_296 = arith.maximumf %max3A_282, %min3A_295 : vector<16xf32>
    %min3A_297 = arith.minimumf %max3A_282, %min3A_295 : vector<16xf32>
    %max3A_298 = arith.maximumf %max3A_284, %min3A_297 : vector<16xf32>
    %min3A_299 = arith.minimumf %max3A_284, %min3A_297 : vector<16xf32>
    %add3A_300 = arith.constant 3 : i32
    %add3A_301 = vector.broadcast %add3A_300 : i32 to vector<16xi32>
    %add3A_302 = arith.addi %add3A_257, %add3A_301 : vector<16xi32>
    %gather3A_303 = tpu.vector_load_idx %arg4[%add3A_302, %iota3A] : memref<1025x16xf32, #tpu.memory_space<vmem>>[vector<16xi32>, vector<16xi32>], vector<16xf32>,
    %max3A_304 = arith.maximumf %max3A_290, %gather3A_303 : vector<16xf32>
    %min3A_305 = arith.minimumf %max3A_290, %gather3A_303 : vector<16xf32>
    %max3A_306 = arith.maximumf %max3A_292, %min3A_305 : vector<16xf32>
    %min3A_307 = arith.minimumf %max3A_292, %min3A_305 : vector<16xf32>
    %max3A_308 = arith.maximumf %max3A_294, %min3A_307 : vector<16xf32>
    %min3A_309 = arith.minimumf %max3A_294, %min3A_307 : vector<16xf32>
    %max3A_310 = arith.maximumf %max3A_296, %min3A_309 : vector<16xf32>
    %min3A_311 = arith.minimumf %max3A_296, %min3A_309 : vector<16xf32>
    %max3A_312 = arith.maximumf %max3A_298, %min3A_311 : vector<16xf32>
    %min3A_313 = arith.minimumf %max3A_298, %min3A_311 : vector<16xf32>
    %add3A_314 = arith.constant 4 : i32
    %add3A_315 = vector.broadcast %add3A_314 : i32 to vector<16xi32>
    %add3A_316 = arith.addi %add3A_257, %add3A_315 : vector<16xi32>
    %gather3A_317 = tpu.vector_load_idx %arg4[%add3A_316, %iota3A] : memref<1025x16xf32, #tpu.memory_space<vmem>>[vector<16xi32>, vector<16xi32>], vector<16xf32>,
    %max3A_318 = arith.maximumf %max3A_304, %gather3A_317 : vector<16xf32>
    %min3A_319 = arith.minimumf %max3A_304, %gather3A_317 : vector<16xf32>
    %max3A_320 = arith.maximumf %max3A_306, %min3A_319 : vector<16xf32>
    %min3A_321 = arith.minimumf %max3A_306, %min3A_319 : vector<16xf32>
    %max3A_322 = arith.maximumf %max3A_308, %min3A_321 : vector<16xf32>
    %min3A_323 = arith.minimumf %max3A_308, %min3A_321 : vector<16xf32>
    %max3A_324 = arith.maximumf %max3A_310, %min3A_323 : vector<16xf32>
    %min3A_325 = arith.minimumf %max3A_310, %min3A_323 : vector<16xf32>
    %max3A_326 = arith.maximumf %max3A_312, %min3A_325 : vector<16xf32>
    %min3A_327 = arith.minimumf %max3A_312, %min3A_325 : vector<16xf32>
    %add3A_328 = arith.constant 5 : i32
    %add3A_329 = vector.broadcast %add3A_328 : i32 to vector<16xi32>
    %add3A_330 = arith.addi %add3A_257, %add3A_329 : vector<16xi32>
    %gather3A_331 = tpu.vector_load_idx %arg4[%add3A_330, %iota3A] : memref<1025x16xf32, #tpu.memory_space<vmem>>[vector<16xi32>, vector<16xi32>], vector<16xf32>,
    %max3A_332 = arith.maximumf %max3A_318, %gather3A_331 : vector<16xf32>
    %min3A_333 = arith.minimumf %max3A_318, %gather3A_331 : vector<16xf32>
    %max3A_334 = arith.maximumf %max3A_320, %min3A_333 : vector<16xf32>
    %min3A_335 = arith.minimumf %max3A_320, %min3A_333 : vector<16xf32>
    %max3A_336 = arith.maximumf %max3A_322, %min3A_335 : vector<16xf32>
    %min3A_337 = arith.minimumf %max3A_322, %min3A_335 : vector<16xf32>
    %max3A_338 = arith.maximumf %max3A_324, %min3A_337 : vector<16xf32>
    %min3A_339 = arith.minimumf %max3A_324, %min3A_337 : vector<16xf32>
    %max3A_340 = arith.maximumf %max3A_326, %min3A_339 : vector<16xf32>
    %min3A_341 = arith.minimumf %max3A_326, %min3A_339 : vector<16xf32>
    %add3A_342 = arith.constant 6 : i32
    %add3A_343 = vector.broadcast %add3A_342 : i32 to vector<16xi32>
    %add3A_344 = arith.addi %add3A_257, %add3A_343 : vector<16xi32>
    %gather3A_345 = tpu.vector_load_idx %arg4[%add3A_344, %iota3A] : memref<1025x16xf32, #tpu.memory_space<vmem>>[vector<16xi32>, vector<16xi32>], vector<16xf32>,
    %max3A_346 = arith.maximumf %max3A_332, %gather3A_345 : vector<16xf32>
    %min3A_347 = arith.minimumf %max3A_332, %gather3A_345 : vector<16xf32>
    %max3A_348 = arith.maximumf %max3A_334, %min3A_347 : vector<16xf32>
    %min3A_349 = arith.minimumf %max3A_334, %min3A_347 : vector<16xf32>
    %max3A_350 = arith.maximumf %max3A_336, %min3A_349 : vector<16xf32>
    %min3A_351 = arith.minimumf %max3A_336, %min3A_349 : vector<16xf32>
    %max3A_352 = arith.maximumf %max3A_338, %min3A_351 : vector<16xf32>
    %min3A_353 = arith.minimumf %max3A_338, %min3A_351 : vector<16xf32>
    %max3A_354 = arith.maximumf %max3A_340, %min3A_353 : vector<16xf32>
    %min3A_355 = arith.minimumf %max3A_340, %min3A_353 : vector<16xf32>
    %add3A_356 = arith.constant 7 : i32
    %add3A_357 = vector.broadcast %add3A_356 : i32 to vector<16xi32>
    %add3A_358 = arith.addi %add3A_257, %add3A_357 : vector<16xi32>
    %gather3A_359 = tpu.vector_load_idx %arg4[%add3A_358, %iota3A] : memref<1025x16xf32, #tpu.memory_space<vmem>>[vector<16xi32>, vector<16xi32>], vector<16xf32>,
    %max3A_360 = arith.maximumf %max3A_346, %gather3A_359 : vector<16xf32>
    %min3A_361 = arith.minimumf %max3A_346, %gather3A_359 : vector<16xf32>
    %max3A_362 = arith.maximumf %max3A_348, %min3A_361 : vector<16xf32>
    %min3A_363 = arith.minimumf %max3A_348, %min3A_361 : vector<16xf32>
    %max3A_364 = arith.maximumf %max3A_350, %min3A_363 : vector<16xf32>
    %min3A_365 = arith.minimumf %max3A_350, %min3A_363 : vector<16xf32>
    %max3A_366 = arith.maximumf %max3A_352, %min3A_365 : vector<16xf32>
    %min3A_367 = arith.minimumf %max3A_352, %min3A_365 : vector<16xf32>
    %max3A_368 = arith.maximumf %max3A_354, %min3A_367 : vector<16xf32>
    %min3A_369 = arith.minimumf %max3A_354, %min3A_367 : vector<16xf32>
    %add3A_370 = arith.constant 8 : i32
    %add3A_371 = vector.broadcast %add3A_370 : i32 to vector<16xi32>
    %add3A_372 = arith.addi %add3A_257, %add3A_371 : vector<16xi32>
    %gather3A_373 = tpu.vector_load_idx %arg4[%add3A_372, %iota3A] : memref<1025x16xf32, #tpu.memory_space<vmem>>[vector<16xi32>, vector<16xi32>], vector<16xf32>,
    %max3A_374 = arith.maximumf %max3A_360, %gather3A_373 : vector<16xf32>
    %min3A_375 = arith.minimumf %max3A_360, %gather3A_373 : vector<16xf32>
    %max3A_376 = arith.maximumf %max3A_362, %min3A_375 : vector<16xf32>
    %min3A_377 = arith.minimumf %max3A_362, %min3A_375 : vector<16xf32>
    %max3A_378 = arith.maximumf %max3A_364, %min3A_377 : vector<16xf32>
    %min3A_379 = arith.minimumf %max3A_364, %min3A_377 : vector<16xf32>
    %max3A_380 = arith.maximumf %max3A_366, %min3A_379 : vector<16xf32>
    %min3A_381 = arith.minimumf %max3A_366, %min3A_379 : vector<16xf32>
    %max3A_382 = arith.maximumf %max3A_368, %min3A_381 : vector<16xf32>
    %min3A_383 = arith.minimumf %max3A_368, %min3A_381 : vector<16xf32>
    %add3A_384 = arith.constant 9 : i32
    %add3A_385 = vector.broadcast %add3A_384 : i32 to vector<16xi32>
    %add3A_386 = arith.addi %add3A_257, %add3A_385 : vector<16xi32>
    %gather3A_387 = tpu.vector_load_idx %arg4[%add3A_386, %iota3A] : memref<1025x16xf32, #tpu.memory_space<vmem>>[vector<16xi32>, vector<16xi32>], vector<16xf32>,
    %max3A_388 = arith.maximumf %max3A_374, %gather3A_387 : vector<16xf32>
    %min3A_389 = arith.minimumf %max3A_374, %gather3A_387 : vector<16xf32>
    %max3A_390 = arith.maximumf %max3A_376, %min3A_389 : vector<16xf32>
    %min3A_391 = arith.minimumf %max3A_376, %min3A_389 : vector<16xf32>
    %max3A_392 = arith.maximumf %max3A_378, %min3A_391 : vector<16xf32>
    %min3A_393 = arith.minimumf %max3A_378, %min3A_391 : vector<16xf32>
    %max3A_394 = arith.maximumf %max3A_380, %min3A_393 : vector<16xf32>
    %min3A_395 = arith.minimumf %max3A_380, %min3A_393 : vector<16xf32>
    %max3A_396 = arith.maximumf %max3A_382, %min3A_395 : vector<16xf32>
    %min3A_397 = arith.minimumf %max3A_382, %min3A_395 : vector<16xf32>
    %add3A_398 = arith.constant 10 : i32
    %add3A_399 = vector.broadcast %add3A_398 : i32 to vector<16xi32>
    %add3A_400 = arith.addi %add3A_257, %add3A_399 : vector<16xi32>
    %gather3A_401 = tpu.vector_load_idx %arg4[%add3A_400, %iota3A] : memref<1025x16xf32, #tpu.memory_space<vmem>>[vector<16xi32>, vector<16xi32>], vector<16xf32>,
    %max3A_402 = arith.maximumf %max3A_388, %gather3A_401 : vector<16xf32>
    %min3A_403 = arith.minimumf %max3A_388, %gather3A_401 : vector<16xf32>
    %max3A_404 = arith.maximumf %max3A_390, %min3A_403 : vector<16xf32>
    %min3A_405 = arith.minimumf %max3A_390, %min3A_403 : vector<16xf32>
    %max3A_406 = arith.maximumf %max3A_392, %min3A_405 : vector<16xf32>
    %min3A_407 = arith.minimumf %max3A_392, %min3A_405 : vector<16xf32>
    %max3A_408 = arith.maximumf %max3A_394, %min3A_407 : vector<16xf32>
    %min3A_409 = arith.minimumf %max3A_394, %min3A_407 : vector<16xf32>
    %max3A_410 = arith.maximumf %max3A_396, %min3A_409 : vector<16xf32>
    %min3A_411 = arith.minimumf %max3A_396, %min3A_409 : vector<16xf32>
    %add3A_412 = arith.constant 11 : i32
    %add3A_413 = vector.broadcast %add3A_412 : i32 to vector<16xi32>
    %add3A_414 = arith.addi %add3A_257, %add3A_413 : vector<16xi32>
    %gather3A_415 = tpu.vector_load_idx %arg4[%add3A_414, %iota3A] : memref<1025x16xf32, #tpu.memory_space<vmem>>[vector<16xi32>, vector<16xi32>], vector<16xf32>,
    %max3A_416 = arith.maximumf %max3A_402, %gather3A_415 : vector<16xf32>
    %min3A_417 = arith.minimumf %max3A_402, %gather3A_415 : vector<16xf32>
    %max3A_418 = arith.maximumf %max3A_404, %min3A_417 : vector<16xf32>
    %min3A_419 = arith.minimumf %max3A_404, %min3A_417 : vector<16xf32>
    %max3A_420 = arith.maximumf %max3A_406, %min3A_419 : vector<16xf32>
    %min3A_421 = arith.minimumf %max3A_406, %min3A_419 : vector<16xf32>
    %max3A_422 = arith.maximumf %max3A_408, %min3A_421 : vector<16xf32>
    %min3A_423 = arith.minimumf %max3A_408, %min3A_421 : vector<16xf32>
    %max3A_424 = arith.maximumf %max3A_410, %min3A_423 : vector<16xf32>
    %min3A_425 = arith.minimumf %max3A_410, %min3A_423 : vector<16xf32>
    %add3A_426 = arith.constant 12 : i32
    %add3A_427 = vector.broadcast %add3A_426 : i32 to vector<16xi32>
    %add3A_428 = arith.addi %add3A_257, %add3A_427 : vector<16xi32>
    %gather3A_429 = tpu.vector_load_idx %arg4[%add3A_428, %iota3A] : memref<1025x16xf32, #tpu.memory_space<vmem>>[vector<16xi32>, vector<16xi32>], vector<16xf32>,
    %max3A_430 = arith.maximumf %max3A_416, %gather3A_429 : vector<16xf32>
    %min3A_431 = arith.minimumf %max3A_416, %gather3A_429 : vector<16xf32>
    %max3A_432 = arith.maximumf %max3A_418, %min3A_431 : vector<16xf32>
    %min3A_433 = arith.minimumf %max3A_418, %min3A_431 : vector<16xf32>
    %max3A_434 = arith.maximumf %max3A_420, %min3A_433 : vector<16xf32>
    %min3A_435 = arith.minimumf %max3A_420, %min3A_433 : vector<16xf32>
    %max3A_436 = arith.maximumf %max3A_422, %min3A_435 : vector<16xf32>
    %min3A_437 = arith.minimumf %max3A_422, %min3A_435 : vector<16xf32>
    %max3A_438 = arith.maximumf %max3A_424, %min3A_437 : vector<16xf32>
    %min3A_439 = arith.minimumf %max3A_424, %min3A_437 : vector<16xf32>
    %add3A_440 = arith.constant 13 : i32
    %add3A_441 = vector.broadcast %add3A_440 : i32 to vector<16xi32>
    %add3A_442 = arith.addi %add3A_257, %add3A_441 : vector<16xi32>
    %gather3A_443 = tpu.vector_load_idx %arg4[%add3A_442, %iota3A] : memref<1025x16xf32, #tpu.memory_space<vmem>>[vector<16xi32>, vector<16xi32>], vector<16xf32>,
    %max3A_444 = arith.maximumf %max3A_430, %gather3A_443 : vector<16xf32>
    %min3A_445 = arith.minimumf %max3A_430, %gather3A_443 : vector<16xf32>
    %max3A_446 = arith.maximumf %max3A_432, %min3A_445 : vector<16xf32>
    %min3A_447 = arith.minimumf %max3A_432, %min3A_445 : vector<16xf32>
    %max3A_448 = arith.maximumf %max3A_434, %min3A_447 : vector<16xf32>
    %min3A_449 = arith.minimumf %max3A_434, %min3A_447 : vector<16xf32>
    %max3A_450 = arith.maximumf %max3A_436, %min3A_449 : vector<16xf32>
    %min3A_451 = arith.minimumf %max3A_436, %min3A_449 : vector<16xf32>
    %max3A_452 = arith.maximumf %max3A_438, %min3A_451 : vector<16xf32>
    %min3A_453 = arith.minimumf %max3A_438, %min3A_451 : vector<16xf32>
    %add3A_454 = arith.constant 14 : i32
    %add3A_455 = vector.broadcast %add3A_454 : i32 to vector<16xi32>
    %add3A_456 = arith.addi %add3A_257, %add3A_455 : vector<16xi32>
    %gather3A_457 = tpu.vector_load_idx %arg4[%add3A_456, %iota3A] : memref<1025x16xf32, #tpu.memory_space<vmem>>[vector<16xi32>, vector<16xi32>], vector<16xf32>,
    %max3A_458 = arith.maximumf %max3A_444, %gather3A_457 : vector<16xf32>
    %min3A_459 = arith.minimumf %max3A_444, %gather3A_457 : vector<16xf32>
    %max3A_460 = arith.maximumf %max3A_446, %min3A_459 : vector<16xf32>
    %min3A_461 = arith.minimumf %max3A_446, %min3A_459 : vector<16xf32>
    %max3A_462 = arith.maximumf %max3A_448, %min3A_461 : vector<16xf32>
    %min3A_463 = arith.minimumf %max3A_448, %min3A_461 : vector<16xf32>
    %max3A_464 = arith.maximumf %max3A_450, %min3A_463 : vector<16xf32>
    %min3A_465 = arith.minimumf %max3A_450, %min3A_463 : vector<16xf32>
    %max3A_466 = arith.maximumf %max3A_452, %min3A_465 : vector<16xf32>
    %min3A_467 = arith.minimumf %max3A_452, %min3A_465 : vector<16xf32>
    %add3A_468 = arith.constant 15 : i32
    %add3A_469 = vector.broadcast %add3A_468 : i32 to vector<16xi32>
    %add3A_470 = arith.addi %add3A_257, %add3A_469 : vector<16xi32>
    %gather3A_471 = tpu.vector_load_idx %arg4[%add3A_470, %iota3A] : memref<1025x16xf32, #tpu.memory_space<vmem>>[vector<16xi32>, vector<16xi32>], vector<16xf32>,
    %max3A_472 = arith.maximumf %max3A_458, %gather3A_471 : vector<16xf32>
    %min3A_473 = arith.minimumf %max3A_458, %gather3A_471 : vector<16xf32>
    %max3A_474 = arith.maximumf %max3A_460, %min3A_473 : vector<16xf32>
    %min3A_475 = arith.minimumf %max3A_460, %min3A_473 : vector<16xf32>
    %max3A_476 = arith.maximumf %max3A_462, %min3A_475 : vector<16xf32>
    %min3A_477 = arith.minimumf %max3A_462, %min3A_475 : vector<16xf32>
    %max3A_478 = arith.maximumf %max3A_464, %min3A_477 : vector<16xf32>
    %min3A_479 = arith.minimumf %max3A_464, %min3A_477 : vector<16xf32>
    %max3A_480 = arith.maximumf %max3A_466, %min3A_479 : vector<16xf32>
    %min3A_481 = arith.minimumf %max3A_466, %min3A_479 : vector<16xf32>
    %mul3A_482 = arith.constant 16 : i32
    %mul3A_483 = vector.broadcast %mul3A_482 : i32 to vector<16xi32>
    %mul3A_484 = arith.muli %scan3A_24#7, %mul3A_483 : vector<16xi32>
    %add3A_485 = arith.constant 1 : i32
    %add3A_486 = vector.broadcast %add3A_485 : i32 to vector<16xi32>
    %add3A_487 = arith.addi %add3A_486, %mul3A_484 : vector<16xi32>
    %add3A_488 = arith.constant 0 : i32
    %add3A_489 = vector.broadcast %add3A_488 : i32 to vector<16xi32>
    %add3A_490 = arith.addi %add3A_487, %add3A_489 : vector<16xi32>
    %gather3A_491 = tpu.vector_load_idx %arg4[%add3A_490, %iota3A] : memref<1025x16xf32, #tpu.memory_space<vmem>>[vector<16xi32>, vector<16xi32>], vector<16xf32>,
    %max3A_492 = arith.maximumf %max3A_472, %gather3A_491 : vector<16xf32>
    %min3A_493 = arith.minimumf %max3A_472, %gather3A_491 : vector<16xf32>
    %max3A_494 = arith.maximumf %max3A_474, %min3A_493 : vector<16xf32>
    %min3A_495 = arith.minimumf %max3A_474, %min3A_493 : vector<16xf32>
    %max3A_496 = arith.maximumf %max3A_476, %min3A_495 : vector<16xf32>
    %min3A_497 = arith.minimumf %max3A_476, %min3A_495 : vector<16xf32>
    %max3A_498 = arith.maximumf %max3A_478, %min3A_497 : vector<16xf32>
    %min3A_499 = arith.minimumf %max3A_478, %min3A_497 : vector<16xf32>
    %max3A_500 = arith.maximumf %max3A_480, %min3A_499 : vector<16xf32>
    %min3A_501 = arith.minimumf %max3A_480, %min3A_499 : vector<16xf32>
    %add3A_502 = arith.constant 1 : i32
    %add3A_503 = vector.broadcast %add3A_502 : i32 to vector<16xi32>
    %add3A_504 = arith.addi %add3A_487, %add3A_503 : vector<16xi32>
    %gather3A_505 = tpu.vector_load_idx %arg4[%add3A_504, %iota3A] : memref<1025x16xf32, #tpu.memory_space<vmem>>[vector<16xi32>, vector<16xi32>], vector<16xf32>,
    %max3A_506 = arith.maximumf %max3A_492, %gather3A_505 : vector<16xf32>
    %min3A_507 = arith.minimumf %max3A_492, %gather3A_505 : vector<16xf32>
    %max3A_508 = arith.maximumf %max3A_494, %min3A_507 : vector<16xf32>
    %min3A_509 = arith.minimumf %max3A_494, %min3A_507 : vector<16xf32>
    %max3A_510 = arith.maximumf %max3A_496, %min3A_509 : vector<16xf32>
    %min3A_511 = arith.minimumf %max3A_496, %min3A_509 : vector<16xf32>
    %max3A_512 = arith.maximumf %max3A_498, %min3A_511 : vector<16xf32>
    %min3A_513 = arith.minimumf %max3A_498, %min3A_511 : vector<16xf32>
    %max3A_514 = arith.maximumf %max3A_500, %min3A_513 : vector<16xf32>
    %min3A_515 = arith.minimumf %max3A_500, %min3A_513 : vector<16xf32>
    %add3A_516 = arith.constant 2 : i32
    %add3A_517 = vector.broadcast %add3A_516 : i32 to vector<16xi32>
    %add3A_518 = arith.addi %add3A_487, %add3A_517 : vector<16xi32>
    %gather3A_519 = tpu.vector_load_idx %arg4[%add3A_518, %iota3A] : memref<1025x16xf32, #tpu.memory_space<vmem>>[vector<16xi32>, vector<16xi32>], vector<16xf32>,
    %max3A_520 = arith.maximumf %max3A_506, %gather3A_519 : vector<16xf32>
    %min3A_521 = arith.minimumf %max3A_506, %gather3A_519 : vector<16xf32>
    %max3A_522 = arith.maximumf %max3A_508, %min3A_521 : vector<16xf32>
    %min3A_523 = arith.minimumf %max3A_508, %min3A_521 : vector<16xf32>
    %max3A_524 = arith.maximumf %max3A_510, %min3A_523 : vector<16xf32>
    %min3A_525 = arith.minimumf %max3A_510, %min3A_523 : vector<16xf32>
    %max3A_526 = arith.maximumf %max3A_512, %min3A_525 : vector<16xf32>
    %min3A_527 = arith.minimumf %max3A_512, %min3A_525 : vector<16xf32>
    %max3A_528 = arith.maximumf %max3A_514, %min3A_527 : vector<16xf32>
    %min3A_529 = arith.minimumf %max3A_514, %min3A_527 : vector<16xf32>
    %add3A_530 = arith.constant 3 : i32
    %add3A_531 = vector.broadcast %add3A_530 : i32 to vector<16xi32>
    %add3A_532 = arith.addi %add3A_487, %add3A_531 : vector<16xi32>
    %gather3A_533 = tpu.vector_load_idx %arg4[%add3A_532, %iota3A] : memref<1025x16xf32, #tpu.memory_space<vmem>>[vector<16xi32>, vector<16xi32>], vector<16xf32>,
    %max3A_534 = arith.maximumf %max3A_520, %gather3A_533 : vector<16xf32>
    %min3A_535 = arith.minimumf %max3A_520, %gather3A_533 : vector<16xf32>
    %max3A_536 = arith.maximumf %max3A_522, %min3A_535 : vector<16xf32>
    %min3A_537 = arith.minimumf %max3A_522, %min3A_535 : vector<16xf32>
    %max3A_538 = arith.maximumf %max3A_524, %min3A_537 : vector<16xf32>
    %min3A_539 = arith.minimumf %max3A_524, %min3A_537 : vector<16xf32>
    %max3A_540 = arith.maximumf %max3A_526, %min3A_539 : vector<16xf32>
    %min3A_541 = arith.minimumf %max3A_526, %min3A_539 : vector<16xf32>
    %max3A_542 = arith.maximumf %max3A_528, %min3A_541 : vector<16xf32>
    %min3A_543 = arith.minimumf %max3A_528, %min3A_541 : vector<16xf32>
    %add3A_544 = arith.constant 4 : i32
    %add3A_545 = vector.broadcast %add3A_544 : i32 to vector<16xi32>
    %add3A_546 = arith.addi %add3A_487, %add3A_545 : vector<16xi32>
    %gather3A_547 = tpu.vector_load_idx %arg4[%add3A_546, %iota3A] : memref<1025x16xf32, #tpu.memory_space<vmem>>[vector<16xi32>, vector<16xi32>], vector<16xf32>,
    %max3A_548 = arith.maximumf %max3A_534, %gather3A_547 : vector<16xf32>
    %min3A_549 = arith.minimumf %max3A_534, %gather3A_547 : vector<16xf32>
    %max3A_550 = arith.maximumf %max3A_536, %min3A_549 : vector<16xf32>
    %min3A_551 = arith.minimumf %max3A_536, %min3A_549 : vector<16xf32>
    %max3A_552 = arith.maximumf %max3A_538, %min3A_551 : vector<16xf32>
    %min3A_553 = arith.minimumf %max3A_538, %min3A_551 : vector<16xf32>
    %max3A_554 = arith.maximumf %max3A_540, %min3A_553 : vector<16xf32>
    %min3A_555 = arith.minimumf %max3A_540, %min3A_553 : vector<16xf32>
    %max3A_556 = arith.maximumf %max3A_542, %min3A_555 : vector<16xf32>
    %min3A_557 = arith.minimumf %max3A_542, %min3A_555 : vector<16xf32>
    %add3A_558 = arith.constant 5 : i32
    %add3A_559 = vector.broadcast %add3A_558 : i32 to vector<16xi32>
    %add3A_560 = arith.addi %add3A_487, %add3A_559 : vector<16xi32>
    %gather3A_561 = tpu.vector_load_idx %arg4[%add3A_560, %iota3A] : memref<1025x16xf32, #tpu.memory_space<vmem>>[vector<16xi32>, vector<16xi32>], vector<16xf32>,
    %max3A_562 = arith.maximumf %max3A_548, %gather3A_561 : vector<16xf32>
    %min3A_563 = arith.minimumf %max3A_548, %gather3A_561 : vector<16xf32>
    %max3A_564 = arith.maximumf %max3A_550, %min3A_563 : vector<16xf32>
    %min3A_565 = arith.minimumf %max3A_550, %min3A_563 : vector<16xf32>
    %max3A_566 = arith.maximumf %max3A_552, %min3A_565 : vector<16xf32>
    %min3A_567 = arith.minimumf %max3A_552, %min3A_565 : vector<16xf32>
    %max3A_568 = arith.maximumf %max3A_554, %min3A_567 : vector<16xf32>
    %min3A_569 = arith.minimumf %max3A_554, %min3A_567 : vector<16xf32>
    %max3A_570 = arith.maximumf %max3A_556, %min3A_569 : vector<16xf32>
    %min3A_571 = arith.minimumf %max3A_556, %min3A_569 : vector<16xf32>
    %add3A_572 = arith.constant 6 : i32
    %add3A_573 = vector.broadcast %add3A_572 : i32 to vector<16xi32>
    %add3A_574 = arith.addi %add3A_487, %add3A_573 : vector<16xi32>
    %gather3A_575 = tpu.vector_load_idx %arg4[%add3A_574, %iota3A] : memref<1025x16xf32, #tpu.memory_space<vmem>>[vector<16xi32>, vector<16xi32>], vector<16xf32>,
    %max3A_576 = arith.maximumf %max3A_562, %gather3A_575 : vector<16xf32>
    %min3A_577 = arith.minimumf %max3A_562, %gather3A_575 : vector<16xf32>
    %max3A_578 = arith.maximumf %max3A_564, %min3A_577 : vector<16xf32>
    %min3A_579 = arith.minimumf %max3A_564, %min3A_577 : vector<16xf32>
    %max3A_580 = arith.maximumf %max3A_566, %min3A_579 : vector<16xf32>
    %min3A_581 = arith.minimumf %max3A_566, %min3A_579 : vector<16xf32>
    %max3A_582 = arith.maximumf %max3A_568, %min3A_581 : vector<16xf32>
    %min3A_583 = arith.minimumf %max3A_568, %min3A_581 : vector<16xf32>
    %max3A_584 = arith.maximumf %max3A_570, %min3A_583 : vector<16xf32>
    %min3A_585 = arith.minimumf %max3A_570, %min3A_583 : vector<16xf32>
    %add3A_586 = arith.constant 7 : i32
    %add3A_587 = vector.broadcast %add3A_586 : i32 to vector<16xi32>
    %add3A_588 = arith.addi %add3A_487, %add3A_587 : vector<16xi32>
    %gather3A_589 = tpu.vector_load_idx %arg4[%add3A_588, %iota3A] : memref<1025x16xf32, #tpu.memory_space<vmem>>[vector<16xi32>, vector<16xi32>], vector<16xf32>,
    %max3A_590 = arith.maximumf %max3A_576, %gather3A_589 : vector<16xf32>
    %min3A_591 = arith.minimumf %max3A_576, %gather3A_589 : vector<16xf32>
    %max3A_592 = arith.maximumf %max3A_578, %min3A_591 : vector<16xf32>
    %min3A_593 = arith.minimumf %max3A_578, %min3A_591 : vector<16xf32>
    %max3A_594 = arith.maximumf %max3A_580, %min3A_593 : vector<16xf32>
    %min3A_595 = arith.minimumf %max3A_580, %min3A_593 : vector<16xf32>
    %max3A_596 = arith.maximumf %max3A_582, %min3A_595 : vector<16xf32>
    %min3A_597 = arith.minimumf %max3A_582, %min3A_595 : vector<16xf32>
    %max3A_598 = arith.maximumf %max3A_584, %min3A_597 : vector<16xf32>
    %min3A_599 = arith.minimumf %max3A_584, %min3A_597 : vector<16xf32>
    %add3A_600 = arith.constant 8 : i32
    %add3A_601 = vector.broadcast %add3A_600 : i32 to vector<16xi32>
    %add3A_602 = arith.addi %add3A_487, %add3A_601 : vector<16xi32>
    %gather3A_603 = tpu.vector_load_idx %arg4[%add3A_602, %iota3A] : memref<1025x16xf32, #tpu.memory_space<vmem>>[vector<16xi32>, vector<16xi32>], vector<16xf32>,
    %max3A_604 = arith.maximumf %max3A_590, %gather3A_603 : vector<16xf32>
    %min3A_605 = arith.minimumf %max3A_590, %gather3A_603 : vector<16xf32>
    %max3A_606 = arith.maximumf %max3A_592, %min3A_605 : vector<16xf32>
    %min3A_607 = arith.minimumf %max3A_592, %min3A_605 : vector<16xf32>
    %max3A_608 = arith.maximumf %max3A_594, %min3A_607 : vector<16xf32>
    %min3A_609 = arith.minimumf %max3A_594, %min3A_607 : vector<16xf32>
    %max3A_610 = arith.maximumf %max3A_596, %min3A_609 : vector<16xf32>
    %min3A_611 = arith.minimumf %max3A_596, %min3A_609 : vector<16xf32>
    %max3A_612 = arith.maximumf %max3A_598, %min3A_611 : vector<16xf32>
    %min3A_613 = arith.minimumf %max3A_598, %min3A_611 : vector<16xf32>
    %add3A_614 = arith.constant 9 : i32
    %add3A_615 = vector.broadcast %add3A_614 : i32 to vector<16xi32>
    %add3A_616 = arith.addi %add3A_487, %add3A_615 : vector<16xi32>
    %gather3A_617 = tpu.vector_load_idx %arg4[%add3A_616, %iota3A] : memref<1025x16xf32, #tpu.memory_space<vmem>>[vector<16xi32>, vector<16xi32>], vector<16xf32>,
    %max3A_618 = arith.maximumf %max3A_604, %gather3A_617 : vector<16xf32>
    %min3A_619 = arith.minimumf %max3A_604, %gather3A_617 : vector<16xf32>
    %max3A_620 = arith.maximumf %max3A_606, %min3A_619 : vector<16xf32>
    %min3A_621 = arith.minimumf %max3A_606, %min3A_619 : vector<16xf32>
    %max3A_622 = arith.maximumf %max3A_608, %min3A_621 : vector<16xf32>
    %min3A_623 = arith.minimumf %max3A_608, %min3A_621 : vector<16xf32>
    %max3A_624 = arith.maximumf %max3A_610, %min3A_623 : vector<16xf32>
    %min3A_625 = arith.minimumf %max3A_610, %min3A_623 : vector<16xf32>
    %max3A_626 = arith.maximumf %max3A_612, %min3A_625 : vector<16xf32>
    %min3A_627 = arith.minimumf %max3A_612, %min3A_625 : vector<16xf32>
    %add3A_628 = arith.constant 10 : i32
    %add3A_629 = vector.broadcast %add3A_628 : i32 to vector<16xi32>
    %add3A_630 = arith.addi %add3A_487, %add3A_629 : vector<16xi32>
    %gather3A_631 = tpu.vector_load_idx %arg4[%add3A_630, %iota3A] : memref<1025x16xf32, #tpu.memory_space<vmem>>[vector<16xi32>, vector<16xi32>], vector<16xf32>,
    %max3A_632 = arith.maximumf %max3A_618, %gather3A_631 : vector<16xf32>
    %min3A_633 = arith.minimumf %max3A_618, %gather3A_631 : vector<16xf32>
    %max3A_634 = arith.maximumf %max3A_620, %min3A_633 : vector<16xf32>
    %min3A_635 = arith.minimumf %max3A_620, %min3A_633 : vector<16xf32>
    %max3A_636 = arith.maximumf %max3A_622, %min3A_635 : vector<16xf32>
    %min3A_637 = arith.minimumf %max3A_622, %min3A_635 : vector<16xf32>
    %max3A_638 = arith.maximumf %max3A_624, %min3A_637 : vector<16xf32>
    %min3A_639 = arith.minimumf %max3A_624, %min3A_637 : vector<16xf32>
    %max3A_640 = arith.maximumf %max3A_626, %min3A_639 : vector<16xf32>
    %min3A_641 = arith.minimumf %max3A_626, %min3A_639 : vector<16xf32>
    %add3A_642 = arith.constant 11 : i32
    %add3A_643 = vector.broadcast %add3A_642 : i32 to vector<16xi32>
    %add3A_644 = arith.addi %add3A_487, %add3A_643 : vector<16xi32>
    %gather3A_645 = tpu.vector_load_idx %arg4[%add3A_644, %iota3A] : memref<1025x16xf32, #tpu.memory_space<vmem>>[vector<16xi32>, vector<16xi32>], vector<16xf32>,
    %max3A_646 = arith.maximumf %max3A_632, %gather3A_645 : vector<16xf32>
    %min3A_647 = arith.minimumf %max3A_632, %gather3A_645 : vector<16xf32>
    %max3A_648 = arith.maximumf %max3A_634, %min3A_647 : vector<16xf32>
    %min3A_649 = arith.minimumf %max3A_634, %min3A_647 : vector<16xf32>
    %max3A_650 = arith.maximumf %max3A_636, %min3A_649 : vector<16xf32>
    %min3A_651 = arith.minimumf %max3A_636, %min3A_649 : vector<16xf32>
    %max3A_652 = arith.maximumf %max3A_638, %min3A_651 : vector<16xf32>
    %min3A_653 = arith.minimumf %max3A_638, %min3A_651 : vector<16xf32>
    %max3A_654 = arith.maximumf %max3A_640, %min3A_653 : vector<16xf32>
    %min3A_655 = arith.minimumf %max3A_640, %min3A_653 : vector<16xf32>
    %add3A_656 = arith.constant 12 : i32
    %add3A_657 = vector.broadcast %add3A_656 : i32 to vector<16xi32>
    %add3A_658 = arith.addi %add3A_487, %add3A_657 : vector<16xi32>
    %gather3A_659 = tpu.vector_load_idx %arg4[%add3A_658, %iota3A] : memref<1025x16xf32, #tpu.memory_space<vmem>>[vector<16xi32>, vector<16xi32>], vector<16xf32>,
    %max3A_660 = arith.maximumf %max3A_646, %gather3A_659 : vector<16xf32>
    %min3A_661 = arith.minimumf %max3A_646, %gather3A_659 : vector<16xf32>
    %max3A_662 = arith.maximumf %max3A_648, %min3A_661 : vector<16xf32>
    %min3A_663 = arith.minimumf %max3A_648, %min3A_661 : vector<16xf32>
    %max3A_664 = arith.maximumf %max3A_650, %min3A_663 : vector<16xf32>
    %min3A_665 = arith.minimumf %max3A_650, %min3A_663 : vector<16xf32>
    %max3A_666 = arith.maximumf %max3A_652, %min3A_665 : vector<16xf32>
    %min3A_667 = arith.minimumf %max3A_652, %min3A_665 : vector<16xf32>
    %max3A_668 = arith.maximumf %max3A_654, %min3A_667 : vector<16xf32>
    %min3A_669 = arith.minimumf %max3A_654, %min3A_667 : vector<16xf32>
    %add3A_670 = arith.constant 13 : i32
    %add3A_671 = vector.broadcast %add3A_670 : i32 to vector<16xi32>
    %add3A_672 = arith.addi %add3A_487, %add3A_671 : vector<16xi32>
    %gather3A_673 = tpu.vector_load_idx %arg4[%add3A_672, %iota3A] : memref<1025x16xf32, #tpu.memory_space<vmem>>[vector<16xi32>, vector<16xi32>], vector<16xf32>,
    %max3A_674 = arith.maximumf %max3A_660, %gather3A_673 : vector<16xf32>
    %min3A_675 = arith.minimumf %max3A_660, %gather3A_673 : vector<16xf32>
    %max3A_676 = arith.maximumf %max3A_662, %min3A_675 : vector<16xf32>
    %min3A_677 = arith.minimumf %max3A_662, %min3A_675 : vector<16xf32>
    %max3A_678 = arith.maximumf %max3A_664, %min3A_677 : vector<16xf32>
    %min3A_679 = arith.minimumf %max3A_664, %min3A_677 : vector<16xf32>
    %max3A_680 = arith.maximumf %max3A_666, %min3A_679 : vector<16xf32>
    %min3A_681 = arith.minimumf %max3A_666, %min3A_679 : vector<16xf32>
    %max3A_682 = arith.maximumf %max3A_668, %min3A_681 : vector<16xf32>
    %min3A_683 = arith.minimumf %max3A_668, %min3A_681 : vector<16xf32>
    %add3A_684 = arith.constant 14 : i32
    %add3A_685 = vector.broadcast %add3A_684 : i32 to vector<16xi32>
    %add3A_686 = arith.addi %add3A_487, %add3A_685 : vector<16xi32>
    %gather3A_687 = tpu.vector_load_idx %arg4[%add3A_686, %iota3A] : memref<1025x16xf32, #tpu.memory_space<vmem>>[vector<16xi32>, vector<16xi32>], vector<16xf32>,
    %max3A_688 = arith.maximumf %max3A_674, %gather3A_687 : vector<16xf32>
    %min3A_689 = arith.minimumf %max3A_674, %gather3A_687 : vector<16xf32>
    %max3A_690 = arith.maximumf %max3A_676, %min3A_689 : vector<16xf32>
    %min3A_691 = arith.minimumf %max3A_676, %min3A_689 : vector<16xf32>
    %max3A_692 = arith.maximumf %max3A_678, %min3A_691 : vector<16xf32>
    %min3A_693 = arith.minimumf %max3A_678, %min3A_691 : vector<16xf32>
    %max3A_694 = arith.maximumf %max3A_680, %min3A_693 : vector<16xf32>
    %min3A_695 = arith.minimumf %max3A_680, %min3A_693 : vector<16xf32>
    %max3A_696 = arith.maximumf %max3A_682, %min3A_695 : vector<16xf32>
    %min3A_697 = arith.minimumf %max3A_682, %min3A_695 : vector<16xf32>
    %add3A_698 = arith.constant 15 : i32
    %add3A_699 = vector.broadcast %add3A_698 : i32 to vector<16xi32>
    %add3A_700 = arith.addi %add3A_487, %add3A_699 : vector<16xi32>
    %gather3A_701 = tpu.vector_load_idx %arg4[%add3A_700, %iota3A] : memref<1025x16xf32, #tpu.memory_space<vmem>>[vector<16xi32>, vector<16xi32>], vector<16xf32>,
    %max3A_702 = arith.maximumf %max3A_688, %gather3A_701 : vector<16xf32>
    %min3A_703 = arith.minimumf %max3A_688, %gather3A_701 : vector<16xf32>
    %max3A_704 = arith.maximumf %max3A_690, %min3A_703 : vector<16xf32>
    %min3A_705 = arith.minimumf %max3A_690, %min3A_703 : vector<16xf32>
    %max3A_706 = arith.maximumf %max3A_692, %min3A_705 : vector<16xf32>
    %min3A_707 = arith.minimumf %max3A_692, %min3A_705 : vector<16xf32>
    %max3A_708 = arith.maximumf %max3A_694, %min3A_707 : vector<16xf32>
    %min3A_709 = arith.minimumf %max3A_694, %min3A_707 : vector<16xf32>
    %max3A_710 = arith.maximumf %max3A_696, %min3A_709 : vector<16xf32>
    %min3A_711 = arith.minimumf %max3A_696, %min3A_709 : vector<16xf32>
    %mul3A_712 = arith.constant 16 : i32
    %mul3A_713 = vector.broadcast %mul3A_712 : i32 to vector<16xi32>
    %mul3A_714 = arith.muli %scan3A_24#8, %mul3A_713 : vector<16xi32>
    %add3A_715 = arith.constant 1 : i32
    %add3A_716 = vector.broadcast %add3A_715 : i32 to vector<16xi32>
    %add3A_717 = arith.addi %add3A_716, %mul3A_714 : vector<16xi32>
    %add3A_718 = arith.constant 0 : i32
    %add3A_719 = vector.broadcast %add3A_718 : i32 to vector<16xi32>
    %add3A_720 = arith.addi %add3A_717, %add3A_719 : vector<16xi32>
    %gather3A_721 = tpu.vector_load_idx %arg4[%add3A_720, %iota3A] : memref<1025x16xf32, #tpu.memory_space<vmem>>[vector<16xi32>, vector<16xi32>], vector<16xf32>,
    %max3A_722 = arith.maximumf %max3A_702, %gather3A_721 : vector<16xf32>
    %min3A_723 = arith.minimumf %max3A_702, %gather3A_721 : vector<16xf32>
    %max3A_724 = arith.maximumf %max3A_704, %min3A_723 : vector<16xf32>
    %min3A_725 = arith.minimumf %max3A_704, %min3A_723 : vector<16xf32>
    %max3A_726 = arith.maximumf %max3A_706, %min3A_725 : vector<16xf32>
    %min3A_727 = arith.minimumf %max3A_706, %min3A_725 : vector<16xf32>
    %max3A_728 = arith.maximumf %max3A_708, %min3A_727 : vector<16xf32>
    %min3A_729 = arith.minimumf %max3A_708, %min3A_727 : vector<16xf32>
    %max3A_730 = arith.maximumf %max3A_710, %min3A_729 : vector<16xf32>
    %min3A_731 = arith.minimumf %max3A_710, %min3A_729 : vector<16xf32>
    %add3A_732 = arith.constant 1 : i32
    %add3A_733 = vector.broadcast %add3A_732 : i32 to vector<16xi32>
    %add3A_734 = arith.addi %add3A_717, %add3A_733 : vector<16xi32>
    %gather3A_735 = tpu.vector_load_idx %arg4[%add3A_734, %iota3A] : memref<1025x16xf32, #tpu.memory_space<vmem>>[vector<16xi32>, vector<16xi32>], vector<16xf32>,
    %max3A_736 = arith.maximumf %max3A_722, %gather3A_735 : vector<16xf32>
    %min3A_737 = arith.minimumf %max3A_722, %gather3A_735 : vector<16xf32>
    %max3A_738 = arith.maximumf %max3A_724, %min3A_737 : vector<16xf32>
    %min3A_739 = arith.minimumf %max3A_724, %min3A_737 : vector<16xf32>
    %max3A_740 = arith.maximumf %max3A_726, %min3A_739 : vector<16xf32>
    %min3A_741 = arith.minimumf %max3A_726, %min3A_739 : vector<16xf32>
    %max3A_742 = arith.maximumf %max3A_728, %min3A_741 : vector<16xf32>
    %min3A_743 = arith.minimumf %max3A_728, %min3A_741 : vector<16xf32>
    %max3A_744 = arith.maximumf %max3A_730, %min3A_743 : vector<16xf32>
    %min3A_745 = arith.minimumf %max3A_730, %min3A_743 : vector<16xf32>
    %add3A_746 = arith.constant 2 : i32
    %add3A_747 = vector.broadcast %add3A_746 : i32 to vector<16xi32>
    %add3A_748 = arith.addi %add3A_717, %add3A_747 : vector<16xi32>
    %gather3A_749 = tpu.vector_load_idx %arg4[%add3A_748, %iota3A] : memref<1025x16xf32, #tpu.memory_space<vmem>>[vector<16xi32>, vector<16xi32>], vector<16xf32>,
    %max3A_750 = arith.maximumf %max3A_736, %gather3A_749 : vector<16xf32>
    %min3A_751 = arith.minimumf %max3A_736, %gather3A_749 : vector<16xf32>
    %max3A_752 = arith.maximumf %max3A_738, %min3A_751 : vector<16xf32>
    %min3A_753 = arith.minimumf %max3A_738, %min3A_751 : vector<16xf32>
    %max3A_754 = arith.maximumf %max3A_740, %min3A_753 : vector<16xf32>
    %min3A_755 = arith.minimumf %max3A_740, %min3A_753 : vector<16xf32>
    %max3A_756 = arith.maximumf %max3A_742, %min3A_755 : vector<16xf32>
    %min3A_757 = arith.minimumf %max3A_742, %min3A_755 : vector<16xf32>
    %max3A_758 = arith.maximumf %max3A_744, %min3A_757 : vector<16xf32>
    %min3A_759 = arith.minimumf %max3A_744, %min3A_757 : vector<16xf32>
    %add3A_760 = arith.constant 3 : i32
    %add3A_761 = vector.broadcast %add3A_760 : i32 to vector<16xi32>
    %add3A_762 = arith.addi %add3A_717, %add3A_761 : vector<16xi32>
    %gather3A_763 = tpu.vector_load_idx %arg4[%add3A_762, %iota3A] : memref<1025x16xf32, #tpu.memory_space<vmem>>[vector<16xi32>, vector<16xi32>], vector<16xf32>,
    %max3A_764 = arith.maximumf %max3A_750, %gather3A_763 : vector<16xf32>
    %min3A_765 = arith.minimumf %max3A_750, %gather3A_763 : vector<16xf32>
    %max3A_766 = arith.maximumf %max3A_752, %min3A_765 : vector<16xf32>
    %min3A_767 = arith.minimumf %max3A_752, %min3A_765 : vector<16xf32>
    %max3A_768 = arith.maximumf %max3A_754, %min3A_767 : vector<16xf32>
    %min3A_769 = arith.minimumf %max3A_754, %min3A_767 : vector<16xf32>
    %max3A_770 = arith.maximumf %max3A_756, %min3A_769 : vector<16xf32>
    %min3A_771 = arith.minimumf %max3A_756, %min3A_769 : vector<16xf32>
    %max3A_772 = arith.maximumf %max3A_758, %min3A_771 : vector<16xf32>
    %min3A_773 = arith.minimumf %max3A_758, %min3A_771 : vector<16xf32>
    %add3A_774 = arith.constant 4 : i32
    %add3A_775 = vector.broadcast %add3A_774 : i32 to vector<16xi32>
    %add3A_776 = arith.addi %add3A_717, %add3A_775 : vector<16xi32>
    %gather3A_777 = tpu.vector_load_idx %arg4[%add3A_776, %iota3A] : memref<1025x16xf32, #tpu.memory_space<vmem>>[vector<16xi32>, vector<16xi32>], vector<16xf32>,
    %max3A_778 = arith.maximumf %max3A_764, %gather3A_777 : vector<16xf32>
    %min3A_779 = arith.minimumf %max3A_764, %gather3A_777 : vector<16xf32>
    %max3A_780 = arith.maximumf %max3A_766, %min3A_779 : vector<16xf32>
    %min3A_781 = arith.minimumf %max3A_766, %min3A_779 : vector<16xf32>
    %max3A_782 = arith.maximumf %max3A_768, %min3A_781 : vector<16xf32>
    %min3A_783 = arith.minimumf %max3A_768, %min3A_781 : vector<16xf32>
    %max3A_784 = arith.maximumf %max3A_770, %min3A_783 : vector<16xf32>
    %min3A_785 = arith.minimumf %max3A_770, %min3A_783 : vector<16xf32>
    %max3A_786 = arith.maximumf %max3A_772, %min3A_785 : vector<16xf32>
    %min3A_787 = arith.minimumf %max3A_772, %min3A_785 : vector<16xf32>
    %add3A_788 = arith.constant 5 : i32
    %add3A_789 = vector.broadcast %add3A_788 : i32 to vector<16xi32>
    %add3A_790 = arith.addi %add3A_717, %add3A_789 : vector<16xi32>
    %gather3A_791 = tpu.vector_load_idx %arg4[%add3A_790, %iota3A] : memref<1025x16xf32, #tpu.memory_space<vmem>>[vector<16xi32>, vector<16xi32>], vector<16xf32>,
    %max3A_792 = arith.maximumf %max3A_778, %gather3A_791 : vector<16xf32>
    %min3A_793 = arith.minimumf %max3A_778, %gather3A_791 : vector<16xf32>
    %max3A_794 = arith.maximumf %max3A_780, %min3A_793 : vector<16xf32>
    %min3A_795 = arith.minimumf %max3A_780, %min3A_793 : vector<16xf32>
    %max3A_796 = arith.maximumf %max3A_782, %min3A_795 : vector<16xf32>
    %min3A_797 = arith.minimumf %max3A_782, %min3A_795 : vector<16xf32>
    %max3A_798 = arith.maximumf %max3A_784, %min3A_797 : vector<16xf32>
    %min3A_799 = arith.minimumf %max3A_784, %min3A_797 : vector<16xf32>
    %max3A_800 = arith.maximumf %max3A_786, %min3A_799 : vector<16xf32>
    %min3A_801 = arith.minimumf %max3A_786, %min3A_799 : vector<16xf32>
    %add3A_802 = arith.constant 6 : i32
    %add3A_803 = vector.broadcast %add3A_802 : i32 to vector<16xi32>
    %add3A_804 = arith.addi %add3A_717, %add3A_803 : vector<16xi32>
    %gather3A_805 = tpu.vector_load_idx %arg4[%add3A_804, %iota3A] : memref<1025x16xf32, #tpu.memory_space<vmem>>[vector<16xi32>, vector<16xi32>], vector<16xf32>,
    %max3A_806 = arith.maximumf %max3A_792, %gather3A_805 : vector<16xf32>
    %min3A_807 = arith.minimumf %max3A_792, %gather3A_805 : vector<16xf32>
    %max3A_808 = arith.maximumf %max3A_794, %min3A_807 : vector<16xf32>
    %min3A_809 = arith.minimumf %max3A_794, %min3A_807 : vector<16xf32>
    %max3A_810 = arith.maximumf %max3A_796, %min3A_809 : vector<16xf32>
    %min3A_811 = arith.minimumf %max3A_796, %min3A_809 : vector<16xf32>
    %max3A_812 = arith.maximumf %max3A_798, %min3A_811 : vector<16xf32>
    %min3A_813 = arith.minimumf %max3A_798, %min3A_811 : vector<16xf32>
    %max3A_814 = arith.maximumf %max3A_800, %min3A_813 : vector<16xf32>
    %min3A_815 = arith.minimumf %max3A_800, %min3A_813 : vector<16xf32>
    %add3A_816 = arith.constant 7 : i32
    %add3A_817 = vector.broadcast %add3A_816 : i32 to vector<16xi32>
    %add3A_818 = arith.addi %add3A_717, %add3A_817 : vector<16xi32>
    %gather3A_819 = tpu.vector_load_idx %arg4[%add3A_818, %iota3A] : memref<1025x16xf32, #tpu.memory_space<vmem>>[vector<16xi32>, vector<16xi32>], vector<16xf32>,
    %max3A_820 = arith.maximumf %max3A_806, %gather3A_819 : vector<16xf32>
    %min3A_821 = arith.minimumf %max3A_806, %gather3A_819 : vector<16xf32>
    %max3A_822 = arith.maximumf %max3A_808, %min3A_821 : vector<16xf32>
    %min3A_823 = arith.minimumf %max3A_808, %min3A_821 : vector<16xf32>
    %max3A_824 = arith.maximumf %max3A_810, %min3A_823 : vector<16xf32>
    %min3A_825 = arith.minimumf %max3A_810, %min3A_823 : vector<16xf32>
    %max3A_826 = arith.maximumf %max3A_812, %min3A_825 : vector<16xf32>
    %min3A_827 = arith.minimumf %max3A_812, %min3A_825 : vector<16xf32>
    %max3A_828 = arith.maximumf %max3A_814, %min3A_827 : vector<16xf32>
    %min3A_829 = arith.minimumf %max3A_814, %min3A_827 : vector<16xf32>
    %add3A_830 = arith.constant 8 : i32
    %add3A_831 = vector.broadcast %add3A_830 : i32 to vector<16xi32>
    %add3A_832 = arith.addi %add3A_717, %add3A_831 : vector<16xi32>
    %gather3A_833 = tpu.vector_load_idx %arg4[%add3A_832, %iota3A] : memref<1025x16xf32, #tpu.memory_space<vmem>>[vector<16xi32>, vector<16xi32>], vector<16xf32>,
    %max3A_834 = arith.maximumf %max3A_820, %gather3A_833 : vector<16xf32>
    %min3A_835 = arith.minimumf %max3A_820, %gather3A_833 : vector<16xf32>
    %max3A_836 = arith.maximumf %max3A_822, %min3A_835 : vector<16xf32>
    %min3A_837 = arith.minimumf %max3A_822, %min3A_835 : vector<16xf32>
    %max3A_838 = arith.maximumf %max3A_824, %min3A_837 : vector<16xf32>
    %min3A_839 = arith.minimumf %max3A_824, %min3A_837 : vector<16xf32>
    %max3A_840 = arith.maximumf %max3A_826, %min3A_839 : vector<16xf32>
    %min3A_841 = arith.minimumf %max3A_826, %min3A_839 : vector<16xf32>
    %max3A_842 = arith.maximumf %max3A_828, %min3A_841 : vector<16xf32>
    %min3A_843 = arith.minimumf %max3A_828, %min3A_841 : vector<16xf32>
    %add3A_844 = arith.constant 9 : i32
    %add3A_845 = vector.broadcast %add3A_844 : i32 to vector<16xi32>
    %add3A_846 = arith.addi %add3A_717, %add3A_845 : vector<16xi32>
    %gather3A_847 = tpu.vector_load_idx %arg4[%add3A_846, %iota3A] : memref<1025x16xf32, #tpu.memory_space<vmem>>[vector<16xi32>, vector<16xi32>], vector<16xf32>,
    %max3A_848 = arith.maximumf %max3A_834, %gather3A_847 : vector<16xf32>
    %min3A_849 = arith.minimumf %max3A_834, %gather3A_847 : vector<16xf32>
    %max3A_850 = arith.maximumf %max3A_836, %min3A_849 : vector<16xf32>
    %min3A_851 = arith.minimumf %max3A_836, %min3A_849 : vector<16xf32>
    %max3A_852 = arith.maximumf %max3A_838, %min3A_851 : vector<16xf32>
    %min3A_853 = arith.minimumf %max3A_838, %min3A_851 : vector<16xf32>
    %max3A_854 = arith.maximumf %max3A_840, %min3A_853 : vector<16xf32>
    %min3A_855 = arith.minimumf %max3A_840, %min3A_853 : vector<16xf32>
    %max3A_856 = arith.maximumf %max3A_842, %min3A_855 : vector<16xf32>
    %min3A_857 = arith.minimumf %max3A_842, %min3A_855 : vector<16xf32>
    %add3A_858 = arith.constant 10 : i32
    %add3A_859 = vector.broadcast %add3A_858 : i32 to vector<16xi32>
    %add3A_860 = arith.addi %add3A_717, %add3A_859 : vector<16xi32>
    %gather3A_861 = tpu.vector_load_idx %arg4[%add3A_860, %iota3A] : memref<1025x16xf32, #tpu.memory_space<vmem>>[vector<16xi32>, vector<16xi32>], vector<16xf32>,
    %max3A_862 = arith.maximumf %max3A_848, %gather3A_861 : vector<16xf32>
    %min3A_863 = arith.minimumf %max3A_848, %gather3A_861 : vector<16xf32>
    %max3A_864 = arith.maximumf %max3A_850, %min3A_863 : vector<16xf32>
    %min3A_865 = arith.minimumf %max3A_850, %min3A_863 : vector<16xf32>
    %max3A_866 = arith.maximumf %max3A_852, %min3A_865 : vector<16xf32>
    %min3A_867 = arith.minimumf %max3A_852, %min3A_865 : vector<16xf32>
    %max3A_868 = arith.maximumf %max3A_854, %min3A_867 : vector<16xf32>
    %min3A_869 = arith.minimumf %max3A_854, %min3A_867 : vector<16xf32>
    %max3A_870 = arith.maximumf %max3A_856, %min3A_869 : vector<16xf32>
    %min3A_871 = arith.minimumf %max3A_856, %min3A_869 : vector<16xf32>
    %add3A_872 = arith.constant 11 : i32
    %add3A_873 = vector.broadcast %add3A_872 : i32 to vector<16xi32>
    %add3A_874 = arith.addi %add3A_717, %add3A_873 : vector<16xi32>
    %gather3A_875 = tpu.vector_load_idx %arg4[%add3A_874, %iota3A] : memref<1025x16xf32, #tpu.memory_space<vmem>>[vector<16xi32>, vector<16xi32>], vector<16xf32>,
    %max3A_876 = arith.maximumf %max3A_862, %gather3A_875 : vector<16xf32>
    %min3A_877 = arith.minimumf %max3A_862, %gather3A_875 : vector<16xf32>
    %max3A_878 = arith.maximumf %max3A_864, %min3A_877 : vector<16xf32>
    %min3A_879 = arith.minimumf %max3A_864, %min3A_877 : vector<16xf32>
    %max3A_880 = arith.maximumf %max3A_866, %min3A_879 : vector<16xf32>
    %min3A_881 = arith.minimumf %max3A_866, %min3A_879 : vector<16xf32>
    %max3A_882 = arith.maximumf %max3A_868, %min3A_881 : vector<16xf32>
    %min3A_883 = arith.minimumf %max3A_868, %min3A_881 : vector<16xf32>
    %max3A_884 = arith.maximumf %max3A_870, %min3A_883 : vector<16xf32>
    %min3A_885 = arith.minimumf %max3A_870, %min3A_883 : vector<16xf32>
    %add3A_886 = arith.constant 12 : i32
    %add3A_887 = vector.broadcast %add3A_886 : i32 to vector<16xi32>
    %add3A_888 = arith.addi %add3A_717, %add3A_887 : vector<16xi32>
    %gather3A_889 = tpu.vector_load_idx %arg4[%add3A_888, %iota3A] : memref<1025x16xf32, #tpu.memory_space<vmem>>[vector<16xi32>, vector<16xi32>], vector<16xf32>,
    %max3A_890 = arith.maximumf %max3A_876, %gather3A_889 : vector<16xf32>
    %min3A_891 = arith.minimumf %max3A_876, %gather3A_889 : vector<16xf32>
    %max3A_892 = arith.maximumf %max3A_878, %min3A_891 : vector<16xf32>
    %min3A_893 = arith.minimumf %max3A_878, %min3A_891 : vector<16xf32>
    %max3A_894 = arith.maximumf %max3A_880, %min3A_893 : vector<16xf32>
    %min3A_895 = arith.minimumf %max3A_880, %min3A_893 : vector<16xf32>
    %max3A_896 = arith.maximumf %max3A_882, %min3A_895 : vector<16xf32>
    %min3A_897 = arith.minimumf %max3A_882, %min3A_895 : vector<16xf32>
    %max3A_898 = arith.maximumf %max3A_884, %min3A_897 : vector<16xf32>
    %min3A_899 = arith.minimumf %max3A_884, %min3A_897 : vector<16xf32>
    %add3A_900 = arith.constant 13 : i32
    %add3A_901 = vector.broadcast %add3A_900 : i32 to vector<16xi32>
    %add3A_902 = arith.addi %add3A_717, %add3A_901 : vector<16xi32>
    %gather3A_903 = tpu.vector_load_idx %arg4[%add3A_902, %iota3A] : memref<1025x16xf32, #tpu.memory_space<vmem>>[vector<16xi32>, vector<16xi32>], vector<16xf32>,
    %max3A_904 = arith.maximumf %max3A_890, %gather3A_903 : vector<16xf32>
    %min3A_905 = arith.minimumf %max3A_890, %gather3A_903 : vector<16xf32>
    %max3A_906 = arith.maximumf %max3A_892, %min3A_905 : vector<16xf32>
    %min3A_907 = arith.minimumf %max3A_892, %min3A_905 : vector<16xf32>
    %max3A_908 = arith.maximumf %max3A_894, %min3A_907 : vector<16xf32>
    %min3A_909 = arith.minimumf %max3A_894, %min3A_907 : vector<16xf32>
    %max3A_910 = arith.maximumf %max3A_896, %min3A_909 : vector<16xf32>
    %min3A_911 = arith.minimumf %max3A_896, %min3A_909 : vector<16xf32>
    %max3A_912 = arith.maximumf %max3A_898, %min3A_911 : vector<16xf32>
    %min3A_913 = arith.minimumf %max3A_898, %min3A_911 : vector<16xf32>
    %add3A_914 = arith.constant 14 : i32
    %add3A_915 = vector.broadcast %add3A_914 : i32 to vector<16xi32>
    %add3A_916 = arith.addi %add3A_717, %add3A_915 : vector<16xi32>
    %gather3A_917 = tpu.vector_load_idx %arg4[%add3A_916, %iota3A] : memref<1025x16xf32, #tpu.memory_space<vmem>>[vector<16xi32>, vector<16xi32>], vector<16xf32>,
    %max3A_918 = arith.maximumf %max3A_904, %gather3A_917 : vector<16xf32>
    %min3A_919 = arith.minimumf %max3A_904, %gather3A_917 : vector<16xf32>
    %max3A_920 = arith.maximumf %max3A_906, %min3A_919 : vector<16xf32>
    %min3A_921 = arith.minimumf %max3A_906, %min3A_919 : vector<16xf32>
    %max3A_922 = arith.maximumf %max3A_908, %min3A_921 : vector<16xf32>
    %min3A_923 = arith.minimumf %max3A_908, %min3A_921 : vector<16xf32>
    %max3A_924 = arith.maximumf %max3A_910, %min3A_923 : vector<16xf32>
    %min3A_925 = arith.minimumf %max3A_910, %min3A_923 : vector<16xf32>
    %max3A_926 = arith.maximumf %max3A_912, %min3A_925 : vector<16xf32>
    %min3A_927 = arith.minimumf %max3A_912, %min3A_925 : vector<16xf32>
    %add3A_928 = arith.constant 15 : i32
    %add3A_929 = vector.broadcast %add3A_928 : i32 to vector<16xi32>
    %add3A_930 = arith.addi %add3A_717, %add3A_929 : vector<16xi32>
    %gather3A_931 = tpu.vector_load_idx %arg4[%add3A_930, %iota3A] : memref<1025x16xf32, #tpu.memory_space<vmem>>[vector<16xi32>, vector<16xi32>], vector<16xf32>,
    %max3A_932 = arith.maximumf %max3A_918, %gather3A_931 : vector<16xf32>
    %min3A_933 = arith.minimumf %max3A_918, %gather3A_931 : vector<16xf32>
    %max3A_934 = arith.maximumf %max3A_920, %min3A_933 : vector<16xf32>
    %min3A_935 = arith.minimumf %max3A_920, %min3A_933 : vector<16xf32>
    %max3A_936 = arith.maximumf %max3A_922, %min3A_935 : vector<16xf32>
    %min3A_937 = arith.minimumf %max3A_922, %min3A_935 : vector<16xf32>
    %max3A_938 = arith.maximumf %max3A_924, %min3A_937 : vector<16xf32>
    %min3A_939 = arith.minimumf %max3A_924, %min3A_937 : vector<16xf32>
    %max3A_940 = arith.maximumf %max3A_926, %min3A_939 : vector<16xf32>
    %min3A_941 = arith.minimumf %max3A_926, %min3A_939 : vector<16xf32>
    %mul3A_942 = arith.constant 16 : i32
    %mul3A_943 = vector.broadcast %mul3A_942 : i32 to vector<16xi32>
    %mul3A_944 = arith.muli %scan3A_24#9, %mul3A_943 : vector<16xi32>
    %add3A_945 = arith.constant 1 : i32
    %add3A_946 = vector.broadcast %add3A_945 : i32 to vector<16xi32>
    %add3A_947 = arith.addi %add3A_946, %mul3A_944 : vector<16xi32>
    %add3A_948 = arith.constant 0 : i32
    %add3A_949 = vector.broadcast %add3A_948 : i32 to vector<16xi32>
    %add3A_950 = arith.addi %add3A_947, %add3A_949 : vector<16xi32>
    %gather3A_951 = tpu.vector_load_idx %arg4[%add3A_950, %iota3A] : memref<1025x16xf32, #tpu.memory_space<vmem>>[vector<16xi32>, vector<16xi32>], vector<16xf32>,
    %max3A_952 = arith.maximumf %max3A_932, %gather3A_951 : vector<16xf32>
    %min3A_953 = arith.minimumf %max3A_932, %gather3A_951 : vector<16xf32>
    %max3A_954 = arith.maximumf %max3A_934, %min3A_953 : vector<16xf32>
    %min3A_955 = arith.minimumf %max3A_934, %min3A_953 : vector<16xf32>
    %max3A_956 = arith.maximumf %max3A_936, %min3A_955 : vector<16xf32>
    %min3A_957 = arith.minimumf %max3A_936, %min3A_955 : vector<16xf32>
    %max3A_958 = arith.maximumf %max3A_938, %min3A_957 : vector<16xf32>
    %min3A_959 = arith.minimumf %max3A_938, %min3A_957 : vector<16xf32>
    %max3A_960 = arith.maximumf %max3A_940, %min3A_959 : vector<16xf32>
    %min3A_961 = arith.minimumf %max3A_940, %min3A_959 : vector<16xf32>
    %add3A_962 = arith.constant 1 : i32
    %add3A_963 = vector.broadcast %add3A_962 : i32 to vector<16xi32>
    %add3A_964 = arith.addi %add3A_947, %add3A_963 : vector<16xi32>
    %gather3A_965 = tpu.vector_load_idx %arg4[%add3A_964, %iota3A] : memref<1025x16xf32, #tpu.memory_space<vmem>>[vector<16xi32>, vector<16xi32>], vector<16xf32>,
    %max3A_966 = arith.maximumf %max3A_952, %gather3A_965 : vector<16xf32>
    %min3A_967 = arith.minimumf %max3A_952, %gather3A_965 : vector<16xf32>
    %max3A_968 = arith.maximumf %max3A_954, %min3A_967 : vector<16xf32>
    %min3A_969 = arith.minimumf %max3A_954, %min3A_967 : vector<16xf32>
    %max3A_970 = arith.maximumf %max3A_956, %min3A_969 : vector<16xf32>
    %min3A_971 = arith.minimumf %max3A_956, %min3A_969 : vector<16xf32>
    %max3A_972 = arith.maximumf %max3A_958, %min3A_971 : vector<16xf32>
    %min3A_973 = arith.minimumf %max3A_958, %min3A_971 : vector<16xf32>
    %max3A_974 = arith.maximumf %max3A_960, %min3A_973 : vector<16xf32>
    %min3A_975 = arith.minimumf %max3A_960, %min3A_973 : vector<16xf32>
    %add3A_976 = arith.constant 2 : i32
    %add3A_977 = vector.broadcast %add3A_976 : i32 to vector<16xi32>
    %add3A_978 = arith.addi %add3A_947, %add3A_977 : vector<16xi32>
    %gather3A_979 = tpu.vector_load_idx %arg4[%add3A_978, %iota3A] : memref<1025x16xf32, #tpu.memory_space<vmem>>[vector<16xi32>, vector<16xi32>], vector<16xf32>,
    %max3A_980 = arith.maximumf %max3A_966, %gather3A_979 : vector<16xf32>
    %min3A_981 = arith.minimumf %max3A_966, %gather3A_979 : vector<16xf32>
    %max3A_982 = arith.maximumf %max3A_968, %min3A_981 : vector<16xf32>
    %min3A_983 = arith.minimumf %max3A_968, %min3A_981 : vector<16xf32>
    %max3A_984 = arith.maximumf %max3A_970, %min3A_983 : vector<16xf32>
    %min3A_985 = arith.minimumf %max3A_970, %min3A_983 : vector<16xf32>
    %max3A_986 = arith.maximumf %max3A_972, %min3A_985 : vector<16xf32>
    %min3A_987 = arith.minimumf %max3A_972, %min3A_985 : vector<16xf32>
    %max3A_988 = arith.maximumf %max3A_974, %min3A_987 : vector<16xf32>
    %min3A_989 = arith.minimumf %max3A_974, %min3A_987 : vector<16xf32>
    %add3A_990 = arith.constant 3 : i32
    %add3A_991 = vector.broadcast %add3A_990 : i32 to vector<16xi32>
    %add3A_992 = arith.addi %add3A_947, %add3A_991 : vector<16xi32>
    %gather3A_993 = tpu.vector_load_idx %arg4[%add3A_992, %iota3A] : memref<1025x16xf32, #tpu.memory_space<vmem>>[vector<16xi32>, vector<16xi32>], vector<16xf32>,
    %max3A_994 = arith.maximumf %max3A_980, %gather3A_993 : vector<16xf32>
    %min3A_995 = arith.minimumf %max3A_980, %gather3A_993 : vector<16xf32>
    %max3A_996 = arith.maximumf %max3A_982, %min3A_995 : vector<16xf32>
    %min3A_997 = arith.minimumf %max3A_982, %min3A_995 : vector<16xf32>
    %max3A_998 = arith.maximumf %max3A_984, %min3A_997 : vector<16xf32>
    %min3A_999 = arith.minimumf %max3A_984, %min3A_997 : vector<16xf32>
    %max3A_1000 = arith.maximumf %max3A_986, %min3A_999 : vector<16xf32>
    %min3A_1001 = arith.minimumf %max3A_986, %min3A_999 : vector<16xf32>
    %max3A_1002 = arith.maximumf %max3A_988, %min3A_1001 : vector<16xf32>
    %min3A_1003 = arith.minimumf %max3A_988, %min3A_1001 : vector<16xf32>
    %add3A_1004 = arith.constant 4 : i32
    %add3A_1005 = vector.broadcast %add3A_1004 : i32 to vector<16xi32>
    %add3A_1006 = arith.addi %add3A_947, %add3A_1005 : vector<16xi32>
    %gather3A_1007 = tpu.vector_load_idx %arg4[%add3A_1006, %iota3A] : memref<1025x16xf32, #tpu.memory_space<vmem>>[vector<16xi32>, vector<16xi32>], vector<16xf32>,
    %max3A_1008 = arith.maximumf %max3A_994, %gather3A_1007 : vector<16xf32>
    %min3A_1009 = arith.minimumf %max3A_994, %gather3A_1007 : vector<16xf32>
    %max3A_1010 = arith.maximumf %max3A_996, %min3A_1009 : vector<16xf32>
    %min3A_1011 = arith.minimumf %max3A_996, %min3A_1009 : vector<16xf32>
    %max3A_1012 = arith.maximumf %max3A_998, %min3A_1011 : vector<16xf32>
    %min3A_1013 = arith.minimumf %max3A_998, %min3A_1011 : vector<16xf32>
    %max3A_1014 = arith.maximumf %max3A_1000, %min3A_1013 : vector<16xf32>
    %min3A_1015 = arith.minimumf %max3A_1000, %min3A_1013 : vector<16xf32>
    %max3A_1016 = arith.maximumf %max3A_1002, %min3A_1015 : vector<16xf32>
    %min3A_1017 = arith.minimumf %max3A_1002, %min3A_1015 : vector<16xf32>
    %add3A_1018 = arith.constant 5 : i32
    %add3A_1019 = vector.broadcast %add3A_1018 : i32 to vector<16xi32>
    %add3A_1020 = arith.addi %add3A_947, %add3A_1019 : vector<16xi32>
    %gather3A_1021 = tpu.vector_load_idx %arg4[%add3A_1020, %iota3A] : memref<1025x16xf32, #tpu.memory_space<vmem>>[vector<16xi32>, vector<16xi32>], vector<16xf32>,
    %max3A_1022 = arith.maximumf %max3A_1008, %gather3A_1021 : vector<16xf32>
    %min3A_1023 = arith.minimumf %max3A_1008, %gather3A_1021 : vector<16xf32>
    %max3A_1024 = arith.maximumf %max3A_1010, %min3A_1023 : vector<16xf32>
    %min3A_1025 = arith.minimumf %max3A_1010, %min3A_1023 : vector<16xf32>
    %max3A_1026 = arith.maximumf %max3A_1012, %min3A_1025 : vector<16xf32>
    %min3A_1027 = arith.minimumf %max3A_1012, %min3A_1025 : vector<16xf32>
    %max3A_1028 = arith.maximumf %max3A_1014, %min3A_1027 : vector<16xf32>
    %min3A_1029 = arith.minimumf %max3A_1014, %min3A_1027 : vector<16xf32>
    %max3A_1030 = arith.maximumf %max3A_1016, %min3A_1029 : vector<16xf32>
    %min3A_1031 = arith.minimumf %max3A_1016, %min3A_1029 : vector<16xf32>
    %add3A_1032 = arith.constant 6 : i32
    %add3A_1033 = vector.broadcast %add3A_1032 : i32 to vector<16xi32>
    %add3A_1034 = arith.addi %add3A_947, %add3A_1033 : vector<16xi32>
    %gather3A_1035 = tpu.vector_load_idx %arg4[%add3A_1034, %iota3A] : memref<1025x16xf32, #tpu.memory_space<vmem>>[vector<16xi32>, vector<16xi32>], vector<16xf32>,
    %max3A_1036 = arith.maximumf %max3A_1022, %gather3A_1035 : vector<16xf32>
    %min3A_1037 = arith.minimumf %max3A_1022, %gather3A_1035 : vector<16xf32>
    %max3A_1038 = arith.maximumf %max3A_1024, %min3A_1037 : vector<16xf32>
    %min3A_1039 = arith.minimumf %max3A_1024, %min3A_1037 : vector<16xf32>
    %max3A_1040 = arith.maximumf %max3A_1026, %min3A_1039 : vector<16xf32>
    %min3A_1041 = arith.minimumf %max3A_1026, %min3A_1039 : vector<16xf32>
    %max3A_1042 = arith.maximumf %max3A_1028, %min3A_1041 : vector<16xf32>
    %min3A_1043 = arith.minimumf %max3A_1028, %min3A_1041 : vector<16xf32>
    %max3A_1044 = arith.maximumf %max3A_1030, %min3A_1043 : vector<16xf32>
    %min3A_1045 = arith.minimumf %max3A_1030, %min3A_1043 : vector<16xf32>
    %add3A_1046 = arith.constant 7 : i32
    %add3A_1047 = vector.broadcast %add3A_1046 : i32 to vector<16xi32>
    %add3A_1048 = arith.addi %add3A_947, %add3A_1047 : vector<16xi32>
    %gather3A_1049 = tpu.vector_load_idx %arg4[%add3A_1048, %iota3A] : memref<1025x16xf32, #tpu.memory_space<vmem>>[vector<16xi32>, vector<16xi32>], vector<16xf32>,
    %max3A_1050 = arith.maximumf %max3A_1036, %gather3A_1049 : vector<16xf32>
    %min3A_1051 = arith.minimumf %max3A_1036, %gather3A_1049 : vector<16xf32>
    %max3A_1052 = arith.maximumf %max3A_1038, %min3A_1051 : vector<16xf32>
    %min3A_1053 = arith.minimumf %max3A_1038, %min3A_1051 : vector<16xf32>
    %max3A_1054 = arith.maximumf %max3A_1040, %min3A_1053 : vector<16xf32>
    %min3A_1055 = arith.minimumf %max3A_1040, %min3A_1053 : vector<16xf32>
    %max3A_1056 = arith.maximumf %max3A_1042, %min3A_1055 : vector<16xf32>
    %min3A_1057 = arith.minimumf %max3A_1042, %min3A_1055 : vector<16xf32>
    %max3A_1058 = arith.maximumf %max3A_1044, %min3A_1057 : vector<16xf32>
    %min3A_1059 = arith.minimumf %max3A_1044, %min3A_1057 : vector<16xf32>
    %add3A_1060 = arith.constant 8 : i32
    %add3A_1061 = vector.broadcast %add3A_1060 : i32 to vector<16xi32>
    %add3A_1062 = arith.addi %add3A_947, %add3A_1061 : vector<16xi32>
    %gather3A_1063 = tpu.vector_load_idx %arg4[%add3A_1062, %iota3A] : memref<1025x16xf32, #tpu.memory_space<vmem>>[vector<16xi32>, vector<16xi32>], vector<16xf32>,
    %max3A_1064 = arith.maximumf %max3A_1050, %gather3A_1063 : vector<16xf32>
    %min3A_1065 = arith.minimumf %max3A_1050, %gather3A_1063 : vector<16xf32>
    %max3A_1066 = arith.maximumf %max3A_1052, %min3A_1065 : vector<16xf32>
    %min3A_1067 = arith.minimumf %max3A_1052, %min3A_1065 : vector<16xf32>
    %max3A_1068 = arith.maximumf %max3A_1054, %min3A_1067 : vector<16xf32>
    %min3A_1069 = arith.minimumf %max3A_1054, %min3A_1067 : vector<16xf32>
    %max3A_1070 = arith.maximumf %max3A_1056, %min3A_1069 : vector<16xf32>
    %min3A_1071 = arith.minimumf %max3A_1056, %min3A_1069 : vector<16xf32>
    %max3A_1072 = arith.maximumf %max3A_1058, %min3A_1071 : vector<16xf32>
    %min3A_1073 = arith.minimumf %max3A_1058, %min3A_1071 : vector<16xf32>
    %add3A_1074 = arith.constant 9 : i32
    %add3A_1075 = vector.broadcast %add3A_1074 : i32 to vector<16xi32>
    %add3A_1076 = arith.addi %add3A_947, %add3A_1075 : vector<16xi32>
    %gather3A_1077 = tpu.vector_load_idx %arg4[%add3A_1076, %iota3A] : memref<1025x16xf32, #tpu.memory_space<vmem>>[vector<16xi32>, vector<16xi32>], vector<16xf32>,
    %max3A_1078 = arith.maximumf %max3A_1064, %gather3A_1077 : vector<16xf32>
    %min3A_1079 = arith.minimumf %max3A_1064, %gather3A_1077 : vector<16xf32>
    %max3A_1080 = arith.maximumf %max3A_1066, %min3A_1079 : vector<16xf32>
    %min3A_1081 = arith.minimumf %max3A_1066, %min3A_1079 : vector<16xf32>
    %max3A_1082 = arith.maximumf %max3A_1068, %min3A_1081 : vector<16xf32>
    %min3A_1083 = arith.minimumf %max3A_1068, %min3A_1081 : vector<16xf32>
    %max3A_1084 = arith.maximumf %max3A_1070, %min3A_1083 : vector<16xf32>
    %min3A_1085 = arith.minimumf %max3A_1070, %min3A_1083 : vector<16xf32>
    %max3A_1086 = arith.maximumf %max3A_1072, %min3A_1085 : vector<16xf32>
    %min3A_1087 = arith.minimumf %max3A_1072, %min3A_1085 : vector<16xf32>
    %add3A_1088 = arith.constant 10 : i32
    %add3A_1089 = vector.broadcast %add3A_1088 : i32 to vector<16xi32>
    %add3A_1090 = arith.addi %add3A_947, %add3A_1089 : vector<16xi32>
    %gather3A_1091 = tpu.vector_load_idx %arg4[%add3A_1090, %iota3A] : memref<1025x16xf32, #tpu.memory_space<vmem>>[vector<16xi32>, vector<16xi32>], vector<16xf32>,
    %max3A_1092 = arith.maximumf %max3A_1078, %gather3A_1091 : vector<16xf32>
    %min3A_1093 = arith.minimumf %max3A_1078, %gather3A_1091 : vector<16xf32>
    %max3A_1094 = arith.maximumf %max3A_1080, %min3A_1093 : vector<16xf32>
    %min3A_1095 = arith.minimumf %max3A_1080, %min3A_1093 : vector<16xf32>
    %max3A_1096 = arith.maximumf %max3A_1082, %min3A_1095 : vector<16xf32>
    %min3A_1097 = arith.minimumf %max3A_1082, %min3A_1095 : vector<16xf32>
    %max3A_1098 = arith.maximumf %max3A_1084, %min3A_1097 : vector<16xf32>
    %min3A_1099 = arith.minimumf %max3A_1084, %min3A_1097 : vector<16xf32>
    %max3A_1100 = arith.maximumf %max3A_1086, %min3A_1099 : vector<16xf32>
    %min3A_1101 = arith.minimumf %max3A_1086, %min3A_1099 : vector<16xf32>
    %add3A_1102 = arith.constant 11 : i32
    %add3A_1103 = vector.broadcast %add3A_1102 : i32 to vector<16xi32>
    %add3A_1104 = arith.addi %add3A_947, %add3A_1103 : vector<16xi32>
    %gather3A_1105 = tpu.vector_load_idx %arg4[%add3A_1104, %iota3A] : memref<1025x16xf32, #tpu.memory_space<vmem>>[vector<16xi32>, vector<16xi32>], vector<16xf32>,
    %max3A_1106 = arith.maximumf %max3A_1092, %gather3A_1105 : vector<16xf32>
    %min3A_1107 = arith.minimumf %max3A_1092, %gather3A_1105 : vector<16xf32>
    %max3A_1108 = arith.maximumf %max3A_1094, %min3A_1107 : vector<16xf32>
    %min3A_1109 = arith.minimumf %max3A_1094, %min3A_1107 : vector<16xf32>
    %max3A_1110 = arith.maximumf %max3A_1096, %min3A_1109 : vector<16xf32>
    %min3A_1111 = arith.minimumf %max3A_1096, %min3A_1109 : vector<16xf32>
    %max3A_1112 = arith.maximumf %max3A_1098, %min3A_1111 : vector<16xf32>
    %min3A_1113 = arith.minimumf %max3A_1098, %min3A_1111 : vector<16xf32>
    %max3A_1114 = arith.maximumf %max3A_1100, %min3A_1113 : vector<16xf32>
    %min3A_1115 = arith.minimumf %max3A_1100, %min3A_1113 : vector<16xf32>
    %add3A_1116 = arith.constant 12 : i32
    %add3A_1117 = vector.broadcast %add3A_1116 : i32 to vector<16xi32>
    %add3A_1118 = arith.addi %add3A_947, %add3A_1117 : vector<16xi32>
    %gather3A_1119 = tpu.vector_load_idx %arg4[%add3A_1118, %iota3A] : memref<1025x16xf32, #tpu.memory_space<vmem>>[vector<16xi32>, vector<16xi32>], vector<16xf32>,
    %max3A_1120 = arith.maximumf %max3A_1106, %gather3A_1119 : vector<16xf32>
    %min3A_1121 = arith.minimumf %max3A_1106, %gather3A_1119 : vector<16xf32>
    %max3A_1122 = arith.maximumf %max3A_1108, %min3A_1121 : vector<16xf32>
    %min3A_1123 = arith.minimumf %max3A_1108, %min3A_1121 : vector<16xf32>
    %max3A_1124 = arith.maximumf %max3A_1110, %min3A_1123 : vector<16xf32>
    %min3A_1125 = arith.minimumf %max3A_1110, %min3A_1123 : vector<16xf32>
    %max3A_1126 = arith.maximumf %max3A_1112, %min3A_1125 : vector<16xf32>
    %min3A_1127 = arith.minimumf %max3A_1112, %min3A_1125 : vector<16xf32>
    %max3A_1128 = arith.maximumf %max3A_1114, %min3A_1127 : vector<16xf32>
    %min3A_1129 = arith.minimumf %max3A_1114, %min3A_1127 : vector<16xf32>
    %add3A_1130 = arith.constant 13 : i32
    %add3A_1131 = vector.broadcast %add3A_1130 : i32 to vector<16xi32>
    %add3A_1132 = arith.addi %add3A_947, %add3A_1131 : vector<16xi32>
    %gather3A_1133 = tpu.vector_load_idx %arg4[%add3A_1132, %iota3A] : memref<1025x16xf32, #tpu.memory_space<vmem>>[vector<16xi32>, vector<16xi32>], vector<16xf32>,
    %max3A_1134 = arith.maximumf %max3A_1120, %gather3A_1133 : vector<16xf32>
    %min3A_1135 = arith.minimumf %max3A_1120, %gather3A_1133 : vector<16xf32>
    %max3A_1136 = arith.maximumf %max3A_1122, %min3A_1135 : vector<16xf32>
    %min3A_1137 = arith.minimumf %max3A_1122, %min3A_1135 : vector<16xf32>
    %max3A_1138 = arith.maximumf %max3A_1124, %min3A_1137 : vector<16xf32>
    %min3A_1139 = arith.minimumf %max3A_1124, %min3A_1137 : vector<16xf32>
    %max3A_1140 = arith.maximumf %max3A_1126, %min3A_1139 : vector<16xf32>
    %min3A_1141 = arith.minimumf %max3A_1126, %min3A_1139 : vector<16xf32>
    %max3A_1142 = arith.maximumf %max3A_1128, %min3A_1141 : vector<16xf32>
    %min3A_1143 = arith.minimumf %max3A_1128, %min3A_1141 : vector<16xf32>
    %add3A_1144 = arith.constant 14 : i32
    %add3A_1145 = vector.broadcast %add3A_1144 : i32 to vector<16xi32>
    %add3A_1146 = arith.addi %add3A_947, %add3A_1145 : vector<16xi32>
    %gather3A_1147 = tpu.vector_load_idx %arg4[%add3A_1146, %iota3A] : memref<1025x16xf32, #tpu.memory_space<vmem>>[vector<16xi32>, vector<16xi32>], vector<16xf32>,
    %max3A_1148 = arith.maximumf %max3A_1134, %gather3A_1147 : vector<16xf32>
    %min3A_1149 = arith.minimumf %max3A_1134, %gather3A_1147 : vector<16xf32>
    %max3A_1150 = arith.maximumf %max3A_1136, %min3A_1149 : vector<16xf32>
    %min3A_1151 = arith.minimumf %max3A_1136, %min3A_1149 : vector<16xf32>
    %max3A_1152 = arith.maximumf %max3A_1138, %min3A_1151 : vector<16xf32>
    %min3A_1153 = arith.minimumf %max3A_1138, %min3A_1151 : vector<16xf32>
    %max3A_1154 = arith.maximumf %max3A_1140, %min3A_1153 : vector<16xf32>
    %min3A_1155 = arith.minimumf %max3A_1140, %min3A_1153 : vector<16xf32>
    %max3A_1156 = arith.maximumf %max3A_1142, %min3A_1155 : vector<16xf32>
    %min3A_1157 = arith.minimumf %max3A_1142, %min3A_1155 : vector<16xf32>
    %add3A_1158 = arith.constant 15 : i32
    %add3A_1159 = vector.broadcast %add3A_1158 : i32 to vector<16xi32>
    %add3A_1160 = arith.addi %add3A_947, %add3A_1159 : vector<16xi32>
    %gather3A_1161 = tpu.vector_load_idx %arg4[%add3A_1160, %iota3A] : memref<1025x16xf32, #tpu.memory_space<vmem>>[vector<16xi32>, vector<16xi32>], vector<16xf32>,
    %max3A_1162 = arith.maximumf %max3A_1148, %gather3A_1161 : vector<16xf32>
    %min3A_1163 = arith.minimumf %max3A_1148, %gather3A_1161 : vector<16xf32>
    %max3A_1164 = arith.maximumf %max3A_1150, %min3A_1163 : vector<16xf32>
    %min3A_1165 = arith.minimumf %max3A_1150, %min3A_1163 : vector<16xf32>
    %max3A_1166 = arith.maximumf %max3A_1152, %min3A_1165 : vector<16xf32>
    %min3A_1167 = arith.minimumf %max3A_1152, %min3A_1165 : vector<16xf32>
    %max3A_1168 = arith.maximumf %max3A_1154, %min3A_1167 : vector<16xf32>
    %min3A_1169 = arith.minimumf %max3A_1154, %min3A_1167 : vector<16xf32>
    %max3A_1170 = arith.maximumf %max3A_1156, %min3A_1169 : vector<16xf32>
    %min3A_1171 = arith.minimumf %max3A_1156, %min3A_1169 : vector<16xf32>
    %max3A_1172 = arith.constant 0.100000009 : f32
    %max3A_1173 = vector.broadcast %max3A_1172 : f32 to vector<16xf32>
    %max3A_1174 = arith.maximumf %max3A_1170, %max3A_1173 : vector<16xf32>
    %broadcast_in_dim3A_1175 = arith.constant 64 : i32
    %broadcast_in_dim3A_1176 = vector.broadcast %broadcast_in_dim3A_1175 : i32 to vector<16xi32>
    %scan3A_1177 = arith.constant 0 : i32
    %scan3A_1178 = arith.constant 64 : i32
    %scan3A_1179 = arith.addi %scan3A_1177, %scan3A_1178 : i32
    %scan3A_1180 = arith.constant 4 : i32
    %scan3A_1181 = scf.for %scan3A_1491 = %scan3A_1177 to %scan3A_1179 step %scan3A_1180 iter_args(%scan3A_1492 = %broadcast_in_dim3A_1176) -> (vector<16xi32>)  : i32 {
      %get3A = arith.index_cast %scan3A_1491 : i32 to index
      %get3A_1493 = arith.constant 0 : index
      %get3A_1494 = tpu.vector_load %arg5[%get3A, %get3A_1493] {strides = array<i32>} : memref<64x16xf32, #tpu.memory_space<vmem>>, vector<16xf32>,
      %ge3A_1495 = arith.cmpf oge, %get3A_1494, %max3A_1174 : vector<16xf32>
      %broadcast_in_dim3A_1496 = vector.broadcast %scan3A_1491 : i32 to vector<16xi32>
      %jit3A_1497 = arith.constant 64 : i32
      %broadcast_in_dim3A_1498 = vector.broadcast %jit3A_1497 : i32 to vector<16xi32>
      %select_n3A_1499 = arith.select %ge3A_1495, %broadcast_in_dim3A_1496, %broadcast_in_dim3A_1498 : vector<16xi1>, vector<16xi32>
      %min3A_1500 = arith.minsi %scan3A_1492, %select_n3A_1499 : vector<16xi32>
      %scan3A_1501 = arith.constant 1 : i32
      %scan3A_1502 = arith.addi %scan3A_1491, %scan3A_1501 : i32
      %get3A_1503 = arith.index_cast %scan3A_1502 : i32 to index
      %get3A_1504 = arith.constant 0 : index
      %get3A_1505 = tpu.vector_load %arg5[%get3A_1503, %get3A_1504] {strides = array<i32>} : memref<64x16xf32, #tpu.memory_space<vmem>>, vector<16xf32>,
      %ge3A_1506 = arith.cmpf oge, %get3A_1505, %max3A_1174 : vector<16xf32>
      %broadcast_in_dim3A_1507 = vector.broadcast %scan3A_1502 : i32 to vector<16xi32>
      %jit3A_1508 = arith.constant 64 : i32
      %broadcast_in_dim3A_1509 = vector.broadcast %jit3A_1508 : i32 to vector<16xi32>
      %select_n3A_1510 = arith.select %ge3A_1506, %broadcast_in_dim3A_1507, %broadcast_in_dim3A_1509 : vector<16xi1>, vector<16xi32>
      %min3A_1511 = arith.minsi %min3A_1500, %select_n3A_1510 : vector<16xi32>
      %scan3A_1512 = arith.constant 2 : i32
      %scan3A_1513 = arith.addi %scan3A_1491, %scan3A_1512 : i32
      %get3A_1514 = arith.index_cast %scan3A_1513 : i32 to index
      %get3A_1515 = arith.constant 0 : index
      %get3A_1516 = tpu.vector_load %arg5[%get3A_1514, %get3A_1515] {strides = array<i32>} : memref<64x16xf32, #tpu.memory_space<vmem>>, vector<16xf32>,
      %ge3A_1517 = arith.cmpf oge, %get3A_1516, %max3A_1174 : vector<16xf32>
      %broadcast_in_dim3A_1518 = vector.broadcast %scan3A_1513 : i32 to vector<16xi32>
      %jit3A_1519 = arith.constant 64 : i32
      %broadcast_in_dim3A_1520 = vector.broadcast %jit3A_1519 : i32 to vector<16xi32>
      %select_n3A_1521 = arith.select %ge3A_1517, %broadcast_in_dim3A_1518, %broadcast_in_dim3A_1520 : vector<16xi1>, vector<16xi32>
      %min3A_1522 = arith.minsi %min3A_1511, %select_n3A_1521 : vector<16xi32>
      %scan3A_1523 = arith.constant 3 : i32
      %scan3A_1524 = arith.addi %scan3A_1491, %scan3A_1523 : i32
      %get3A_1525 = arith.index_cast %scan3A_1524 : i32 to index
      %get3A_1526 = arith.constant 0 : index
      %get3A_1527 = tpu.vector_load %arg5[%get3A_1525, %get3A_1526] {strides = array<i32>} : memref<64x16xf32, #tpu.memory_space<vmem>>, vector<16xf32>,
      %ge3A_1528 = arith.cmpf oge, %get3A_1527, %max3A_1174 : vector<16xf32>
      %broadcast_in_dim3A_1529 = vector.broadcast %scan3A_1524 : i32 to vector<16xi32>
      %jit3A_1530 = arith.constant 64 : i32
      %broadcast_in_dim3A_1531 = vector.broadcast %jit3A_1530 : i32 to vector<16xi32>
      %select_n3A_1532 = arith.select %ge3A_1528, %broadcast_in_dim3A_1529, %broadcast_in_dim3A_1531 : vector<16xi1>, vector<16xi32>
      %min3A_1533 = arith.minsi %min3A_1522, %select_n3A_1532 : vector<16xi32>
      scf.yield %min3A_1533 : vector<16xi32>
    }
    %scan3A_1182 = arith.constant 64 : i32
    %min3A_1183 = arith.constant 63 : i32
    %min3A_1184 = vector.broadcast %min3A_1183 : i32 to vector<16xi32>
    %min3A_1185 = arith.minsi %scan3A_1181, %min3A_1184 : vector<16xi32>
    %mul3A_1186 = arith.constant 16 : i32
    %mul3A_1187 = vector.broadcast %mul3A_1186 : i32 to vector<16xi32>
    %mul3A_1188 = arith.muli %min3A_1185, %mul3A_1187 : vector<16xi32>
    %add3A_1189 = arith.constant 1 : i32
    %add3A_1190 = vector.broadcast %add3A_1189 : i32 to vector<16xi32>
    %add3A_1191 = arith.addi %add3A_1190, %mul3A_1188 : vector<16xi32>
    %broadcast_in_dim3A_1192 = arith.constant 1025 : i32
    %broadcast_in_dim3A_1193 = vector.broadcast %broadcast_in_dim3A_1192 : i32 to vector<16xi32>
    %add3A_1194 = arith.constant 0 : i32
    %add3A_1195 = vector.broadcast %add3A_1194 : i32 to vector<16xi32>
    %add3A_1196 = arith.addi %add3A_1191, %add3A_1195 : vector<16xi32>
    %gather3A_1197 = tpu.vector_load_idx %arg4[%add3A_1196, %iota3A] : memref<1025x16xf32, #tpu.memory_space<vmem>>[vector<16xi32>, vector<16xi32>], vector<16xf32>,
    %ge3A = arith.cmpf oge, %gather3A_1197, %max3A_1174 : vector<16xf32>
    %add3A_1198 = arith.constant 0 : i32
    %add3A_1199 = vector.broadcast %add3A_1198 : i32 to vector<16xi32>
    %add3A_1200 = arith.addi %add3A_1191, %add3A_1199 : vector<16xi32>
    %jit3A = arith.constant 1025 : i32
    %broadcast_in_dim3A_1201 = vector.broadcast %jit3A : i32 to vector<16xi32>
    %select_n3A = arith.select %ge3A, %add3A_1200, %broadcast_in_dim3A_1201 : vector<16xi1>, vector<16xi32>
    %min3A_1202 = arith.minsi %broadcast_in_dim3A_1193, %select_n3A : vector<16xi32>
    %add3A_1203 = arith.constant 1 : i32
    %add3A_1204 = vector.broadcast %add3A_1203 : i32 to vector<16xi32>
    %add3A_1205 = arith.addi %add3A_1191, %add3A_1204 : vector<16xi32>
    %gather3A_1206 = tpu.vector_load_idx %arg4[%add3A_1205, %iota3A] : memref<1025x16xf32, #tpu.memory_space<vmem>>[vector<16xi32>, vector<16xi32>], vector<16xf32>,
    %ge3A_1207 = arith.cmpf oge, %gather3A_1206, %max3A_1174 : vector<16xf32>
    %add3A_1208 = arith.constant 1 : i32
    %add3A_1209 = vector.broadcast %add3A_1208 : i32 to vector<16xi32>
    %add3A_1210 = arith.addi %add3A_1191, %add3A_1209 : vector<16xi32>
    %jit3A_1211 = arith.constant 1025 : i32
    %broadcast_in_dim3A_1212 = vector.broadcast %jit3A_1211 : i32 to vector<16xi32>
    %select_n3A_1213 = arith.select %ge3A_1207, %add3A_1210, %broadcast_in_dim3A_1212 : vector<16xi1>, vector<16xi32>
    %min3A_1214 = arith.minsi %min3A_1202, %select_n3A_1213 : vector<16xi32>
    %add3A_1215 = arith.constant 2 : i32
    %add3A_1216 = vector.broadcast %add3A_1215 : i32 to vector<16xi32>
    %add3A_1217 = arith.addi %add3A_1191, %add3A_1216 : vector<16xi32>
    %gather3A_1218 = tpu.vector_load_idx %arg4[%add3A_1217, %iota3A] : memref<1025x16xf32, #tpu.memory_space<vmem>>[vector<16xi32>, vector<16xi32>], vector<16xf32>,
    %ge3A_1219 = arith.cmpf oge, %gather3A_1218, %max3A_1174 : vector<16xf32>
    %add3A_1220 = arith.constant 2 : i32
    %add3A_1221 = vector.broadcast %add3A_1220 : i32 to vector<16xi32>
    %add3A_1222 = arith.addi %add3A_1191, %add3A_1221 : vector<16xi32>
    %jit3A_1223 = arith.constant 1025 : i32
    %broadcast_in_dim3A_1224 = vector.broadcast %jit3A_1223 : i32 to vector<16xi32>
    %select_n3A_1225 = arith.select %ge3A_1219, %add3A_1222, %broadcast_in_dim3A_1224 : vector<16xi1>, vector<16xi32>
    %min3A_1226 = arith.minsi %min3A_1214, %select_n3A_1225 : vector<16xi32>
    %add3A_1227 = arith.constant 3 : i32
    %add3A_1228 = vector.broadcast %add3A_1227 : i32 to vector<16xi32>
    %add3A_1229 = arith.addi %add3A_1191, %add3A_1228 : vector<16xi32>
    %gather3A_1230 = tpu.vector_load_idx %arg4[%add3A_1229, %iota3A] : memref<1025x16xf32, #tpu.memory_space<vmem>>[vector<16xi32>, vector<16xi32>], vector<16xf32>,
    %ge3A_1231 = arith.cmpf oge, %gather3A_1230, %max3A_1174 : vector<16xf32>
    %add3A_1232 = arith.constant 3 : i32
    %add3A_1233 = vector.broadcast %add3A_1232 : i32 to vector<16xi32>
    %add3A_1234 = arith.addi %add3A_1191, %add3A_1233 : vector<16xi32>
    %jit3A_1235 = arith.constant 1025 : i32
    %broadcast_in_dim3A_1236 = vector.broadcast %jit3A_1235 : i32 to vector<16xi32>
    %select_n3A_1237 = arith.select %ge3A_1231, %add3A_1234, %broadcast_in_dim3A_1236 : vector<16xi1>, vector<16xi32>
    %min3A_1238 = arith.minsi %min3A_1226, %select_n3A_1237 : vector<16xi32>
    %add3A_1239 = arith.constant 4 : i32
    %add3A_1240 = vector.broadcast %add3A_1239 : i32 to vector<16xi32>
    %add3A_1241 = arith.addi %add3A_1191, %add3A_1240 : vector<16xi32>
    %gather3A_1242 = tpu.vector_load_idx %arg4[%add3A_1241, %iota3A] : memref<1025x16xf32, #tpu.memory_space<vmem>>[vector<16xi32>, vector<16xi32>], vector<16xf32>,
    %ge3A_1243 = arith.cmpf oge, %gather3A_1242, %max3A_1174 : vector<16xf32>
    %add3A_1244 = arith.constant 4 : i32
    %add3A_1245 = vector.broadcast %add3A_1244 : i32 to vector<16xi32>
    %add3A_1246 = arith.addi %add3A_1191, %add3A_1245 : vector<16xi32>
    %jit3A_1247 = arith.constant 1025 : i32
    %broadcast_in_dim3A_1248 = vector.broadcast %jit3A_1247 : i32 to vector<16xi32>
    %select_n3A_1249 = arith.select %ge3A_1243, %add3A_1246, %broadcast_in_dim3A_1248 : vector<16xi1>, vector<16xi32>
    %min3A_1250 = arith.minsi %min3A_1238, %select_n3A_1249 : vector<16xi32>
    %add3A_1251 = arith.constant 5 : i32
    %add3A_1252 = vector.broadcast %add3A_1251 : i32 to vector<16xi32>
    %add3A_1253 = arith.addi %add3A_1191, %add3A_1252 : vector<16xi32>
    %gather3A_1254 = tpu.vector_load_idx %arg4[%add3A_1253, %iota3A] : memref<1025x16xf32, #tpu.memory_space<vmem>>[vector<16xi32>, vector<16xi32>], vector<16xf32>,
    %ge3A_1255 = arith.cmpf oge, %gather3A_1254, %max3A_1174 : vector<16xf32>
    %add3A_1256 = arith.constant 5 : i32
    %add3A_1257 = vector.broadcast %add3A_1256 : i32 to vector<16xi32>
    %add3A_1258 = arith.addi %add3A_1191, %add3A_1257 : vector<16xi32>
    %jit3A_1259 = arith.constant 1025 : i32
    %broadcast_in_dim3A_1260 = vector.broadcast %jit3A_1259 : i32 to vector<16xi32>
    %select_n3A_1261 = arith.select %ge3A_1255, %add3A_1258, %broadcast_in_dim3A_1260 : vector<16xi1>, vector<16xi32>
    %min3A_1262 = arith.minsi %min3A_1250, %select_n3A_1261 : vector<16xi32>
    %add3A_1263 = arith.constant 6 : i32
    %add3A_1264 = vector.broadcast %add3A_1263 : i32 to vector<16xi32>
    %add3A_1265 = arith.addi %add3A_1191, %add3A_1264 : vector<16xi32>
    %gather3A_1266 = tpu.vector_load_idx %arg4[%add3A_1265, %iota3A] : memref<1025x16xf32, #tpu.memory_space<vmem>>[vector<16xi32>, vector<16xi32>], vector<16xf32>,
    %ge3A_1267 = arith.cmpf oge, %gather3A_1266, %max3A_1174 : vector<16xf32>
    %add3A_1268 = arith.constant 6 : i32
    %add3A_1269 = vector.broadcast %add3A_1268 : i32 to vector<16xi32>
    %add3A_1270 = arith.addi %add3A_1191, %add3A_1269 : vector<16xi32>
    %jit3A_1271 = arith.constant 1025 : i32
    %broadcast_in_dim3A_1272 = vector.broadcast %jit3A_1271 : i32 to vector<16xi32>
    %select_n3A_1273 = arith.select %ge3A_1267, %add3A_1270, %broadcast_in_dim3A_1272 : vector<16xi1>, vector<16xi32>
    %min3A_1274 = arith.minsi %min3A_1262, %select_n3A_1273 : vector<16xi32>
    %add3A_1275 = arith.constant 7 : i32
    %add3A_1276 = vector.broadcast %add3A_1275 : i32 to vector<16xi32>
    %add3A_1277 = arith.addi %add3A_1191, %add3A_1276 : vector<16xi32>
    %gather3A_1278 = tpu.vector_load_idx %arg4[%add3A_1277, %iota3A] : memref<1025x16xf32, #tpu.memory_space<vmem>>[vector<16xi32>, vector<16xi32>], vector<16xf32>,
    %ge3A_1279 = arith.cmpf oge, %gather3A_1278, %max3A_1174 : vector<16xf32>
    %add3A_1280 = arith.constant 7 : i32
    %add3A_1281 = vector.broadcast %add3A_1280 : i32 to vector<16xi32>
    %add3A_1282 = arith.addi %add3A_1191, %add3A_1281 : vector<16xi32>
    %jit3A_1283 = arith.constant 1025 : i32
    %broadcast_in_dim3A_1284 = vector.broadcast %jit3A_1283 : i32 to vector<16xi32>
    %select_n3A_1285 = arith.select %ge3A_1279, %add3A_1282, %broadcast_in_dim3A_1284 : vector<16xi1>, vector<16xi32>
    %min3A_1286 = arith.minsi %min3A_1274, %select_n3A_1285 : vector<16xi32>
    %add3A_1287 = arith.constant 8 : i32
    %add3A_1288 = vector.broadcast %add3A_1287 : i32 to vector<16xi32>
    %add3A_1289 = arith.addi %add3A_1191, %add3A_1288 : vector<16xi32>
    %gather3A_1290 = tpu.vector_load_idx %arg4[%add3A_1289, %iota3A] : memref<1025x16xf32, #tpu.memory_space<vmem>>[vector<16xi32>, vector<16xi32>], vector<16xf32>,
    %ge3A_1291 = arith.cmpf oge, %gather3A_1290, %max3A_1174 : vector<16xf32>
    %add3A_1292 = arith.constant 8 : i32
    %add3A_1293 = vector.broadcast %add3A_1292 : i32 to vector<16xi32>
    %add3A_1294 = arith.addi %add3A_1191, %add3A_1293 : vector<16xi32>
    %jit3A_1295 = arith.constant 1025 : i32
    %broadcast_in_dim3A_1296 = vector.broadcast %jit3A_1295 : i32 to vector<16xi32>
    %select_n3A_1297 = arith.select %ge3A_1291, %add3A_1294, %broadcast_in_dim3A_1296 : vector<16xi1>, vector<16xi32>
    %min3A_1298 = arith.minsi %min3A_1286, %select_n3A_1297 : vector<16xi32>
    %add3A_1299 = arith.constant 9 : i32
    %add3A_1300 = vector.broadcast %add3A_1299 : i32 to vector<16xi32>
    %add3A_1301 = arith.addi %add3A_1191, %add3A_1300 : vector<16xi32>
    %gather3A_1302 = tpu.vector_load_idx %arg4[%add3A_1301, %iota3A] : memref<1025x16xf32, #tpu.memory_space<vmem>>[vector<16xi32>, vector<16xi32>], vector<16xf32>,
    %ge3A_1303 = arith.cmpf oge, %gather3A_1302, %max3A_1174 : vector<16xf32>
    %add3A_1304 = arith.constant 9 : i32
    %add3A_1305 = vector.broadcast %add3A_1304 : i32 to vector<16xi32>
    %add3A_1306 = arith.addi %add3A_1191, %add3A_1305 : vector<16xi32>
    %jit3A_1307 = arith.constant 1025 : i32
    %broadcast_in_dim3A_1308 = vector.broadcast %jit3A_1307 : i32 to vector<16xi32>
    %select_n3A_1309 = arith.select %ge3A_1303, %add3A_1306, %broadcast_in_dim3A_1308 : vector<16xi1>, vector<16xi32>
    %min3A_1310 = arith.minsi %min3A_1298, %select_n3A_1309 : vector<16xi32>
    %add3A_1311 = arith.constant 10 : i32
    %add3A_1312 = vector.broadcast %add3A_1311 : i32 to vector<16xi32>
    %add3A_1313 = arith.addi %add3A_1191, %add3A_1312 : vector<16xi32>
    %gather3A_1314 = tpu.vector_load_idx %arg4[%add3A_1313, %iota3A] : memref<1025x16xf32, #tpu.memory_space<vmem>>[vector<16xi32>, vector<16xi32>], vector<16xf32>,
    %ge3A_1315 = arith.cmpf oge, %gather3A_1314, %max3A_1174 : vector<16xf32>
    %add3A_1316 = arith.constant 10 : i32
    %add3A_1317 = vector.broadcast %add3A_1316 : i32 to vector<16xi32>
    %add3A_1318 = arith.addi %add3A_1191, %add3A_1317 : vector<16xi32>
    %jit3A_1319 = arith.constant 1025 : i32
    %broadcast_in_dim3A_1320 = vector.broadcast %jit3A_1319 : i32 to vector<16xi32>
    %select_n3A_1321 = arith.select %ge3A_1315, %add3A_1318, %broadcast_in_dim3A_1320 : vector<16xi1>, vector<16xi32>
    %min3A_1322 = arith.minsi %min3A_1310, %select_n3A_1321 : vector<16xi32>
    %add3A_1323 = arith.constant 11 : i32
    %add3A_1324 = vector.broadcast %add3A_1323 : i32 to vector<16xi32>
    %add3A_1325 = arith.addi %add3A_1191, %add3A_1324 : vector<16xi32>
    %gather3A_1326 = tpu.vector_load_idx %arg4[%add3A_1325, %iota3A] : memref<1025x16xf32, #tpu.memory_space<vmem>>[vector<16xi32>, vector<16xi32>], vector<16xf32>,
    %ge3A_1327 = arith.cmpf oge, %gather3A_1326, %max3A_1174 : vector<16xf32>
    %add3A_1328 = arith.constant 11 : i32
    %add3A_1329 = vector.broadcast %add3A_1328 : i32 to vector<16xi32>
    %add3A_1330 = arith.addi %add3A_1191, %add3A_1329 : vector<16xi32>
    %jit3A_1331 = arith.constant 1025 : i32
    %broadcast_in_dim3A_1332 = vector.broadcast %jit3A_1331 : i32 to vector<16xi32>
    %select_n3A_1333 = arith.select %ge3A_1327, %add3A_1330, %broadcast_in_dim3A_1332 : vector<16xi1>, vector<16xi32>
    %min3A_1334 = arith.minsi %min3A_1322, %select_n3A_1333 : vector<16xi32>
    %add3A_1335 = arith.constant 12 : i32
    %add3A_1336 = vector.broadcast %add3A_1335 : i32 to vector<16xi32>
    %add3A_1337 = arith.addi %add3A_1191, %add3A_1336 : vector<16xi32>
    %gather3A_1338 = tpu.vector_load_idx %arg4[%add3A_1337, %iota3A] : memref<1025x16xf32, #tpu.memory_space<vmem>>[vector<16xi32>, vector<16xi32>], vector<16xf32>,
    %ge3A_1339 = arith.cmpf oge, %gather3A_1338, %max3A_1174 : vector<16xf32>
    %add3A_1340 = arith.constant 12 : i32
    %add3A_1341 = vector.broadcast %add3A_1340 : i32 to vector<16xi32>
    %add3A_1342 = arith.addi %add3A_1191, %add3A_1341 : vector<16xi32>
    %jit3A_1343 = arith.constant 1025 : i32
    %broadcast_in_dim3A_1344 = vector.broadcast %jit3A_1343 : i32 to vector<16xi32>
    %select_n3A_1345 = arith.select %ge3A_1339, %add3A_1342, %broadcast_in_dim3A_1344 : vector<16xi1>, vector<16xi32>
    %min3A_1346 = arith.minsi %min3A_1334, %select_n3A_1345 : vector<16xi32>
    %add3A_1347 = arith.constant 13 : i32
    %add3A_1348 = vector.broadcast %add3A_1347 : i32 to vector<16xi32>
    %add3A_1349 = arith.addi %add3A_1191, %add3A_1348 : vector<16xi32>
    %gather3A_1350 = tpu.vector_load_idx %arg4[%add3A_1349, %iota3A] : memref<1025x16xf32, #tpu.memory_space<vmem>>[vector<16xi32>, vector<16xi32>], vector<16xf32>,
    %ge3A_1351 = arith.cmpf oge, %gather3A_1350, %max3A_1174 : vector<16xf32>
    %add3A_1352 = arith.constant 13 : i32
    %add3A_1353 = vector.broadcast %add3A_1352 : i32 to vector<16xi32>
    %add3A_1354 = arith.addi %add3A_1191, %add3A_1353 : vector<16xi32>
    %jit3A_1355 = arith.constant 1025 : i32
    %broadcast_in_dim3A_1356 = vector.broadcast %jit3A_1355 : i32 to vector<16xi32>
    %select_n3A_1357 = arith.select %ge3A_1351, %add3A_1354, %broadcast_in_dim3A_1356 : vector<16xi1>, vector<16xi32>
    %min3A_1358 = arith.minsi %min3A_1346, %select_n3A_1357 : vector<16xi32>
    %add3A_1359 = arith.constant 14 : i32
    %add3A_1360 = vector.broadcast %add3A_1359 : i32 to vector<16xi32>
    %add3A_1361 = arith.addi %add3A_1191, %add3A_1360 : vector<16xi32>
    %gather3A_1362 = tpu.vector_load_idx %arg4[%add3A_1361, %iota3A] : memref<1025x16xf32, #tpu.memory_space<vmem>>[vector<16xi32>, vector<16xi32>], vector<16xf32>,
    %ge3A_1363 = arith.cmpf oge, %gather3A_1362, %max3A_1174 : vector<16xf32>
    %add3A_1364 = arith.constant 14 : i32
    %add3A_1365 = vector.broadcast %add3A_1364 : i32 to vector<16xi32>
    %add3A_1366 = arith.addi %add3A_1191, %add3A_1365 : vector<16xi32>
    %jit3A_1367 = arith.constant 1025 : i32
    %broadcast_in_dim3A_1368 = vector.broadcast %jit3A_1367 : i32 to vector<16xi32>
    %select_n3A_1369 = arith.select %ge3A_1363, %add3A_1366, %broadcast_in_dim3A_1368 : vector<16xi1>, vector<16xi32>
    %min3A_1370 = arith.minsi %min3A_1358, %select_n3A_1369 : vector<16xi32>
    %add3A_1371 = arith.constant 15 : i32
    %add3A_1372 = vector.broadcast %add3A_1371 : i32 to vector<16xi32>
    %add3A_1373 = arith.addi %add3A_1191, %add3A_1372 : vector<16xi32>
    %gather3A_1374 = tpu.vector_load_idx %arg4[%add3A_1373, %iota3A] : memref<1025x16xf32, #tpu.memory_space<vmem>>[vector<16xi32>, vector<16xi32>], vector<16xf32>,
    %ge3A_1375 = arith.cmpf oge, %gather3A_1374, %max3A_1174 : vector<16xf32>
    %add3A_1376 = arith.constant 15 : i32
    %add3A_1377 = vector.broadcast %add3A_1376 : i32 to vector<16xi32>
    %add3A_1378 = arith.addi %add3A_1191, %add3A_1377 : vector<16xi32>
    %jit3A_1379 = arith.constant 1025 : i32
    %broadcast_in_dim3A_1380 = vector.broadcast %jit3A_1379 : i32 to vector<16xi32>
    %select_n3A_1381 = arith.select %ge3A_1375, %add3A_1378, %broadcast_in_dim3A_1380 : vector<16xi1>, vector<16xi32>
    %min3A_1382 = arith.minsi %min3A_1370, %select_n3A_1381 : vector<16xi32>
    %eq3A = arith.constant 64 : i32
    %eq3A_1383 = vector.broadcast %eq3A : i32 to vector<16xi32>
    %eq3A_1384 = arith.cmpi eq, %scan3A_1181, %eq3A_1383 : vector<16xi32>
    %jit3A_1385 = arith.constant 0 : i32
    %broadcast_in_dim3A_1386 = vector.broadcast %jit3A_1385 : i32 to vector<16xi32>
    %select_n3A_1387 = arith.select %eq3A_1384, %broadcast_in_dim3A_1386, %min3A_1382 : vector<16xi1>, vector<16xi32>
    %max3A_1388 = arith.constant 1 : i32
    %max3A_1389 = vector.broadcast %max3A_1388 : i32 to vector<16xi32>
    %max3A_1390 = arith.maxsi %select_n3A_1387, %max3A_1389 : vector<16xi32>
    %convert_element_type3A = arith.sitofp %max3A_1390 : vector<16xi32> to vector<16xf32>
    %div3A = arith.constant 1.020000e+03 : f32
    %div3A_1391 = vector.broadcast %div3A : f32 to vector<16xf32>
    %div3A_1392 = arith.divf %div3A_1391, %convert_element_type3A : vector<16xf32>
    %convert_element_type3A_1393 = arith.fptosi %div3A_1392 : vector<16xf32> to vector<16xi32>
    %add3A_1394 = arith.constant 1 : i32
    %add3A_1395 = vector.broadcast %add3A_1394 : i32 to vector<16xi32>
    %add3A_1396 = arith.addi %convert_element_type3A_1393, %add3A_1395 : vector<16xi32>
    %mul3A_1397 = arith.muli %add3A_1396, %max3A_1390 : vector<16xi32>
    %le3A = arith.constant 1020 : i32
    %le3A_1398 = vector.broadcast %le3A : i32 to vector<16xi32>
    %le3A_1399 = arith.cmpi sle, %mul3A_1397, %le3A_1398 : vector<16xi32>
    %add3A_1400 = arith.constant 1 : i32
    %add3A_1401 = vector.broadcast %add3A_1400 : i32 to vector<16xi32>
    %add3A_1402 = arith.addi %convert_element_type3A_1393, %add3A_1401 : vector<16xi32>
    %select_n3A_1403 = arith.select %le3A_1399, %add3A_1402, %convert_element_type3A_1393 : vector<16xi1>, vector<16xi32>
    %mul3A_1404 = arith.muli %select_n3A_1403, %max3A_1390 : vector<16xi32>
    %gt3A = arith.constant 1020 : i32
    %gt3A_1405 = vector.broadcast %gt3A : i32 to vector<16xi32>
    %gt3A_1406 = arith.cmpi sgt, %mul3A_1404, %gt3A_1405 : vector<16xi32>
    %sub3A = arith.constant 1 : i32
    %sub3A_1407 = vector.broadcast %sub3A : i32 to vector<16xi32>
    %sub3A_1408 = arith.subi %select_n3A_1403, %sub3A_1407 : vector<16xi32>
    %select_n3A_1409 = arith.select %gt3A_1406, %sub3A_1408, %select_n3A_1403 : vector<16xi1>, vector<16xi32>
    %gt3A_1410 = arith.constant 0 : i32
    %gt3A_1411 = vector.broadcast %gt3A_1410 : i32 to vector<16xi32>
    %gt3A_1412 = arith.cmpi sgt, %select_n3A_1387, %gt3A_1411 : vector<16xi32>
    %ge3A_1413 = arith.constant 1 : i32
    %ge3A_1414 = vector.broadcast %ge3A_1413 : i32 to vector<16xi32>
    %ge3A_1415 = arith.cmpi sge, %select_n3A_1409, %ge3A_1414 : vector<16xi32>
    %and3A = arith.andi %gt3A_1412, %ge3A_1415 : vector<16xi1>
    %mul3A_1416 = arith.muli %select_n3A_1409, %select_n3A_1387 : vector<16xi32>
    %eq3A_1417 = arith.constant 1 : i32
    %eq3A_1418 = vector.broadcast %eq3A_1417 : i32 to vector<16xi32>
    %eq3A_1419 = arith.cmpi eq, %select_n3A_1387, %eq3A_1418 : vector<16xi32>
    %eq3A_1420 = arith.constant 2 : i32
    %eq3A_1421 = vector.broadcast %eq3A_1420 : i32 to vector<16xi32>
    %eq3A_1422 = arith.cmpi eq, %select_n3A_1387, %eq3A_1421 : vector<16xi32>
    %jit3A_1423 = arith.constant 1 : i32
    %jit3A_1424 = arith.constant 0 : i32
    %broadcast_in_dim3A_1425 = vector.broadcast %jit3A_1423 : i32 to vector<16xi32>
    %broadcast_in_dim3A_1426 = vector.broadcast %jit3A_1424 : i32 to vector<16xi32>
    %select_n3A_1427 = arith.select %eq3A_1422, %broadcast_in_dim3A_1425, %broadcast_in_dim3A_1426 : vector<16xi1>, vector<16xi32>
    %jit3A_1428 = arith.constant 2 : i32
    %broadcast_in_dim3A_1429 = vector.broadcast %jit3A_1428 : i32 to vector<16xi32>
    %select_n3A_1430 = arith.select %eq3A_1419, %broadcast_in_dim3A_1429, %select_n3A_1427 : vector<16xi1>, vector<16xi32>
    %max3A_1431 = arith.constant 1 : i32
    %max3A_1432 = vector.broadcast %max3A_1431 : i32 to vector<16xi32>
    %max3A_1433 = arith.maxsi %select_n3A_1430, %max3A_1432 : vector<16xi32>
    %mul3A_1434 = arith.muli %max3A_1433, %select_n3A_1387 : vector<16xi32>
    %add3A_1435 = arith.constant 1 : i32
    %add3A_1436 = vector.broadcast %add3A_1435 : i32 to vector<16xi32>
    %add3A_1437 = arith.addi %select_n3A_1430, %add3A_1436 : vector<16xi32>
    %mul3A_1438 = arith.muli %add3A_1437, %select_n3A_1387 : vector<16xi32>
    %broadcast_in_dim3A_1439 = arith.constant 3 : i32
    %broadcast_in_dim3A_1440 = vector.broadcast %broadcast_in_dim3A_1439 : i32 to vector<16xi32>
    %scan3A_1441 = arith.constant 0 : i32
    %scan3A_1442 = arith.constant 1024 : i32
    %scan3A_1443 = arith.addi %scan3A_1441, %scan3A_1442 : i32
    %scan3A_1444 = arith.constant 8 : i32
    %scan3A_1445:4 = scf.for %scan3A_1491 = %scan3A_1441 to %scan3A_1443 step %scan3A_1444 iter_args(%scan3A_1492 = %broadcast_in_dim3A_13, %scan3A_1493 = %broadcast_in_dim3A_1440, %scan3A_1494 = %mul3A_1434, %scan3A_1495 = %mul3A_1438) -> (vector<16xi32>, vector<16xi32>, vector<16xi32>, vector<16xi32>)  : i32 {
      %ge3A_1496 = arith.cmpi sge, %scan3A_1493, %scan3A_1495 : vector<16xi32>
      %le3A_1497 = arith.cmpi sle, %scan3A_1495, %mul3A_1416 : vector<16xi32>
      %and3A_1498 = arith.andi %ge3A_1496, %le3A_1497 : vector<16xi1>
      %select_n3A_1499 = arith.select %and3A_1498, %scan3A_1495, %scan3A_1494 : vector<16xi1>, vector<16xi32>
      %add3A_1500 = arith.addi %scan3A_1495, %select_n3A_1387 : vector<16xi32>
      %select_n3A_1501 = arith.select %and3A_1498, %add3A_1500, %scan3A_1495 : vector<16xi1>, vector<16xi32>
      %sub3A_1502 = arith.subi %scan3A_1492, %select_n3A_1499 : vector<16xi32>
      %abs3A_1503 = math.absi %sub3A_1502 : vector<16xi32>
      %jit3A_1504 = arith.constant 4 : i32
      %broadcast_in_dim3A_1505 = vector.broadcast %jit3A_1504 : i32 to vector<16xi32>
      %select_n3A_1506 = arith.select %and3A, %abs3A_1503, %broadcast_in_dim3A_1505 : vector<16xi1>, vector<16xi32>
      %convert_element_type3A_1507 = arith.sitofp %select_n3A_1506 : vector<16xi32> to vector<16xf32>
      %mul3A_1508 = arith.constant 0.166666672 : f32
      %mul3A_1509 = vector.broadcast %mul3A_1508 : f32 to vector<16xf32>
      %mul3A_1510 = arith.mulf %convert_element_type3A_1507, %mul3A_1509 : vector<16xf32>
      %sub3A_1511 = arith.constant 1.000000e+00 : f32
      %sub3A_1512 = vector.broadcast %sub3A_1511 : f32 to vector<16xf32>
      %sub3A_1513 = arith.subf %sub3A_1512, %mul3A_1510 : vector<16xf32>
      %max3A_1514 = arith.constant 5.000000e-01 : f32
      %max3A_1515 = vector.broadcast %max3A_1514 : f32 to vector<16xf32>
      %max3A_1516 = arith.maximumf %sub3A_1513, %max3A_1515 : vector<16xf32>
      %swap3A_1517 = arith.index_cast %scan3A_1491 : i32 to index
      %swap3A_1518 = arith.constant 0 : index
      %swap3A_1519 = tpu.vector_load %arg4[%swap3A_1517, %swap3A_1518] {strides = array<i32>} : memref<1025x16xf32, #tpu.memory_space<vmem>>, vector<16xf32>,
      tpu.vector_store %arg4[%swap3A_1517, %swap3A_1518], %max3A_1516 {strides = array<i32>} : memref<1025x16xf32, #tpu.memory_space<vmem>>, vector<16xf32>,
      %add3A_1520 = arith.constant 1 : i32
      %add3A_1521 = vector.broadcast %add3A_1520 : i32 to vector<16xi32>
      %add3A_1522 = arith.addi %scan3A_1492, %add3A_1521 : vector<16xi32>
      %add3A_1523 = arith.constant 1 : i32
      %add3A_1524 = vector.broadcast %add3A_1523 : i32 to vector<16xi32>
      %add3A_1525 = arith.addi %scan3A_1493, %add3A_1524 : vector<16xi32>
      %scan3A_1526 = arith.constant 1 : i32
      %scan3A_1527 = arith.addi %scan3A_1491, %scan3A_1526 : i32
      %ge3A_1528 = arith.cmpi sge, %add3A_1525, %select_n3A_1501 : vector<16xi32>
      %le3A_1529 = arith.cmpi sle, %select_n3A_1501, %mul3A_1416 : vector<16xi32>
      %and3A_1530 = arith.andi %ge3A_1528, %le3A_1529 : vector<16xi1>
      %select_n3A_1531 = arith.select %and3A_1530, %select_n3A_1501, %select_n3A_1499 : vector<16xi1>, vector<16xi32>
      %add3A_1532 = arith.addi %select_n3A_1501, %select_n3A_1387 : vector<16xi32>
      %select_n3A_1533 = arith.select %and3A_1530, %add3A_1532, %select_n3A_1501 : vector<16xi1>, vector<16xi32>
      %sub3A_1534 = arith.subi %add3A_1522, %select_n3A_1531 : vector<16xi32>
      %abs3A_1535 = math.absi %sub3A_1534 : vector<16xi32>
      %jit3A_1536 = arith.constant 4 : i32
      %broadcast_in_dim3A_1537 = vector.broadcast %jit3A_1536 : i32 to vector<16xi32>
      %select_n3A_1538 = arith.select %and3A, %abs3A_1535, %broadcast_in_dim3A_1537 : vector<16xi1>, vector<16xi32>
      %convert_element_type3A_1539 = arith.sitofp %select_n3A_1538 : vector<16xi32> to vector<16xf32>
      %mul3A_1540 = arith.constant 0.166666672 : f32
      %mul3A_1541 = vector.broadcast %mul3A_1540 : f32 to vector<16xf32>
      %mul3A_1542 = arith.mulf %convert_element_type3A_1539, %mul3A_1541 : vector<16xf32>
      %sub3A_1543 = arith.constant 1.000000e+00 : f32
      %sub3A_1544 = vector.broadcast %sub3A_1543 : f32 to vector<16xf32>
      %sub3A_1545 = arith.subf %sub3A_1544, %mul3A_1542 : vector<16xf32>
      %max3A_1546 = arith.constant 5.000000e-01 : f32
      %max3A_1547 = vector.broadcast %max3A_1546 : f32 to vector<16xf32>
      %max3A_1548 = arith.maximumf %sub3A_1545, %max3A_1547 : vector<16xf32>
      %swap3A_1549 = arith.index_cast %scan3A_1527 : i32 to index
      %swap3A_1550 = arith.constant 0 : index
      %swap3A_1551 = tpu.vector_load %arg4[%swap3A_1549, %swap3A_1550] {strides = array<i32>} : memref<1025x16xf32, #tpu.memory_space<vmem>>, vector<16xf32>,
      tpu.vector_store %arg4[%swap3A_1549, %swap3A_1550], %max3A_1548 {strides = array<i32>} : memref<1025x16xf32, #tpu.memory_space<vmem>>, vector<16xf32>,
      %add3A_1552 = arith.constant 1 : i32
      %add3A_1553 = vector.broadcast %add3A_1552 : i32 to vector<16xi32>
      %add3A_1554 = arith.addi %add3A_1522, %add3A_1553 : vector<16xi32>
      %add3A_1555 = arith.constant 1 : i32
      %add3A_1556 = vector.broadcast %add3A_1555 : i32 to vector<16xi32>
      %add3A_1557 = arith.addi %add3A_1525, %add3A_1556 : vector<16xi32>
      %scan3A_1558 = arith.constant 2 : i32
      %scan3A_1559 = arith.addi %scan3A_1491, %scan3A_1558 : i32
      %ge3A_1560 = arith.cmpi sge, %add3A_1557, %select_n3A_1533 : vector<16xi32>
      %le3A_1561 = arith.cmpi sle, %select_n3A_1533, %mul3A_1416 : vector<16xi32>
      %and3A_1562 = arith.andi %ge3A_1560, %le3A_1561 : vector<16xi1>
      %select_n3A_1563 = arith.select %and3A_1562, %select_n3A_1533, %select_n3A_1531 : vector<16xi1>, vector<16xi32>
      %add3A_1564 = arith.addi %select_n3A_1533, %select_n3A_1387 : vector<16xi32>
      %select_n3A_1565 = arith.select %and3A_1562, %add3A_1564, %select_n3A_1533 : vector<16xi1>, vector<16xi32>
      %sub3A_1566 = arith.subi %add3A_1554, %select_n3A_1563 : vector<16xi32>
      %abs3A_1567 = math.absi %sub3A_1566 : vector<16xi32>
      %jit3A_1568 = arith.constant 4 : i32
      %broadcast_in_dim3A_1569 = vector.broadcast %jit3A_1568 : i32 to vector<16xi32>
      %select_n3A_1570 = arith.select %and3A, %abs3A_1567, %broadcast_in_dim3A_1569 : vector<16xi1>, vector<16xi32>
      %convert_element_type3A_1571 = arith.sitofp %select_n3A_1570 : vector<16xi32> to vector<16xf32>
      %mul3A_1572 = arith.constant 0.166666672 : f32
      %mul3A_1573 = vector.broadcast %mul3A_1572 : f32 to vector<16xf32>
      %mul3A_1574 = arith.mulf %convert_element_type3A_1571, %mul3A_1573 : vector<16xf32>
      %sub3A_1575 = arith.constant 1.000000e+00 : f32
      %sub3A_1576 = vector.broadcast %sub3A_1575 : f32 to vector<16xf32>
      %sub3A_1577 = arith.subf %sub3A_1576, %mul3A_1574 : vector<16xf32>
      %max3A_1578 = arith.constant 5.000000e-01 : f32
      %max3A_1579 = vector.broadcast %max3A_1578 : f32 to vector<16xf32>
      %max3A_1580 = arith.maximumf %sub3A_1577, %max3A_1579 : vector<16xf32>
      %swap3A_1581 = arith.index_cast %scan3A_1559 : i32 to index
      %swap3A_1582 = arith.constant 0 : index
      %swap3A_1583 = tpu.vector_load %arg4[%swap3A_1581, %swap3A_1582] {strides = array<i32>} : memref<1025x16xf32, #tpu.memory_space<vmem>>, vector<16xf32>,
      tpu.vector_store %arg4[%swap3A_1581, %swap3A_1582], %max3A_1580 {strides = array<i32>} : memref<1025x16xf32, #tpu.memory_space<vmem>>, vector<16xf32>,
      %add3A_1584 = arith.constant 1 : i32
      %add3A_1585 = vector.broadcast %add3A_1584 : i32 to vector<16xi32>
      %add3A_1586 = arith.addi %add3A_1554, %add3A_1585 : vector<16xi32>
      %add3A_1587 = arith.constant 1 : i32
      %add3A_1588 = vector.broadcast %add3A_1587 : i32 to vector<16xi32>
      %add3A_1589 = arith.addi %add3A_1557, %add3A_1588 : vector<16xi32>
      %scan3A_1590 = arith.constant 3 : i32
      %scan3A_1591 = arith.addi %scan3A_1491, %scan3A_1590 : i32
      %ge3A_1592 = arith.cmpi sge, %add3A_1589, %select_n3A_1565 : vector<16xi32>
      %le3A_1593 = arith.cmpi sle, %select_n3A_1565, %mul3A_1416 : vector<16xi32>
      %and3A_1594 = arith.andi %ge3A_1592, %le3A_1593 : vector<16xi1>
      %select_n3A_1595 = arith.select %and3A_1594, %select_n3A_1565, %select_n3A_1563 : vector<16xi1>, vector<16xi32>
      %add3A_1596 = arith.addi %select_n3A_1565, %select_n3A_1387 : vector<16xi32>
      %select_n3A_1597 = arith.select %and3A_1594, %add3A_1596, %select_n3A_1565 : vector<16xi1>, vector<16xi32>
      %sub3A_1598 = arith.subi %add3A_1586, %select_n3A_1595 : vector<16xi32>
      %abs3A_1599 = math.absi %sub3A_1598 : vector<16xi32>
      %jit3A_1600 = arith.constant 4 : i32
      %broadcast_in_dim3A_1601 = vector.broadcast %jit3A_1600 : i32 to vector<16xi32>
      %select_n3A_1602 = arith.select %and3A, %abs3A_1599, %broadcast_in_dim3A_1601 : vector<16xi1>, vector<16xi32>
      %convert_element_type3A_1603 = arith.sitofp %select_n3A_1602 : vector<16xi32> to vector<16xf32>
      %mul3A_1604 = arith.constant 0.166666672 : f32
      %mul3A_1605 = vector.broadcast %mul3A_1604 : f32 to vector<16xf32>
      %mul3A_1606 = arith.mulf %convert_element_type3A_1603, %mul3A_1605 : vector<16xf32>
      %sub3A_1607 = arith.constant 1.000000e+00 : f32
      %sub3A_1608 = vector.broadcast %sub3A_1607 : f32 to vector<16xf32>
      %sub3A_1609 = arith.subf %sub3A_1608, %mul3A_1606 : vector<16xf32>
      %max3A_1610 = arith.constant 5.000000e-01 : f32
      %max3A_1611 = vector.broadcast %max3A_1610 : f32 to vector<16xf32>
      %max3A_1612 = arith.maximumf %sub3A_1609, %max3A_1611 : vector<16xf32>
      %swap3A_1613 = arith.index_cast %scan3A_1591 : i32 to index
      %swap3A_1614 = arith.constant 0 : index
      %swap3A_1615 = tpu.vector_load %arg4[%swap3A_1613, %swap3A_1614] {strides = array<i32>} : memref<1025x16xf32, #tpu.memory_space<vmem>>, vector<16xf32>,
      tpu.vector_store %arg4[%swap3A_1613, %swap3A_1614], %max3A_1612 {strides = array<i32>} : memref<1025x16xf32, #tpu.memory_space<vmem>>, vector<16xf32>,
      %add3A_1616 = arith.constant 1 : i32
      %add3A_1617 = vector.broadcast %add3A_1616 : i32 to vector<16xi32>
      %add3A_1618 = arith.addi %add3A_1586, %add3A_1617 : vector<16xi32>
      %add3A_1619 = arith.constant 1 : i32
      %add3A_1620 = vector.broadcast %add3A_1619 : i32 to vector<16xi32>
      %add3A_1621 = arith.addi %add3A_1589, %add3A_1620 : vector<16xi32>
      %scan3A_1622 = arith.constant 4 : i32
      %scan3A_1623 = arith.addi %scan3A_1491, %scan3A_1622 : i32
      %ge3A_1624 = arith.cmpi sge, %add3A_1621, %select_n3A_1597 : vector<16xi32>
      %le3A_1625 = arith.cmpi sle, %select_n3A_1597, %mul3A_1416 : vector<16xi32>
      %and3A_1626 = arith.andi %ge3A_1624, %le3A_1625 : vector<16xi1>
      %select_n3A_1627 = arith.select %and3A_1626, %select_n3A_1597, %select_n3A_1595 : vector<16xi1>, vector<16xi32>
      %add3A_1628 = arith.addi %select_n3A_1597, %select_n3A_1387 : vector<16xi32>
      %select_n3A_1629 = arith.select %and3A_1626, %add3A_1628, %select_n3A_1597 : vector<16xi1>, vector<16xi32>
      %sub3A_1630 = arith.subi %add3A_1618, %select_n3A_1627 : vector<16xi32>
      %abs3A_1631 = math.absi %sub3A_1630 : vector<16xi32>
      %jit3A_1632 = arith.constant 4 : i32
      %broadcast_in_dim3A_1633 = vector.broadcast %jit3A_1632 : i32 to vector<16xi32>
      %select_n3A_1634 = arith.select %and3A, %abs3A_1631, %broadcast_in_dim3A_1633 : vector<16xi1>, vector<16xi32>
      %convert_element_type3A_1635 = arith.sitofp %select_n3A_1634 : vector<16xi32> to vector<16xf32>
      %mul3A_1636 = arith.constant 0.166666672 : f32
      %mul3A_1637 = vector.broadcast %mul3A_1636 : f32 to vector<16xf32>
      %mul3A_1638 = arith.mulf %convert_element_type3A_1635, %mul3A_1637 : vector<16xf32>
      %sub3A_1639 = arith.constant 1.000000e+00 : f32
      %sub3A_1640 = vector.broadcast %sub3A_1639 : f32 to vector<16xf32>
      %sub3A_1641 = arith.subf %sub3A_1640, %mul3A_1638 : vector<16xf32>
      %max3A_1642 = arith.constant 5.000000e-01 : f32
      %max3A_1643 = vector.broadcast %max3A_1642 : f32 to vector<16xf32>
      %max3A_1644 = arith.maximumf %sub3A_1641, %max3A_1643 : vector<16xf32>
      %swap3A_1645 = arith.index_cast %scan3A_1623 : i32 to index
      %swap3A_1646 = arith.constant 0 : index
      %swap3A_1647 = tpu.vector_load %arg4[%swap3A_1645, %swap3A_1646] {strides = array<i32>} : memref<1025x16xf32, #tpu.memory_space<vmem>>, vector<16xf32>,
      tpu.vector_store %arg4[%swap3A_1645, %swap3A_1646], %max3A_1644 {strides = array<i32>} : memref<1025x16xf32, #tpu.memory_space<vmem>>, vector<16xf32>,
      %add3A_1648 = arith.constant 1 : i32
      %add3A_1649 = vector.broadcast %add3A_1648 : i32 to vector<16xi32>
      %add3A_1650 = arith.addi %add3A_1618, %add3A_1649 : vector<16xi32>
      %add3A_1651 = arith.constant 1 : i32
      %add3A_1652 = vector.broadcast %add3A_1651 : i32 to vector<16xi32>
      %add3A_1653 = arith.addi %add3A_1621, %add3A_1652 : vector<16xi32>
      %scan3A_1654 = arith.constant 5 : i32
      %scan3A_1655 = arith.addi %scan3A_1491, %scan3A_1654 : i32
      %ge3A_1656 = arith.cmpi sge, %add3A_1653, %select_n3A_1629 : vector<16xi32>
      %le3A_1657 = arith.cmpi sle, %select_n3A_1629, %mul3A_1416 : vector<16xi32>
      %and3A_1658 = arith.andi %ge3A_1656, %le3A_1657 : vector<16xi1>
      %select_n3A_1659 = arith.select %and3A_1658, %select_n3A_1629, %select_n3A_1627 : vector<16xi1>, vector<16xi32>
      %add3A_1660 = arith.addi %select_n3A_1629, %select_n3A_1387 : vector<16xi32>
      %select_n3A_1661 = arith.select %and3A_1658, %add3A_1660, %select_n3A_1629 : vector<16xi1>, vector<16xi32>
      %sub3A_1662 = arith.subi %add3A_1650, %select_n3A_1659 : vector<16xi32>
      %abs3A_1663 = math.absi %sub3A_1662 : vector<16xi32>
      %jit3A_1664 = arith.constant 4 : i32
      %broadcast_in_dim3A_1665 = vector.broadcast %jit3A_1664 : i32 to vector<16xi32>
      %select_n3A_1666 = arith.select %and3A, %abs3A_1663, %broadcast_in_dim3A_1665 : vector<16xi1>, vector<16xi32>
      %convert_element_type3A_1667 = arith.sitofp %select_n3A_1666 : vector<16xi32> to vector<16xf32>
      %mul3A_1668 = arith.constant 0.166666672 : f32
      %mul3A_1669 = vector.broadcast %mul3A_1668 : f32 to vector<16xf32>
      %mul3A_1670 = arith.mulf %convert_element_type3A_1667, %mul3A_1669 : vector<16xf32>
      %sub3A_1671 = arith.constant 1.000000e+00 : f32
      %sub3A_1672 = vector.broadcast %sub3A_1671 : f32 to vector<16xf32>
      %sub3A_1673 = arith.subf %sub3A_1672, %mul3A_1670 : vector<16xf32>
      %max3A_1674 = arith.constant 5.000000e-01 : f32
      %max3A_1675 = vector.broadcast %max3A_1674 : f32 to vector<16xf32>
      %max3A_1676 = arith.maximumf %sub3A_1673, %max3A_1675 : vector<16xf32>
      %swap3A_1677 = arith.index_cast %scan3A_1655 : i32 to index
      %swap3A_1678 = arith.constant 0 : index
      %swap3A_1679 = tpu.vector_load %arg4[%swap3A_1677, %swap3A_1678] {strides = array<i32>} : memref<1025x16xf32, #tpu.memory_space<vmem>>, vector<16xf32>,
      tpu.vector_store %arg4[%swap3A_1677, %swap3A_1678], %max3A_1676 {strides = array<i32>} : memref<1025x16xf32, #tpu.memory_space<vmem>>, vector<16xf32>,
      %add3A_1680 = arith.constant 1 : i32
      %add3A_1681 = vector.broadcast %add3A_1680 : i32 to vector<16xi32>
      %add3A_1682 = arith.addi %add3A_1650, %add3A_1681 : vector<16xi32>
      %add3A_1683 = arith.constant 1 : i32
      %add3A_1684 = vector.broadcast %add3A_1683 : i32 to vector<16xi32>
      %add3A_1685 = arith.addi %add3A_1653, %add3A_1684 : vector<16xi32>
      %scan3A_1686 = arith.constant 6 : i32
      %scan3A_1687 = arith.addi %scan3A_1491, %scan3A_1686 : i32
      %ge3A_1688 = arith.cmpi sge, %add3A_1685, %select_n3A_1661 : vector<16xi32>
      %le3A_1689 = arith.cmpi sle, %select_n3A_1661, %mul3A_1416 : vector<16xi32>
      %and3A_1690 = arith.andi %ge3A_1688, %le3A_1689 : vector<16xi1>
      %select_n3A_1691 = arith.select %and3A_1690, %select_n3A_1661, %select_n3A_1659 : vector<16xi1>, vector<16xi32>
      %add3A_1692 = arith.addi %select_n3A_1661, %select_n3A_1387 : vector<16xi32>
      %select_n3A_1693 = arith.select %and3A_1690, %add3A_1692, %select_n3A_1661 : vector<16xi1>, vector<16xi32>
      %sub3A_1694 = arith.subi %add3A_1682, %select_n3A_1691 : vector<16xi32>
      %abs3A_1695 = math.absi %sub3A_1694 : vector<16xi32>
      %jit3A_1696 = arith.constant 4 : i32
      %broadcast_in_dim3A_1697 = vector.broadcast %jit3A_1696 : i32 to vector<16xi32>
      %select_n3A_1698 = arith.select %and3A, %abs3A_1695, %broadcast_in_dim3A_1697 : vector<16xi1>, vector<16xi32>
      %convert_element_type3A_1699 = arith.sitofp %select_n3A_1698 : vector<16xi32> to vector<16xf32>
      %mul3A_1700 = arith.constant 0.166666672 : f32
      %mul3A_1701 = vector.broadcast %mul3A_1700 : f32 to vector<16xf32>
      %mul3A_1702 = arith.mulf %convert_element_type3A_1699, %mul3A_1701 : vector<16xf32>
      %sub3A_1703 = arith.constant 1.000000e+00 : f32
      %sub3A_1704 = vector.broadcast %sub3A_1703 : f32 to vector<16xf32>
      %sub3A_1705 = arith.subf %sub3A_1704, %mul3A_1702 : vector<16xf32>
      %max3A_1706 = arith.constant 5.000000e-01 : f32
      %max3A_1707 = vector.broadcast %max3A_1706 : f32 to vector<16xf32>
      %max3A_1708 = arith.maximumf %sub3A_1705, %max3A_1707 : vector<16xf32>
      %swap3A_1709 = arith.index_cast %scan3A_1687 : i32 to index
      %swap3A_1710 = arith.constant 0 : index
      %swap3A_1711 = tpu.vector_load %arg4[%swap3A_1709, %swap3A_1710] {strides = array<i32>} : memref<1025x16xf32, #tpu.memory_space<vmem>>, vector<16xf32>,
      tpu.vector_store %arg4[%swap3A_1709, %swap3A_1710], %max3A_1708 {strides = array<i32>} : memref<1025x16xf32, #tpu.memory_space<vmem>>, vector<16xf32>,
      %add3A_1712 = arith.constant 1 : i32
      %add3A_1713 = vector.broadcast %add3A_1712 : i32 to vector<16xi32>
      %add3A_1714 = arith.addi %add3A_1682, %add3A_1713 : vector<16xi32>
      %add3A_1715 = arith.constant 1 : i32
      %add3A_1716 = vector.broadcast %add3A_1715 : i32 to vector<16xi32>
      %add3A_1717 = arith.addi %add3A_1685, %add3A_1716 : vector<16xi32>
      %scan3A_1718 = arith.constant 7 : i32
      %scan3A_1719 = arith.addi %scan3A_1491, %scan3A_1718 : i32
      %ge3A_1720 = arith.cmpi sge, %add3A_1717, %select_n3A_1693 : vector<16xi32>
      %le3A_1721 = arith.cmpi sle, %select_n3A_1693, %mul3A_1416 : vector<16xi32>
      %and3A_1722 = arith.andi %ge3A_1720, %le3A_1721 : vector<16xi1>
      %select_n3A_1723 = arith.select %and3A_1722, %select_n3A_1693, %select_n3A_1691 : vector<16xi1>, vector<16xi32>
      %add3A_1724 = arith.addi %select_n3A_1693, %select_n3A_1387 : vector<16xi32>
      %select_n3A_1725 = arith.select %and3A_1722, %add3A_1724, %select_n3A_1693 : vector<16xi1>, vector<16xi32>
      %sub3A_1726 = arith.subi %add3A_1714, %select_n3A_1723 : vector<16xi32>
      %abs3A_1727 = math.absi %sub3A_1726 : vector<16xi32>
      %jit3A_1728 = arith.constant 4 : i32
      %broadcast_in_dim3A_1729 = vector.broadcast %jit3A_1728 : i32 to vector<16xi32>
      %select_n3A_1730 = arith.select %and3A, %abs3A_1727, %broadcast_in_dim3A_1729 : vector<16xi1>, vector<16xi32>
      %convert_element_type3A_1731 = arith.sitofp %select_n3A_1730 : vector<16xi32> to vector<16xf32>
      %mul3A_1732 = arith.constant 0.166666672 : f32
      %mul3A_1733 = vector.broadcast %mul3A_1732 : f32 to vector<16xf32>
      %mul3A_1734 = arith.mulf %convert_element_type3A_1731, %mul3A_1733 : vector<16xf32>
      %sub3A_1735 = arith.constant 1.000000e+00 : f32
      %sub3A_1736 = vector.broadcast %sub3A_1735 : f32 to vector<16xf32>
      %sub3A_1737 = arith.subf %sub3A_1736, %mul3A_1734 : vector<16xf32>
      %max3A_1738 = arith.constant 5.000000e-01 : f32
      %max3A_1739 = vector.broadcast %max3A_1738 : f32 to vector<16xf32>
      %max3A_1740 = arith.maximumf %sub3A_1737, %max3A_1739 : vector<16xf32>
      %swap3A_1741 = arith.index_cast %scan3A_1719 : i32 to index
      %swap3A_1742 = arith.constant 0 : index
      %swap3A_1743 = tpu.vector_load %arg4[%swap3A_1741, %swap3A_1742] {strides = array<i32>} : memref<1025x16xf32, #tpu.memory_space<vmem>>, vector<16xf32>,
      tpu.vector_store %arg4[%swap3A_1741, %swap3A_1742], %max3A_1740 {strides = array<i32>} : memref<1025x16xf32, #tpu.memory_space<vmem>>, vector<16xf32>,
      %add3A_1744 = arith.constant 1 : i32
      %add3A_1745 = vector.broadcast %add3A_1744 : i32 to vector<16xi32>
      %add3A_1746 = arith.addi %add3A_1714, %add3A_1745 : vector<16xi32>
      %add3A_1747 = arith.constant 1 : i32
      %add3A_1748 = vector.broadcast %add3A_1747 : i32 to vector<16xi32>
      %add3A_1749 = arith.addi %add3A_1717, %add3A_1748 : vector<16xi32>
      scf.yield %add3A_1746, %add3A_1749, %select_n3A_1723, %select_n3A_1725 : vector<16xi32>, vector<16xi32>, vector<16xi32>, vector<16xi32>
    }
    %scan3A_1446 = arith.constant 1024 : i32
    %scan3A_1447 = arith.addi %scan3A_1441, %scan3A_1446 : i32
    %ge3A_1448 = arith.cmpi sge, %scan3A_1445#1, %scan3A_1445#3 : vector<16xi32>
    %le3A_1449 = arith.cmpi sle, %scan3A_1445#3, %mul3A_1416 : vector<16xi32>
    %and3A_1450 = arith.andi %ge3A_1448, %le3A_1449 : vector<16xi1>
    %select_n3A_1451 = arith.select %and3A_1450, %scan3A_1445#3, %scan3A_1445#2 : vector<16xi1>, vector<16xi32>
    %add3A_1452 = arith.addi %scan3A_1445#3, %select_n3A_1387 : vector<16xi32>
    %select_n3A_1453 = arith.select %and3A_1450, %add3A_1452, %scan3A_1445#3 : vector<16xi1>, vector<16xi32>
    %sub3A_1454 = arith.subi %scan3A_1445#0, %select_n3A_1451 : vector<16xi32>
    %abs3A = math.absi %sub3A_1454 : vector<16xi32>
    %jit3A_1455 = arith.constant 4 : i32
    %broadcast_in_dim3A_1456 = vector.broadcast %jit3A_1455 : i32 to vector<16xi32>
    %select_n3A_1457 = arith.select %and3A, %abs3A, %broadcast_in_dim3A_1456 : vector<16xi1>, vector<16xi32>
    %convert_element_type3A_1458 = arith.sitofp %select_n3A_1457 : vector<16xi32> to vector<16xf32>
    %mul3A_1459 = arith.constant 0.166666672 : f32
    %mul3A_1460 = vector.broadcast %mul3A_1459 : f32 to vector<16xf32>
    %mul3A_1461 = arith.mulf %convert_element_type3A_1458, %mul3A_1460 : vector<16xf32>
    %sub3A_1462 = arith.constant 1.000000e+00 : f32
    %sub3A_1463 = vector.broadcast %sub3A_1462 : f32 to vector<16xf32>
    %sub3A_1464 = arith.subf %sub3A_1463, %mul3A_1461 : vector<16xf32>
    %max3A_1465 = arith.constant 5.000000e-01 : f32
    %max3A_1466 = vector.broadcast %max3A_1465 : f32 to vector<16xf32>
    %max3A_1467 = arith.maximumf %sub3A_1464, %max3A_1466 : vector<16xf32>
    %swap3A = arith.index_cast %scan3A_1447 : i32 to index
    %swap3A_1468 = arith.constant 0 : index
    %swap3A_1469 = tpu.vector_load %arg4[%swap3A, %swap3A_1468] {strides = array<i32>} : memref<1025x16xf32, #tpu.memory_space<vmem>>, vector<16xf32>,
    tpu.vector_store %arg4[%swap3A, %swap3A_1468], %max3A_1467 {strides = array<i32>} : memref<1025x16xf32, #tpu.memory_space<vmem>>, vector<16xf32>,
    %add3A_1470 = arith.constant 1 : i32
    %add3A_1471 = vector.broadcast %add3A_1470 : i32 to vector<16xi32>
    %add3A_1472 = arith.addi %scan3A_1445#0, %add3A_1471 : vector<16xi32>
    %add3A_1473 = arith.constant 1 : i32
    %add3A_1474 = vector.broadcast %add3A_1473 : i32 to vector<16xi32>
    %add3A_1475 = arith.addi %scan3A_1445#1, %add3A_1474 : vector<16xi32>
    %scan3A_1476 = arith.constant 1025 : i32
    %dma_start3A_1477 = arith.constant 0 : i32
    %dma_start3A_1478 = arith.constant 0 : i32
    %dma_start3A_1479 = tpu.memref_slice %arg3[%arg0, %dma_start3A_1477, %dma_start3A_1478, %mul3A_0] : memref<2x1x1025x256xf32, #tpu.memory_space<hbm>> -> memref<1x1x1025x16xf32, #tpu.memory_space<hbm>>
    %dma_start3A_1480 = tpu.memref_squeeze %dma_start3A_1479 : memref<1x1x1025x16xf32, #tpu.memory_space<hbm>> -> memref<1025x16xf32, #tpu.memory_space<hbm>>
    %dma_start3A_1481 = arith.constant 0 : i32
    %dma_start3A_1482 = tpu.memref_slice %arg3[%arg0, %dma_start3A_1477, %dma_start3A_1481, %mul3A_0] : memref<2x1x1025x256xf32, #tpu.memory_space<hbm>> -> memref<1x1x1025x16xf32, #tpu.memory_space<hbm>>
    %dma_start3A_1483 = tpu.memref_squeeze %dma_start3A_1482 : memref<1x1x1025x16xf32, #tpu.memory_space<hbm>> -> memref<1025x16xf32, #tpu.memory_space<hbm>>
    tpu.enqueue_dma source(%arg4 : memref<1025x16xf32, #tpu.memory_space<vmem>>) target(%dma_start3A_1483 : memref<1025x16xf32, #tpu.memory_space<hbm>>) target_semaphore(%arg6 : memref<!tpu.dma_semaphore, #tpu.memory_space<semaphore_mem>>)
    %dma_wait3A_1484 = arith.constant 0 : i32
    %dma_wait3A_1485 = arith.constant 0 : i32
    %dma_wait3A_1486 = tpu.memref_slice %arg3[%arg0, %dma_wait3A_1484, %dma_wait3A_1485, %mul3A_0] : memref<2x1x1025x256xf32, #tpu.memory_space<hbm>> -> memref<1x1x1025x16xf32, #tpu.memory_space<hbm>>
    %dma_wait3A_1487 = tpu.memref_squeeze %dma_wait3A_1486 : memref<1x1x1025x16xf32, #tpu.memory_space<hbm>> -> memref<1025x16xf32, #tpu.memory_space<hbm>>
    %dma_wait3A_1488 = arith.constant 0 : i32
    %dma_wait3A_1489 = tpu.memref_slice %arg3[%arg0, %dma_wait3A_1484, %dma_wait3A_1488, %mul3A_0] : memref<2x1x1025x256xf32, #tpu.memory_space<hbm>> -> memref<1x1x1025x16xf32, #tpu.memory_space<hbm>>
    %dma_wait3A_1490 = tpu.memref_squeeze %dma_wait3A_1489 : memref<1x1x1025x16xf32, #tpu.memory_space<hbm>> -> memref<1025x16xf32, #tpu.memory_space<hbm>>
    tpu.wait_dma2 semaphore(%arg6 : memref<!tpu.dma_semaphore, #tpu.memory_space<semaphore_mem>>) src(%arg4 : memref<1025x16xf32, #tpu.memory_space<vmem>>) dst(%dma_wait3A_1490 : memref<1025x16xf32, #tpu.memory_space<hbm>>)
    return
  }
}

</mosaic_0001>

<sc_bundles>
// kernel: _sc_mask.3.cloned.1.call-start
scs
__scs_entry_jumppad:
0x0: {  	(pc) =	sbr.rel $0x88, $3  }
0x1: {  	(tag) =	ssettag $0x0;
	lr =	simm.s32 $0x1  }
0x2: {  	[smem:$0x3FA0] =	sst lr;
	_ =	strace $0xD0000000  }
0x3: {  	_ = 	snop  }
0x4: {  	_ = 	snop  }
0x5: {  	_ = 	snop  }
0x6: {  	_ = 	snop  }
0x7: {  	_ = 	snop  }
__scs_overlays_trampoline_lowered:
0x8: {  	[smem:$0x3FAF] =	sst s0  }
0x9: {  	[smem:$0x3FB0] =	sst s1  }
0xa: {  	[smem:$0x3FB1] =	sst s2  }
0xb: {  	[smem:$0x3FB2] =	sst s3  }
0xc: {  	[smem:$0x3FB3] =	sst s4  }
0xd: {  	[smem:$0x3FB4] =	sst s5  }
0xe: {  	[smem:$0x3FB5] =	sst s6  }
0xf: {  	[smem:$0x3FB6] =	sst s7  }
0x10: {  	[smem:$0x3FB7] =	sst s8  }
0x11: {  	[smem:$0x3FB8] =	sst s9;
	s0 =	simm.s32 @!p0 $0x0  }
0x12: {  	s1 =	sld [smem:$0x3F9E];
	s0 =	simm.s32 @p0 $0x1  }
0x13: {  	[smem:$0x3FB9] =	sst s0;
	s0 =	simm.s32 @!p1 $0x0  }
0x14: {  	s2 =	sld [smem:$0x3F9D];
	s0 =	simm.s32 @p1 $0x1  }
0x15: {  	[smem:$0x3FBA] =	sst s0;
	s0 =	simm.s32 @!p2 $0x0  }
0x16: {  	s3 =	sld [smem:$0x3FDB];
	s0 =	simm.s32 @p2 $0x1  }
0x17: {  	s4 =	simm.s32 $0x1BF5;
	[smem:$0x3FBC] =	sst s0  }
0x18: {  	s0 =	sld [smem:$0x3F9F];
	_ =	swait.ge [sflag:s4], $0x0  }
0x19: {  	s7 =	sld [smem:$0x3FA0]  }
0x1a: {  	s8 =	sadd.s32 $0xFFFFE003, lr  }
0x1b: {  	s9 =	sadd.s32 $0xFFFFFEF7, lr;
	s5 =	simm.s32 $0xFFFFFFFF;
	p2 =	slt.u32 s8, $0xFFFFF086  }
0x1c: {  	p1 =	slt.u32 s9, $0xF7A;
	s5 =	simm.s32 @!p2 $0x0  }
0x1d: {  	s5 =	simm.s32 @p1 $0x1;
	p0 =	seq.s32 s7, s2  }
0x1e: {  	s7 =	smul.u32 @!p0 $0xF7A, s2;
	p2 =	seq.s32 @!p0 s5, $0x0  }
0x1f: {  	s9 =	smul.u32 $0xF7A, s1;
	s8 =	simm.s32 @!p0 $0x1BF5;
	p2 =	por !p2, p0  }
0x20: {  	[sflag:s8] =	ssyncset.s32 @!p0 $0xFFFFF086;
	s6 =	sadd.s32 @!p0 s3, s7;
	s7 =	simm.s32 @!p0 $0x108  }
0x21: {  	s3 =	sadd.s32 s3, s9;
	s6 =	sadd.s32 @!p0 $0x88, s6;
	s7 =	simm.s32 @p2 $0x1082  }
0x22: {  	[simem:s7], [sflag:s8] =	dma.local @!p0 [hbm:s6], $0xF7A  }
0x23: {  	s9 =	sor.u32 $0xD0000000, s2;
	s6 =	simm.s32 $0x108;
	_ =	swait.ge @!p0 [sflag:s8], $0x0  }
0x24: {  	s3 =	sadd.s32 $0x88, s3;
	s6 =	simm.s32 @!p1 $0x1082;
	[sflag:s4] =	ssyncset.s32 $0xFFFFF086  }
0x25: {  	[simem:s6], [sflag:s4] =	dma.local [hbm:s3], $0xF7A  }
0x26: {  	[smem:$0x3FA0] =	sst s1;
	(tag) =	ssettag s2;
	_ =	strace s9  }
0x27: {  	s1 =	sld [smem:$0x3FB0]  }
0x28: {  	s2 =	sld [smem:$0x3FB1]  }
0x29: {  	s4 =	sld [smem:$0x3FB3]  }
0x2a: {  	p0 =	seq.s32 s5, $0x0;
	s5 =	sld [smem:$0x3FB4]  }
0x2b: {  	s6 =	sld [smem:$0x3FB5]  }
0x2c: {  	s7 =	sld [smem:$0x3FB6]  }
0x2d: {  	s3 =	simm.s32 $0x108;
	s8 =	sld [smem:$0x3FB7]  }
0x2e: {  	s3 =	simm.s32 @!p0 $0x1082;
	s9 =	sld [smem:$0x3FB8]  }
0x2f: {  	lr =	sadd.s32 s0, s3;
	s0 =	sld [smem:$0x3FAF]  }
0x30: {  	s3 =	sld [smem:$0x3FB2]  }
0x31: {  	[smem:$0x3FBB] =	sst s10  }
0x32: {  	s10 =	sld [smem:$0x3FB9];
	_ =	sdelay $0x3  }
0x33: {  	p0 =	seq.s32 s10, $0x1;
	s10 =	sld [smem:$0x3FBB];
	_ =	sdelay $0x3  }
0x34: {  	[smem:$0x3FBB] =	sst s10  }
0x35: {  	s10 =	sld [smem:$0x3FBA];
	_ =	sdelay $0x3  }
0x36: {  	p1 =	seq.s32 s10, $0x1;
	s10 =	sld [smem:$0x3FBB];
	_ =	sdelay $0x3  }
0x37: {  	[smem:$0x3FBB] =	sst s10  }
0x38: {  	s10 =	sld [smem:$0x3FBC]  }
0x39: {  	_ = 	snop;
	(pc) =	sbr.ind lr, $3  }
0x3a: {  	_ = 	snop  }
0x3b: {  	_ = 	snop  }
0x3c: {  	p2 =	seq.s32 s10, $0x1;
	s10 =	sld [smem:$0x3FBB]  }
0x3d: {  	_ =	shalt  }
0x3e: {  	_ =	shalt  }
0x3f: {  	_ =	shalt  }
0x40: {  	_ =	shalt  }
0x41: {  	_ =	shalt  }
0x42: {  	_ =	shalt  }
0x43: {  	_ =	shalt  }
0x44: {  	_ =	shalt  }
0x45: {  	_ =	shalt  }
0x46: {  	_ =	shalt  }
0x47: {  	_ =	shalt  }
0x48: {  	_ =	shalt  }
0x49: {  	_ =	shalt  }
0x4a: {  	_ =	shalt  }
0x4b: {  	_ =	shalt  }
0x4c: {  	_ =	shalt  }
0x4d: {  	_ =	shalt  }
0x4e: {  	_ =	shalt  }
0x4f: {  	_ =	shalt  }
0x50: {  	_ =	shalt  }
0x51: {  	_ =	shalt  }
0x52: {  	_ =	shalt  }
0x53: {  	_ =	shalt  }
0x54: {  	_ =	shalt  }
0x55: {  	_ =	shalt  }
0x56: {  	_ =	shalt  }
0x57: {  	_ =	shalt  }
0x58: {  	_ =	shalt  }
0x59: {  	_ =	shalt  }
0x5a: {  	_ =	shalt  }
0x5b: {  	_ =	shalt  }
0x5c: {  	_ =	shalt  }
0x5d: {  	_ =	shalt  }
0x5e: {  	_ =	shalt  }
0x5f: {  	_ =	shalt  }
0x60: {  	_ =	shalt  }
0x61: {  	_ =	shalt  }
0x62: {  	_ =	shalt  }
0x63: {  	_ =	shalt  }
0x64: {  	_ =	shalt  }
0x65: {  	_ =	shalt  }
0x66: {  	_ =	shalt  }
0x67: {  	_ =	shalt  }
0x68: {  	_ =	shalt  }
0x69: {  	_ =	shalt  }
0x6a: {  	_ =	shalt  }
0x6b: {  	_ =	shalt  }
0x6c: {  	_ =	shalt  }
0x6d: {  	_ =	shalt  }
0x6e: {  	_ =	shalt  }
0x6f: {  	_ =	shalt  }
0x70: {  	_ =	shalt  }
0x71: {  	_ =	shalt  }
0x72: {  	_ =	shalt  }
0x73: {  	_ =	shalt  }
0x74: {  	_ =	shalt  }
0x75: {  	_ =	shalt  }
0x76: {  	_ =	shalt  }
0x77: {  	_ =	shalt  }
0x78: {  	_ =	shalt  }
0x79: {  	_ =	shalt  }
0x7a: {  	_ =	shalt  }
0x7b: {  	_ =	shalt  }
0x7c: {  	_ =	shalt  }
0x7d: {  	_ =	shalt  }
0x7e: {  	_ =	shalt  }
0x7f: {  	_ =	shalt  }
0x80: {  	_ =	shalt  }
0x81: {  	_ =	shalt  }
0x82: {  	_ =	shalt  }
0x83: {  	_ =	shalt  }
0x84: {  	_ =	shalt  }
0x85: {  	_ =	shalt  }
0x86: {  	_ =	shalt  }
0x87: {  	_ =	shalt  }
.Lfunc_end0:
.L_simem_size_0:
called_computation_lowered:
.L_overlay_start_0:
0x88: {  	s2 =	sld [smem:$0x3FD9]  }
0x89: {  	s3 =	sld [smem:$0x3FFE];
	_ =	sdelay $0x1  }
0x8a: {  	s1 =	srdreg.scid  }
0x8b: {  	s0 =	sand.u32 $0x1, s1  }
0x8c: {  	s16 =	sshll.u32 s0, $0xA;
	s2 =	sadd.s32 s3, s2  }
0x8d: {  	s2 =	sadd.s32 s2, s16  }
0x8e: {  	[smem:$0x3FC7] =	sst s2  }
0x8f: {  	_ = 	snop  }
0x90: {  	(tm) =	ssettm $0x1  }
0x91: {  	s17 =	sld [smem:$0x3FFB];
	_ =	sdelay $0x3  }
0x92: {  	_ =	strace s17  }
0x93: {  	s2 =	sld [smem:$0x3FFC];
	_ =	sdelay $0x3  }
0x94: {  	_ =	strace s2  }
0x95: {  	s2 =	sld [smem:$0x3FFD];
	_ =	sdelay $0x3  }
0x96: {  	_ =	strace s2  }
0x97: {  	_ =	strace $0x8FFFFFFF  }
0x98: {  	s18 =	sld [smem:$0x3FDB];
	_ =	sdelay $0x1  }
0x99: {  	s19 =	simm.s32 $_scs_section_size  }
0x9a: {  	s4 =	simm.s32 $_size__tile_overlayer_lowered;
	s5 =	simm.s32 $_tile_overlayer_lowered  }
0x9b: {  	s22 =	simm.s32 $0x1BFF;
	s21 =	sshll.u32 s5, $0x1;
	s2 =	sadd.s32 s19, s18  }
0x9c: {  	s6 =	simm.s32 $0x0;
	s20 =	sshll.u32 s4, $0x1;
	s4 =	sadd.s32 s21, s2  }
0x9d: {  	[timem:s6], [sflag:s22] =	dma.local [hbm:s4], s20  }
0x9e: {  	_ =	swait.ge [sflag:s22], s20  }
0x9f: {  	s3 =	ssub.s32 $0x0, s20;
	[sflag:s22] =	ssyncset.done $0x0  }
0xa0: {  	[sflag:s22] =	ssyncadd.s32 s3;
	_ =	sdelay $0x1  }
0xa1: {  	s23 =	simm.s32 $0x1B8B  }
0xa2: {  	_ =	swait.ge [sflag:s23], $0x1  }
0xa3: {  	[sflag:s23] =	ssyncset.done $0x0  }
0xa4: {  	s25 =	simm.s32 $0x1B8E;
	s24 =	sld [smem:$0x3FFE];
	[sflag:s23] =	ssyncadd.s32 $0xFFFFFFFF  }
0xa5: {  	s26 =	simm.s32 $execute0_lowered;
	[smem:$0x3FD2] =	sst s25  }
0xa6: {  	s4 =	sshll.u32 s26, $0x1;
	_ =	strace $0x80000046;
	[dreg:$0x1] =	wrdreg $0xFFFFFFFF  }
0xa7: {  	s28 =	simm.s32 $_size_execute0_lowered;
	s2 =	sadd.s32 s2, s4;
	[dreg:$0x0] =	wrdreg $0x0  }
0xa8: {  	s4 =	sshll.u32 s28, $0x1;
	[dreg:$0x2] =	wrdreg s2  }
0xa9: {  	[dreg:$0x3] =	wrdreg s4  }
0xaa: {  	[dreg:$0x4] =	wrdreg $0xC0  }
0xab: {  	_ =	task [dreg:s6], $0x5FFFF  }
0xac: {  	[dreg:$0x1] =	wrdreg $0xFFFFFFFF  }
0xad: {  	[dreg:$0x0] =	wrdreg $0x60  }
0xae: {  	[dreg:$0x2] =	wrdreg s24  }
0xaf: {  	[dreg:$0x3] =	wrdreg $0x9  }
0xb0: {  	_ =	task.clear_ibuf [dreg:s6], $0x4FFFF;
	_ =	strace $0x90000046  }
0xb1: {  	s29 =	simm.s32 $0x9;
	_ =	strace $0x80000048  }
0xb2: {  	_ =	swait.ge [sflag:s29], $0x1  }
0xb3: {  	[sflag:s29] =	ssyncadd.s32 $0xFFFFFFFF  }
0xb4: {  	_ =	strace $0x90000048  }
0xb5: {  	_ =	sfence  }
0xb6: {  	s30 =	sld [smem:$0x0];
	_ =	sdelay $0x2  }
0xb7: {  	s31 =	sshll.u32 s1, $0xD;
	s1 =	sshrl.u32 s1, $0x2  }
0xb8: {  	s3 =	sand.u32 $0x4000, s31;
	s1 =	sadd.s32 s1, s30  }
0xb9: {  	s0 =	sor.u32 s3, s0;
	s1 =	sshll.u32 s1, $0x11  }
0xba: {  	s0 =	sor.u32 s1, s0  }
0xbb: {  	s0 =	sadd.s32 $0x8F2B, s0  }
0xbc: {  	[sflag:s0] =	ssyncadd.remote.s32 $0x1  }
0xbd: {  	_ =	sfence.sel $0xFFFF  }
0xbe: {  	[dreg:$0x0] =	wrdreg $0xFFFFFFFF;
	(pc) =	sbr.abs _section_cstart, $3  }
0xbf: {  	[dreg:$0x1] =	wrdreg $0xFFFFFFFF  }
0xc0: {  	_ =	task.clear_ibuf [dreg:s6], $0x2FFFF;
	_ =	strace $0x9FFFFFFF  }
0xc1: {  	(tm) =	ssettm $0x7FFFFFFF  }
tec
execute0_lowered:
.L_overlay_start_1:
0x0: {  	(tag) =	ssettag $0x1  }
0x1: {  	s3 =	rddreg [dreg:$0x0];
	s1 =	srdreg.scid  }
0x2: {  	s0 =	rddreg [dreg:$0x1];
	s4 =	sand.u32 $0x1, s1  }
0x3: {  	s2 =	simm.s32 $0x0;
	s8 =	simm.s32 $0x100;
	s5 =	smul.u32 $0x40800, s4  }
0x4: {  	v0 =	vlaneseq.u32;
	s9 =	simm.s32 $0x0;
	s1 =	stileid.u32;
	s7 =	smul.u32 $0x40100, s4  }
0x5: {  	v17 =	vimm.s32 $0x0;
	s15 =	simm.s32 $0x0;
	[smem:$0x7FF] =	sst s2;
	v1 =	vor.u32 $0x10, v0;
	s6 =	sshll.u32 s1, $0x4  }
0x6: {  	v2 =	vor.u32 $0x20, v0;
	v3 =	vor.u32 $0x30, v0;
	v4 =	vor.u32 $0x40, v0;
	_ =	strace $0x80000047;
	s5 =	sor.u32 s6, s5;
	s6 =	sor.u32 s6, s7  }
0x7: {  	v5 =	vor.u32 $0x50, v0;
	v6 =	vor.u32 $0x60, v0;
	v7 =	vor.u32 $0x70, v0;
	s4 =	ssub.s32 $0x2, s4;
	s5 =	sshrl.u32 s5, $0x3;
	s6 =	sshrl.u32 s6, $0x3  }
0x8: {  	v8 =	vor.u32 $0x80, v0;
	v9 =	vor.u32 $0x90, v0;
	v10 =	vor.u32 $0xA0, v0;
	s31 =	sshrl.u32 s4, $0x1;
	s5 =	sadd.s32 s5, s3;
	s6 =	sadd.s32 s6, s3  }
0x9: {  	v11 =	vor.u32 $0xB0, v0;
	v12 =	vor.u32 $0xC0, v0;
	v13 =	vor.u32 $0xD0, v0;
	s7 =	ssub.s32 s4, s31;
	s3 =	sadd.s32 $0x400, s5;
	s4 =	sadd.s32 $0x10600, s6  }
0xa: {  	v14 =	vor.u32 $0xE0, v0;
	v15 =	vor.u32 $0xF0, v0;
	v16 =	vor.u32 $0x100, v0;
	s5 =	smax.u32 s7, $0x1;
	s6 =	simm.s32 $0x10;
	s7 =	simm.s32 $0x1  }
.LBB2_1:
0xb: {  	[tilespmem:s2], [sflag:$0x1] =	stream.strided.gather [hbm4b:s3+s6], $0x4010, s8, s6, $0x38;
	[tilespmem:$0x4410] =	vst v63  }
0xc: {  	_ =	swait.ge [sflag:s7], $0x4010  }
0xd: {  	[sflag:s7] =	ssyncset.done $0x0  }
0xe: {  	[sflag:s7] =	ssyncadd.s32 $0xFFFFBFF0  }
0xf: {  	v18 =	vld [tilespmem:s8+$0xFFFFFF10]  }
0x10: {  	v19 =	vld [tilespmem:s8+$0xFFFFFF20]  }
0x11: {  	v20 =	vld [tilespmem:s8+$0xFFFFFF30]  }
0x12: {  	v21 =	vld [tilespmem:s8+$0xFFFFFF40]  }
0x13: {  	v22 =	vld [tilespmem:s8+$0xFFFFFF50]  }
0x14: {  	v23 =	vld [tilespmem:s8+$0xFFFFFF60]  }
0x15: {  	v18 =	vmax.f32 v18, v19;
	v19 =	vld [tilespmem:s8+$0xFFFFFF70]  }
0x16: {  	v18 =	vmax.f32 v18, v20;
	v20 =	vld [tilespmem:s8+$0xFFFFFF80]  }
0x17: {  	v18 =	vmax.f32 v18, v21;
	v21 =	vld [tilespmem:s8+$0xFFFFFF90]  }
0x18: {  	v18 =	vmax.f32 v18, v22;
	v22 =	vld [tilespmem:s8+$0xFFFFFFA0]  }
0x19: {  	v18 =	vmax.f32 v18, v23;
	v23 =	vld [tilespmem:s8+$0xFFFFFFB0]  }
0x1a: {  	v18 =	vmax.f32 v18, v19;
	v19 =	vld [tilespmem:s8+$0xFFFFFFC0]  }
0x1b: {  	v18 =	vmax.f32 v18, v20;
	v20 =	vld [tilespmem:s8+$0xFFFFFFD0]  }
0x1c: {  	v18 =	vmax.f32 v18, v21;
	v21 =	vld [tilespmem:s8+$0xFFFFFFE0]  }
0x1d: {  	v18 =	vmax.f32 v18, v22;
	v22 =	vld [tilespmem:s8+$0xFFFFFFF0]  }
0x1e: {  	v18 =	vmax.f32 v18, v23;
	v23 =	vld [tilespmem:s8+$0x0]  }
0x1f: {  	v18 =	vmax.f32 v18, v19  }
0x20: {  	v18 =	vmax.f32 v18, v20  }
0x21: {  	v18 =	vmax.f32 v18, v21  }
0x22: {  	v18 =	vmax.f32 v18, v22  }
0x23: {  	s10 =	simm.s32 $0x4020;
	v18 =	vmax.f32 v18, v23  }
0x24: {  	[tilespmem:s10+$0xFFFFFFF0] =	vst v18  }
0x25: {  	v18 =	vld [tilespmem:s8+$0x10]  }
0x26: {  	v19 =	vld [tilespmem:s8+$0x20]  }
0x27: {  	v20 =	vld [tilespmem:s8+$0x30]  }
0x28: {  	v21 =	vld [tilespmem:s8+$0x40]  }
0x29: {  	v22 =	vld [tilespmem:s8+$0x50]  }
0x2a: {  	v23 =	vld [tilespmem:s8+$0x60]  }
0x2b: {  	v24 =	vld [tilespmem:s8+$0x70];
	v18 =	vmax.f32 v18, v19  }
0x2c: {  	v19 =	vld [tilespmem:s8+$0x80];
	v18 =	vmax.f32 v18, v20  }
0x2d: {  	v20 =	vld [tilespmem:s8+$0x90];
	v18 =	vmax.f32 v18, v21  }
0x2e: {  	v21 =	vld [tilespmem:s8+$0xA0];
	v18 =	vmax.f32 v18, v22  }
0x2f: {  	v22 =	vld [tilespmem:s8+$0xB0];
	v18 =	vmax.f32 v18, v23  }
0x30: {  	v23 =	vld [tilespmem:s8+$0xC0];
	v18 =	vmax.f32 v18, v24  }
0x31: {  	v63 =	vld [tilespmem:s8+$0xD0];
	v18 =	vmax.f32 v18, v19  }
0x32: {  	v25 =	vld [tilespmem:s8+$0xE0];
	v18 =	vmax.f32 v18, v20  }
0x33: {  	v20 =	vld [tilespmem:s8+$0xF0];
	v18 =	vmax.f32 v18, v21  }
0x34: {  	v19 =	vld [tilespmem:s8+$0x100];
	v18 =	vmax.f32 v18, v22  }
0x35: {  	v18 =	vmax.f32 v18, v23  }
0x36: {  	s11 =	simm.s32 $0x0;
	v18 =	vmax.f32 v18, v63  }
0x37: {  	s13 =	simm.s32 $0x100;
	s14 =	simm.s32 $0x4020;
	s12 =	simm.s32 $0x4020;
	v21 =	vmax.f32 v18, v25  }
.LBB2_2:
0x38: {  	s11 =	sadd.s32 $0x2, s11;
	v20 =	vmax.f32 v21, v20;
	s13 =	sadd.s32 $0x200, s13;
	s14 =	sadd.s32 $0x20, s14;
	v18 =	vimm.f32 $-Inf  }
0x39: {  	p0 =	slt.u32 s11, $0x3E;
	v19 =	vmax.f32 v20, v19  }
0x3a: {  	[tilespmem:s12+$0x0] =	vst v19;
	s12 =	smov.u32 s14  }
0x3b: {  	v19 =	vld [tilespmem:s13+$0xFFFFFF10]  }
0x3c: {  	v20 =	vld [tilespmem:s13+$0xFFFFFF20]  }
0x3d: {  	v21 =	vld [tilespmem:s13+$0xFFFFFF30]  }
0x3e: {  	v22 =	vld [tilespmem:s13+$0xFFFFFF40]  }
0x3f: {  	v23 =	vld [tilespmem:s13+$0xFFFFFF50]  }
0x40: {  	v24 =	vld [tilespmem:s13+$0xFFFFFF60]  }
0x41: {  	v19 =	vmax.f32 v19, v20;
	v20 =	vld [tilespmem:s13+$0xFFFFFF70]  }
0x42: {  	v19 =	vmax.f32 v19, v21;
	v21 =	vld [tilespmem:s13+$0xFFFFFF80]  }
0x43: {  	v19 =	vmax.f32 v19, v22;
	v22 =	vld [tilespmem:s13+$0xFFFFFF90]  }
0x44: {  	v19 =	vmax.f32 v19, v23;
	v23 =	vld [tilespmem:s13+$0xFFFFFFA0]  }
0x45: {  	v19 =	vmax.f32 v19, v24;
	v24 =	vld [tilespmem:s13+$0xFFFFFFB0]  }
0x46: {  	v19 =	vmax.f32 v19, v20;
	v20 =	vld [tilespmem:s13+$0xFFFFFFC0]  }
0x47: {  	v19 =	vmax.f32 v19, v21;
	v21 =	vld [tilespmem:s13+$0xFFFFFFD0]  }
0x48: {  	v19 =	vmax.f32 v19, v22;
	v22 =	vld [tilespmem:s13+$0xFFFFFFE0]  }
0x49: {  	v19 =	vmax.f32 v19, v23;
	v23 =	vld [tilespmem:s13+$0xFFFFFFF0]  }
0x4a: {  	v19 =	vmax.f32 v19, v24;
	v24 =	vld [tilespmem:s13+$0x0]  }
0x4b: {  	v19 =	vmax.f32 v19, v20  }
0x4c: {  	v19 =	vmax.f32 v19, v21  }
0x4d: {  	v19 =	vmax.f32 v19, v22  }
0x4e: {  	v19 =	vmax.f32 v19, v23  }
0x4f: {  	v19 =	vmax.f32 v19, v24  }
0x50: {  	[tilespmem:s14+$0xFFFFFFF0] =	vst v19  }
0x51: {  	v19 =	vld [tilespmem:s13+$0x30]  }
0x52: {  	v20 =	vld [tilespmem:s13+$0x10]  }
0x53: {  	v21 =	vld [tilespmem:s13+$0x20]  }
0x54: {  	v22 =	vld [tilespmem:s13+$0x40]  }
0x55: {  	v23 =	vld [tilespmem:s13+$0x50]  }
0x56: {  	v24 =	vld [tilespmem:s13+$0x60]  }
0x57: {  	v25 =	vld [tilespmem:s13+$0x70]  }
0x58: {  	v20 =	vmax.f32 v20, v21;
	v21 =	vld [tilespmem:s13+$0x80]  }
0x59: {  	v19 =	vmax.f32 v20, v19;
	v20 =	vld [tilespmem:s13+$0x90]  }
0x5a: {  	v19 =	vmax.f32 v19, v22;
	v22 =	vld [tilespmem:s13+$0xA0]  }
0x5b: {  	v19 =	vmax.f32 v19, v23;
	v23 =	vld [tilespmem:s13+$0xB0]  }
0x5c: {  	v19 =	vmax.f32 v19, v24;
	v24 =	vld [tilespmem:s13+$0xC0]  }
0x5d: {  	v19 =	vmax.f32 v19, v25;
	v25 =	vld [tilespmem:s13+$0xD0]  }
0x5e: {  	v19 =	vmax.f32 v19, v21;
	v21 =	vld [tilespmem:s13+$0xE0]  }
0x5f: {  	v19 =	vmax.f32 v19, v20;
	v20 =	vld [tilespmem:s13+$0xF0]  }
.Ltmp0:
0x60: {  	v22 =	vmax.f32 v19, v22;
	v19 =	vld [tilespmem:s13+$0x100];
	(pc) =	sbr.rel @p0 .LBB2_2-.Ltmp0, $4  }
0x61: {  	v22 =	vmax.f32 v22, v23  }
0x62: {  	v22 =	vmax.f32 v22, v24  }
0x63: {  	v22 =	vmax.f32 v22, v25  }
0x64: {  	v21 =	vmax.f32 v22, v21  }
0x65: {  	v20 =	vmax.f32 v21, v20  }
0x66: {  	v19 =	vmax.f32 v20, v19  }
0x67: {  	[tilespmem:s12+$0x0] =	vst v19  }
0x68: {  	v19 =	vld [tilespmem:s10+$0xFFFFFFF0];
	_ =	sdelay $0x2  }
0x69: {  	v20 =	vld [tilespmem:s10+$0x0];
	_ =	sdelay $0x1  }
0x6a: {  	vm0 =	vgt.f32 v19, v18  }
0x6b: {  	v25 =	vimm.s32 $0x0;
	v21 =	vsel vm0, v19, v18;
	v19 =	vsel vm0, v18, v19  }
0x6c: {  	s30 =	simm.s32 $0x4040;
	v22 =	vnsel vm0, s15, v25;
	vm1 =	vgt.f32 v19, v18  }
0x6d: {  	v29 =	vld [tilespmem:s30+$0xFFFFFFF0];
	v26 =	vsel vm0, s15, v25;
	vm2 =	vgt.f32 v20, v21;
	v23 =	vsel vm1, v19, v18  }
0x6e: {  	v24 =	vsel vm2, v21, v20;
	v19 =	vsel vm1, v18, v19;
	v27 =	vsel vm1, v22, v25  }
0x6f: {  	s11 =	simm.s32 $0x1;
	v22 =	vsel vm1, v25, v22;
	v21 =	vsel vm2, v20, v21;
	vm0 =	vgt.f32 v24, v23  }
0x70: {  	v32 =	vsel vm2, s11, v26;
	vm1 =	vgt.f32 v19, v18;
	v28 =	vsel vm0, v23, v24  }
0x71: {  	v23 =	vsel vm0, v24, v23;
	v24 =	vsel vm1, v19, v18;
	v30 =	vsel vm1, v18, v19  }
0x72: {  	v33 =	vld [tilespmem:s30+$0x0];
	v19 =	vnsel vm2, s11, v26;
	v20 =	vsel vm1, v22, v25;
	vm2 =	vgt.f32 v29, v21  }
0x73: {  	vm3 =	vgt.f32 v28, v24;
	v26 =	vsel vm0, v19, v27;
	v27 =	vsel vm0, v27, v19  }
0x74: {  	v35 =	vsel vm2, v29, v21;
	v21 =	vsel vm2, v21, v29;
	v31 =	vsel vm3, v28, v24  }
0x75: {  	v19 =	vsel vm3, v27, v20;
	v34 =	vsel vm3, v24, v28;
	v20 =	vsel vm3, v20, v27  }
0x76: {  	s31 =	simm.s32 $0x2;
	v24 =	vsel vm1, v25, v22;
	vm3 =	vgt.f32 v30, v18;
	vm1 =	vgt.f32 v21, v23  }
0x77: {  	vm0 =	vgt.f32 v33, v35;
	v28 =	vsel vm2, s31, v32;
	v22 =	vsel vm3, v24, v25  }
0x78: {  	v36 =	vsel vm3, v25, v24;
	v24 =	vnsel vm2, s31, v32;
	v29 =	vsel vm1, v21, v23  }
0x79: {  	v37 =	vsel vm0, v35, v33;
	v23 =	vsel vm1, v23, v21;
	v62 =	vsel vm3, v18, v30  }
0x7a: {  	v63 =	vsel vm3, v30, v18;
	vm2 =	vgt.f32 v37, v29;
	v27 =	vsel vm1, v24, v26  }
0x7b: {  	v24 =	vsel vm1, v26, v24;
	vm1 =	vgt.f32 v23, v31;
	vm4 =	vgt.f32 v62, v18  }
0x7c: {  	v26 =	vsel vm2, v29, v37;
	v21 =	vsel vm2, v37, v29;
	v29 =	vsel vm1, v23, v31  }
0x7d: {  	v23 =	vsel vm1, v31, v23;
	v31 =	vsel vm0, v33, v35;
	v32 =	vsel vm4, v36, v25  }
0x7e: {  	v33 =	vsel vm4, v62, v18;
	vm4 =	vgt.f32 v34, v63;
	vm3 =	vgt.f32 v26, v29  }
0x7f: {  	s12 =	simm.s32 $0x4060;
	s10 =	simm.s32 $0x3;
	s11 =	simm.s32 $0x4;
	v18 =	vmovc v19;
	v25 =	vsel vm4, v34, v63;
	v34 =	vsel vm4, v63, v34;
	v30 =	vsel vm3, v26, v29  }
.LBB2_4:
0x80: {  	s13 =	sadd.s32 $0x1, s11  }
0x81: {  	v35 =	vld [tilespmem:s12+$0xFFFFFFF0];
	p0 =	slt.u32 s11, $0x3E;
	v36 =	vsel vm4, v20, v22;
	v20 =	vsel vm4, v22, v20;
	vm4 =	vgt.f32 v34, v33;
	s14 =	smov.u32 s11;
	s11 =	sadd.s32 $0x2, s11  }
0x82: {  	v37 =	vsel vm0, s10, v28;
	v33 =	vsel vm4, v34, v33;
	v32 =	vsel vm4, v20, v32  }
0x83: {  	v20 =	vnsel vm0, s10, v28;
	s10 =	smov.u32 s13;
	v34 =	vld [tilespmem:s12+$0x0]  }
0x84: {  	v22 =	vsel vm1, v24, v19;
	v38 =	vsel vm2, v20, v27;
	v20 =	vsel vm2, v27, v20  }
0x85: {  	v39 =	vsel vm3, v29, v26;
	v19 =	vsel vm3, v20, v22;
	v20 =	vsel vm3, v22, v20  }
0x86: {  	v24 =	vsel vm1, v18, v24;
	vm3 =	vgt.f32 v23, v25;
	v18 =	vmovc v19;
	vm2 =	vgt.f32 v35, v31  }
0x87: {  	v22 =	vsel vm3, v24, v36;
	v40 =	vsel vm2, v35, v31;
	v26 =	vsel vm2, v31, v35  }
0x88: {  	v35 =	vsel vm3, v36, v24;
	vm1 =	vgt.f32 v26, v21;
	vm0 =	vgt.f32 v34, v40  }
0x89: {  	v24 =	vnsel vm2, s14, v37;
	v29 =	vsel vm1, v26, v21;
	v31 =	vsel vm0, v40, v34  }
0x8a: {  	v28 =	vsel vm2, s14, v37;
	v36 =	vsel vm1, v21, v26;
	vm2 =	vgt.f32 v31, v29  }
0x8b: {  	v27 =	vsel vm1, v24, v38;
	v24 =	vsel vm1, v38, v24;
	v26 =	vsel vm2, v29, v31  }
.Ltmp1:
0x8c: {  	v37 =	vsel vm3, v25, v23;
	vm1 =	vgt.f32 v36, v30;
	v21 =	vsel vm2, v31, v29;
	(pc) =	sbr.rel @p0 .LBB2_4-.Ltmp1, $4  }
0x8d: {  	vm4 =	vgt.f32 v37, v33;
	v29 =	vsel vm1, v36, v30;
	v30 =	vsel vm1, v30, v36  }
0x8e: {  	v32 =	vsel vm4, v35, v32;
	v31 =	vsel vm0, v34, v40;
	v34 =	vsel vm3, v23, v25;
	v23 =	vmovc v30  }
0x8f: {  	v33 =	vsel vm4, v37, v33;
	vm3 =	vgt.f32 v26, v29;
	vm4 =	vgt.f32 v39, v34  }
0x90: {  	s12 =	sadd.s32 $0x20, s12;
	v30 =	vsel vm3, v26, v29;
	v25 =	vsel vm4, v39, v34;
	v34 =	vsel vm4, v34, v39  }
0x91: {  	v21 =	vsel vm0, s10, v28;
	v30 =	vsel vm4, v20, v22  }
0x92: {  	vm5 =	vgt.f32 v34, v33;
	v20 =	vsel vm4, v22, v20;
	v19 =	vsel vm1, v24, v19  }
0x93: {  	v26 =	vsel vm3, v29, v26;
	v18 =	vsel vm1, v18, v24;
	v21 =	vshll.u32 v21, $0x8  }
0x94: {  	vm10 =	vgt.f32 v23, v25;
	v33 =	vsel vm5, v34, v33;
	v31 =	vor.u32 v1, v21  }
0x95: {  	v32 =	vsel vm5, v20, v32;
	v20 =	vnsel vm0, s10, v28;
	v47 =	vor.u32 v2, v21  }
0x96: {  	v52 =	vsel vm10, v18, v30;
	v53 =	vsel vm10, v25, v23;
	v23 =	vsel vm10, v23, v25  }
0x97: {  	v18 =	vsel vm10, v30, v18;
	v48 =	vor.u32 v3, v21;
	v22 =	vsel vm2, v20, v27  }
0x98: {  	s10 =	simm.s32 $0x0;
	v49 =	vsel vm2, v27, v20;
	v50 =	vor.u32 v4, v21;
	vm11 =	vgt.f32 v53, v33  }
0x99: {  	vm12 =	vgt.f32 v26, v23;
	v56 =	vor.u32 v5, v21;
	v60 =	vor.u32 v6, v21;
	v51 =	vld.idx.msk [tilespmem:v31+s10+$0x0], $0xffff  }
0x9a: {  	v39 =	vor.u32 v7, v21;
	v46 =	vor.u32 v8, v21;
	v20 =	vsel vm3, v49, v19;
	v54 =	vld.idx.msk [tilespmem:v47+s10+$0x0], $0xffff  }
0x9b: {  	v19 =	vsel vm3, v19, v49;
	v55 =	vsel vm11, v53, v33;
	v23 =	vsel vm12, v23, v26  }
0x9c: {  	v18 =	vsel vm11, v18, v32;
	v57 =	vsel vm12, v52, v19;
	vm13 =	vgt.f32 v23, v55;
	v28 =	vld.idx.msk [tilespmem:v48+s10+$0x0], $0xffff  }
0x9d: {  	v19 =	vsel vm12, v19, v52;
	v20 =	vshll.u32 v20, $0x8;
	v18 =	vsel vm13, v57, v18  }
0x9e: {  	v57 =	vor.u32 v10, v21;
	v33 =	vor.u32 v15, v20;
	v19 =	vshll.u32 v19, $0x8;
	v23 =	vld.idx.msk [tilespmem:v50+s10+$0x0], $0xffff  }
0x9f: {  	v18 =	vshll.u32 v18, $0x8;
	v58 =	vmin.f32 v51, $-Inf;
	v24 =	vmin.f32 v51, v54  }
0xa0: {  	v26 =	vld.idx.msk [tilespmem:v56+s10+$0x0], $0xffff;
	v59 =	vmax.f32 v51, v54;
	v51 =	vor.u32 v9, v21;
	v61 =	vmax.f32 v58, v24  }
0xa1: {  	v24 =	vmin.f32 v58, v24;
	v62 =	vmin.f32 v59, v28;
	v63 =	vmax.f32 v59, v28  }
0xa2: {  	v25 =	vld.idx.msk [tilespmem:v60+s10+$0x0], $0xffff;
	v24 =	vmax.f32 v58, v24;
	v36 =	vmax.f32 v61, v62;
	v37 =	vmin.f32 v61, v62  }
0xa3: {  	v38 =	vmin.f32 v63, v23;
	v23 =	vmax.f32 v63, v23;
	v40 =	vmax.f32 v24, v37  }
0xa4: {  	v29 =	vmin.f32 v24, v37;
	v41 =	vmin.f32 v36, v38;
	v28 =	vmax.f32 v36, v38  }
0xa5: {  	v48 =	vld.idx.msk [tilespmem:v39+s10+$0x0], $0xffff;
	v45 =	vmin.f32 v23, v26;
	v23 =	vmax.f32 v23, v26;
	v36 =	vor.u32 v11, v21  }
0xa6: {  	v24 =	vmax.f32 v24, v29;
	v42 =	vmin.f32 v40, v41;
	v43 =	vmax.f32 v40, v41  }
0xa7: {  	v47 =	vmin.f32 v28, v45;
	v28 =	vmax.f32 v28, v45;
	v50 =	vmin.f32 v23, v25  }
0xa8: {  	v55 =	vld.idx.msk [tilespmem:v46+s10+$0x0], $0xffff;
	v23 =	vmax.f32 v23, v25;
	v41 =	vor.u32 v12, v21;
	v44 =	vmax.f32 v24, v42  }
0xa9: {  	v27 =	vmin.f32 v24, v42;
	v49 =	vmax.f32 v43, v47;
	v26 =	vmin.f32 v43, v47  }
0xaa: {  	v52 =	vmin.f32 v28, v50;
	v53 =	vmax.f32 v28, v50;
	v56 =	vmin.f32 v23, v48  }
0xab: {  	v23 =	vmax.f32 v23, v48;
	v48 =	vor.u32 v13, v21;
	v24 =	vmax.f32 v24, v27  }
0xac: {  	v29 =	vmin.f32 v44, v26;
	v26 =	vmax.f32 v44, v26;
	v54 =	vmax.f32 v49, v52  }
0xad: {  	v59 =	vmin.f32 v53, v56;
	v25 =	vmax.f32 v53, v56;
	v63 =	vmin.f32 v23, v55  }
0xae: {  	v61 =	vld.idx.msk [tilespmem:v51+s10+$0x0], $0xffff;
	v23 =	vmax.f32 v23, v55;
	v53 =	vor.u32 v14, v21;
	v24 =	vmax.f32 v24, v29  }
0xaf: {  	v29 =	vmin.f32 v49, v52;
	v60 =	vmin.f32 v54, v59;
	v28 =	vmax.f32 v54, v59  }
0xb0: {  	v37 =	vmin.f32 v25, v63;
	v25 =	vmax.f32 v25, v63;
	v59 =	vor.u32 v15, v21  }
0xb1: {  	v38 =	vld.idx.msk [tilespmem:v57+s10+$0x0], $0xffff;
	v58 =	vmax.f32 v26, v29;
	v26 =	vmin.f32 v26, v29;
	v39 =	vmax.f32 v28, v37  }
0xb2: {  	v24 =	vmax.f32 v24, v26;
	v62 =	vmax.f32 v58, v60;
	v26 =	vmin.f32 v58, v60  }
0xb3: {  	v24 =	vmax.f32 v24, v26;
	v26 =	vmin.f32 v28, v37;
	v40 =	vmin.f32 v23, v61  }
0xb4: {  	v44 =	vld.idx.msk [tilespmem:v36+s10+$0x0], $0xffff;
	v23 =	vmax.f32 v23, v61;
	v37 =	vadd.s32 v16, v21;
	v28 =	vmin.f32 v62, v26  }
0xb5: {  	v26 =	vmax.f32 v62, v26;
	v42 =	vmin.f32 v25, v40;
	v25 =	vmax.f32 v25, v40  }
0xb6: {  	v46 =	vmin.f32 v23, v38;
	v23 =	vmax.f32 v23, v38;
	v24 =	vmax.f32 v24, v28  }
0xb7: {  	v50 =	vld.idx.msk [tilespmem:v41+s10+$0x0], $0xffff;
	v43 =	vmin.f32 v39, v42;
	v28 =	vmax.f32 v39, v42;
	v47 =	vmin.f32 v25, v46  }
0xb8: {  	v25 =	vmax.f32 v25, v46;
	v45 =	vmax.f32 v26, v43;
	v26 =	vmin.f32 v26, v43  }
0xb9: {  	v56 =	vld.idx.msk [tilespmem:v48+s10+$0x0], $0xffff;
	v49 =	vmin.f32 v28, v47;
	v27 =	vmax.f32 v28, v47;
	v52 =	vmin.f32 v23, v44  }
0xba: {  	v23 =	vmax.f32 v23, v44;
	v24 =	vmax.f32 v24, v26;
	v51 =	vmax.f32 v45, v49  }
0xbb: {  	v26 =	vmin.f32 v45, v49;
	v54 =	vmin.f32 v25, v52;
	v25 =	vmax.f32 v25, v52  }
0xbc: {  	v62 =	vld.idx.msk [tilespmem:v53+s10+$0x0], $0xffff;
	v58 =	vmin.f32 v23, v50;
	v23 =	vmax.f32 v23, v50;
	v24 =	vmax.f32 v24, v26  }
0xbd: {  	v55 =	vmax.f32 v27, v54;
	v26 =	vmin.f32 v27, v54;
	v60 =	vmin.f32 v25, v58  }
0xbe: {  	v39 =	vld.idx.msk [tilespmem:v59+s10+$0x0], $0xffff;
	v25 =	vmax.f32 v25, v58;
	v36 =	vmin.f32 v23, v56;
	v23 =	vmax.f32 v23, v56  }
0xbf: {  	v57 =	vmin.f32 v51, v26;
	v26 =	vmax.f32 v51, v26;
	v61 =	vmin.f32 v55, v60  }
0xc0: {  	v28 =	vmax.f32 v55, v60;
	v38 =	vmax.f32 v25, v36;
	v21 =	vmin.f32 v25, v36  }
0xc1: {  	v32 =	vmin.f32 v23, v62;
	v23 =	vmax.f32 v23, v62;
	v24 =	vmax.f32 v24, v57  }
0xc2: {  	v63 =	vmax.f32 v26, v61;
	v26 =	vmin.f32 v26, v61;
	v41 =	vmin.f32 v38, v32  }
0xc3: {  	v27 =	vmax.f32 v38, v32;
	v43 =	vmin.f32 v23, v39;
	v24 =	vmax.f32 v24, v26  }
0xc4: {  	v26 =	vmax.f32 v28, v21;
	v28 =	vmin.f32 v28, v21;
	v21 =	vshll.u32 v22, $0x8  }
0xc5: {  	v30 =	vld.idx.msk [tilespmem:v37+s10+$0x0], $0xffff;
	v23 =	vmax.f32 v23, v39;
	v46 =	vmin.f32 v27, v43;
	v40 =	vor.u32 v1, v21  }
0xc6: {  	v22 =	vmin.f32 v63, v28;
	v28 =	vmax.f32 v63, v28;
	v42 =	vmax.f32 v26, v41  }
0xc7: {  	v44 =	vor.u32 v2, v21;
	v52 =	vor.u32 v3, v21;
	v57 =	vor.u32 v4, v21  }
0xc8: {  	v63 =	vor.u32 v5, v21;
	v22 =	vmax.f32 v24, v22;
	v24 =	vmin.f32 v26, v41  }
0xc9: {  	v47 =	vmin.f32 v42, v46;
	v26 =	vmax.f32 v27, v43;
	v49 =	vmax.f32 v42, v46  }
0xca: {  	v51 =	vmin.f32 v23, v30;
	v23 =	vmax.f32 v23, v30;
	v42 =	vor.u32 v6, v21;
	v48 =	vld.idx.msk [tilespmem:v40+s10+$0x0], $0xffff  }
0xcb: {  	v45 =	vmax.f32 v28, v24;
	v24 =	vmin.f32 v28, v24;
	v53 =	vmin.f32 v26, v51  }
0xcc: {  	v26 =	vmax.f32 v26, v51;
	v22 =	vmax.f32 v22, v24;
	v24 =	vmin.f32 v45, v47;
	v54 =	vld.idx.msk [tilespmem:v44+s10+$0x0], $0xffff  }
0xcd: {  	v50 =	vmax.f32 v45, v47;
	v22 =	vmax.f32 v22, v24;
	v24 =	vmin.f32 v49, v53  }
0xce: {  	v55 =	vmax.f32 v49, v53;
	v47 =	vor.u32 v7, v21;
	v27 =	vmin.f32 v50, v24;
	v61 =	vld.idx.msk [tilespmem:v52+s10+$0x0], $0xffff  }
0xcf: {  	v24 =	vmax.f32 v50, v24;
	v52 =	vor.u32 v8, v21;
	v56 =	vmin.f32 v23, v48  }
0xd0: {  	v22 =	vmax.f32 v22, v27;
	v23 =	vmax.f32 v23, v48;
	v58 =	vmin.f32 v26, v56  }
0xd1: {  	v39 =	vld.idx.msk [tilespmem:v57+s10+$0x0], $0xffff;
	v59 =	vmax.f32 v26, v56;
	v62 =	vmin.f32 v23, v54;
	v23 =	vmax.f32 v23, v54  }
0xd2: {  	v60 =	vmax.f32 v55, v58;
	v27 =	vmin.f32 v55, v58;
	v37 =	vmin.f32 v59, v62  }
0xd3: {  	v25 =	vmax.f32 v59, v62;
	v41 =	vmin.f32 v23, v61;
	v23 =	vmax.f32 v23, v61  }
0xd4: {  	v44 =	vld.idx.msk [tilespmem:v63+s10+$0x0], $0xffff;
	v59 =	vor.u32 v9, v21;
	v36 =	vmax.f32 v24, v27;
	v24 =	vmin.f32 v24, v27  }
0xd5: {  	v38 =	vmin.f32 v60, v37;
	v26 =	vmax.f32 v60, v37;
	v43 =	vmin.f32 v25, v41  }
0xd6: {  	v25 =	vmax.f32 v25, v41;
	v46 =	vmin.f32 v23, v39;
	v23 =	vmax.f32 v23, v39  }
0xd7: {  	v50 =	vld.idx.msk [tilespmem:v42+s10+$0x0], $0xffff;
	v41 =	vor.u32 v11, v21;
	v22 =	vmax.f32 v22, v24;
	v40 =	vmax.f32 v36, v38  }
0xd8: {  	v24 =	vmin.f32 v36, v38;
	v45 =	vmax.f32 v26, v43;
	v48 =	vmin.f32 v25, v46  }
0xd9: {  	v56 =	vld.idx.msk [tilespmem:v47+s10+$0x0], $0xffff;
	v25 =	vmax.f32 v25, v46;
	v51 =	vmin.f32 v23, v44;
	v23 =	vmax.f32 v23, v44  }
0xda: {  	v36 =	vor.u32 v10, v21;
	v22 =	vmax.f32 v22, v24;
	v24 =	vmin.f32 v26, v43  }
0xdb: {  	v61 =	vld.idx.msk [tilespmem:v52+s10+$0x0], $0xffff;
	v49 =	vmax.f32 v45, v48;
	v54 =	vmin.f32 v25, v51;
	v25 =	vmax.f32 v25, v51  }
0xdc: {  	v58 =	vmin.f32 v23, v50;
	v23 =	vmax.f32 v23, v50;
	v26 =	vmin.f32 v40, v24  }
0xdd: {  	v24 =	vmax.f32 v40, v24;
	v55 =	vmin.f32 v49, v54;
	v60 =	vmin.f32 v25, v58  }
0xde: {  	v25 =	vmax.f32 v25, v58;
	v63 =	vmin.f32 v23, v56;
	v23 =	vmax.f32 v23, v56  }
0xdf: {  	v22 =	vmax.f32 v22, v26;
	v26 =	vmin.f32 v45, v48;
	v37 =	vmin.f32 v25, v63  }
0xe0: {  	v25 =	vmax.f32 v25, v63;
	v40 =	vmin.f32 v23, v61;
	v23 =	vmax.f32 v23, v61  }
0xe1: {  	v48 =	vor.u32 v12, v21;
	v53 =	vmax.f32 v24, v26;
	v24 =	vmin.f32 v24, v26  }
0xe2: {  	v39 =	vld.idx.msk [tilespmem:v59+s10+$0x0], $0xffff;
	v26 =	vmax.f32 v49, v54;
	v43 =	vmin.f32 v25, v40;
	v25 =	vmax.f32 v25, v40  }
0xe3: {  	v22 =	vmax.f32 v22, v24;
	v57 =	vmax.f32 v53, v55;
	v24 =	vmin.f32 v53, v55  }
0xe4: {  	v62 =	vmax.f32 v26, v60;
	v53 =	vor.u32 v13, v21;
	v22 =	vmax.f32 v22, v24  }
0xe5: {  	v24 =	vmin.f32 v26, v60;
	v38 =	vmax.f32 v62, v37;
	v60 =	vor.u32 v14, v21  }
0xe6: {  	v26 =	vmin.f32 v57, v24;
	v24 =	vmax.f32 v57, v24;
	v44 =	vmin.f32 v38, v43  }
0xe7: {  	v45 =	vld.idx.msk [tilespmem:v36+s10+$0x0], $0xffff;
	v22 =	vmax.f32 v22, v26;
	v26 =	vmin.f32 v62, v37;
	v47 =	vmin.f32 v23, v39  }
0xe8: {  	v50 =	vld.idx.msk [tilespmem:v41+s10+$0x0], $0xffff;
	v23 =	vmax.f32 v23, v39;
	v37 =	vor.u32 v15, v21;
	v21 =	vadd.s32 v16, v21  }
0xe9: {  	v56 =	vld.idx.msk [tilespmem:v48+s10+$0x0], $0xffff;
	v48 =	vor.u32 v1, v20;
	v42 =	vmax.f32 v24, v26;
	v24 =	vmin.f32 v24, v26  }
0xea: {  	v26 =	vmax.f32 v38, v43;
	v49 =	vmin.f32 v25, v47;
	v25 =	vmax.f32 v25, v47  }
0xeb: {  	v22 =	vmax.f32 v22, v24;
	v46 =	vmax.f32 v42, v44;
	v24 =	vmin.f32 v42, v44  }
0xec: {  	v51 =	vmax.f32 v26, v49;
	v52 =	vmin.f32 v23, v45;
	v23 =	vmax.f32 v23, v45  }
0xed: {  	v22 =	vmax.f32 v22, v24;
	v24 =	vmin.f32 v26, v49;
	v54 =	vmin.f32 v25, v52  }
0xee: {  	v25 =	vmax.f32 v25, v52;
	v58 =	vmin.f32 v23, v50;
	v23 =	vmax.f32 v23, v50  }
0xef: {  	v52 =	vor.u32 v2, v20;
	v26 =	vmin.f32 v46, v24;
	v24 =	vmax.f32 v46, v24  }
0xf0: {  	v62 =	vld.idx.msk [tilespmem:v53+s10+$0x0], $0xffff;
	v55 =	vmin.f32 v51, v54;
	v59 =	vmin.f32 v25, v58;
	v25 =	vmax.f32 v25, v58  }
0xf1: {  	v22 =	vmax.f32 v22, v26;
	v26 =	vmax.f32 v51, v54;
	v57 =	vmax.f32 v24, v55  }
0xf2: {  	v24 =	vmin.f32 v24, v55;
	v36 =	vmin.f32 v23, v56;
	v23 =	vmax.f32 v23, v56  }
0xf3: {  	v40 =	vld.idx.msk [tilespmem:v60+s10+$0x0], $0xffff;
	v22 =	vmax.f32 v22, v24;
	v61 =	vmin.f32 v26, v59;
	v26 =	vmax.f32 v26, v59  }
0xf4: {  	v38 =	vmin.f32 v25, v36;
	v25 =	vmax.f32 v25, v36;
	v63 =	vmax.f32 v57, v61  }
0xf5: {  	v24 =	vmin.f32 v57, v61;
	v39 =	vmax.f32 v26, v38;
	v42 =	vmin.f32 v23, v62  }
0xf6: {  	v23 =	vmax.f32 v23, v62;
	v57 =	vor.u32 v3, v20;
	v22 =	vmax.f32 v22, v24  }
0xf7: {  	v45 =	vld.idx.msk [tilespmem:v37+s10+$0x0], $0xffff;
	v24 =	vmin.f32 v26, v38;
	v43 =	vmin.f32 v25, v42;
	v25 =	vmax.f32 v25, v42  }
0xf8: {  	v47 =	vmin.f32 v23, v40;
	v23 =	vmax.f32 v23, v40;
	v41 =	vmin.f32 v63, v24  }
0xf9: {  	v24 =	vmax.f32 v63, v24;
	v44 =	vmin.f32 v39, v43;
	v27 =	vmax.f32 v39, v43  }
0xfa: {  	v21 =	vld.idx.msk [tilespmem:v21+s10+$0x0], $0xffff;
	v49 =	vmin.f32 v25, v47;
	v25 =	vmax.f32 v25, v47;
	v63 =	vor.u32 v4, v20  }
0xfb: {  	v39 =	vor.u32 v5, v20;
	v22 =	vmax.f32 v22, v41;
	v46 =	vmax.f32 v24, v44  }
0xfc: {  	v24 =	vmin.f32 v24, v44;
	v50 =	vmax.f32 v27, v49;
	v51 =	vmin.f32 v23, v45  }
0xfd: {  	v55 =	vld.idx.msk [tilespmem:v48+s10+$0x0], $0xffff;
	v23 =	vmax.f32 v23, v45;
	v45 =	vor.u32 v6, v20;
	v22 =	vmax.f32 v22, v24  }
0xfe: {  	v24 =	vmin.f32 v27, v49;
	v53 =	vmin.f32 v25, v51;
	v25 =	vmax.f32 v25, v51  }
0xff: {  	v60 =	vld.idx.msk [tilespmem:v52+s10+$0x0], $0xffff;
	v56 =	vmin.f32 v23, v21;
	v21 =	vmax.f32 v23, v21;
	v51 =	vor.u32 v7, v20  }
0x100: {  	v27 =	vmin.f32 v46, v24;
	v24 =	vmax.f32 v46, v24;
	v54 =	vmax.f32 v50, v53  }
0x101: {  	v26 =	vmin.f32 v50, v53;
	v59 =	vmin.f32 v25, v56;
	v25 =	vmax.f32 v25, v56  }
0x102: {  	v62 =	vmin.f32 v21, v55;
	v21 =	vmax.f32 v21, v55;
	v55 =	vor.u32 v8, v20  }
0x103: {  	v22 =	vmax.f32 v22, v27;
	v58 =	vmax.f32 v24, v26;
	v24 =	vmin.f32 v24, v26  }
0x104: {  	v23 =	vmin.f32 v54, v59;
	v26 =	vmax.f32 v54, v59;
	v38 =	vmin.f32 v21, v60  }
0x105: {  	v36 =	vld.idx.msk [tilespmem:v57+s10+$0x0], $0xffff;
	v22 =	vmax.f32 v22, v24;
	v61 =	vmax.f32 v58, v23;
	v23 =	vmin.f32 v58, v23  }
0x106: {  	v21 =	vmax.f32 v21, v60;
	v22 =	vmax.f32 v22, v23;
	v23 =	vmin.f32 v25, v62  }
0x107: {  	v60 =	vor.u32 v9, v20;
	v25 =	vmax.f32 v25, v62;
	v37 =	vmax.f32 v26, v23  }
0x108: {  	v43 =	vld.idx.msk [tilespmem:v63+s10+$0x0], $0xffff;
	v23 =	vmin.f32 v26, v23;
	v40 =	vmin.f32 v25, v38;
	v41 =	vmax.f32 v25, v38  }
0x109: {  	v48 =	vld.idx.msk [tilespmem:v39+s10+$0x0], $0xffff;
	v38 =	vor.u32 v10, v20;
	v26 =	vmin.f32 v61, v23;
	v23 =	vmax.f32 v61, v23  }
0x10a: {  	v42 =	vmax.f32 v37, v40;
	v44 =	vmin.f32 v21, v36;
	v21 =	vmax.f32 v21, v36  }
0x10b: {  	v52 =	vld.idx.msk [tilespmem:v45+s10+$0x0], $0xffff;
	v22 =	vmax.f32 v22, v26;
	v26 =	vmin.f32 v37, v40;
	v47 =	vmin.f32 v41, v44  }
0x10c: {  	v24 =	vmax.f32 v41, v44;
	v46 =	vmax.f32 v23, v26;
	v23 =	vmin.f32 v23, v26  }
0x10d: {  	v58 =	vld.idx.msk [tilespmem:v51+s10+$0x0], $0xffff;
	v25 =	vmax.f32 v42, v47;
	v50 =	vmin.f32 v21, v43;
	v21 =	vmax.f32 v21, v43  }
0x10e: {  	v22 =	vmax.f32 v22, v23;
	v23 =	vmin.f32 v42, v47;
	v54 =	vmin.f32 v21, v48  }
0x10f: {  	v63 =	vld.idx.msk [tilespmem:v55+s10+$0x0], $0xffff;
	v21 =	vmax.f32 v21, v48;
	v42 =	vor.u32 v11, v20;
	v47 =	vor.u32 v12, v20  }
0x110: {  	v49 =	vmax.f32 v46, v23;
	v23 =	vmin.f32 v46, v23;
	v59 =	vmin.f32 v21, v52;
	v45 =	vld.idx.msk [tilespmem:v38+s10+$0x0], $0xffff  }
0x111: {  	v21 =	vmax.f32 v21, v52;
	v38 =	vld.idx.msk [tilespmem:v33+s10+$0x0], $0xffff;
	v33 =	vor.u32 v6, v19;
	v22 =	vmax.f32 v22, v23  }
0x112: {  	v39 =	vld.idx.msk [tilespmem:v60+s10+$0x0], $0xffff;
	v23 =	vmin.f32 v24, v50;
	v24 =	vmax.f32 v24, v50;
	v37 =	vmin.f32 v21, v58  }
0x113: {  	v21 =	vmax.f32 v21, v58;
	v53 =	vmax.f32 v25, v23;
	v23 =	vmin.f32 v25, v23  }
0x114: {  	v56 =	vmin.f32 v24, v54;
	v24 =	vmax.f32 v24, v54;
	v41 =	vmin.f32 v21, v63  }
0x115: {  	v21 =	vmax.f32 v21, v63;
	v25 =	vmin.f32 v49, v23;
	v23 =	vmax.f32 v49, v23  }
0x116: {  	v57 =	vmax.f32 v53, v56;
	v62 =	vmin.f32 v24, v59;
	v24 =	vmax.f32 v24, v59  }
0x117: {  	v46 =	vmin.f32 v21, v39;
	v22 =	vmax.f32 v22, v25;
	v25 =	vmin.f32 v53, v56  }
0x118: {  	v21 =	vmax.f32 v21, v39;
	v53 =	vor.u32 v13, v20;
	v61 =	vmax.f32 v23, v25  }
0x119: {  	v23 =	vmin.f32 v23, v25;
	v25 =	vmax.f32 v57, v62;
	v52 =	vmin.f32 v21, v45  }
0x11a: {  	v50 =	vld.idx.msk [tilespmem:v42+s10+$0x0], $0xffff;
	v21 =	vmax.f32 v21, v45;
	v22 =	vmax.f32 v22, v23;
	v23 =	vmin.f32 v57, v62  }
0x11b: {  	v45 =	vor.u32 v2, v19;
	v36 =	vmax.f32 v61, v23;
	v23 =	vmin.f32 v61, v23  }
0x11c: {  	v54 =	vld.idx.msk [tilespmem:v47+s10+$0x0], $0xffff;
	v57 =	vor.u32 v14, v20;
	v22 =	vmax.f32 v22, v23;
	v23 =	vmin.f32 v24, v37  }
0x11d: {  	v20 =	vadd.s32 v16, v20;
	v24 =	vmax.f32 v24, v37;
	v40 =	vmax.f32 v25, v23  }
0x11e: {  	v23 =	vmin.f32 v25, v23;
	v43 =	vmin.f32 v24, v41;
	v24 =	vmax.f32 v24, v41  }
0x11f: {  	v56 =	vmin.f32 v21, v50;
	v21 =	vmax.f32 v21, v50;
	v25 =	vmin.f32 v36, v23  }
0x120: {  	v23 =	vmax.f32 v36, v23;
	v44 =	vmax.f32 v40, v43;
	v49 =	vmin.f32 v24, v46  }
0x121: {  	v60 =	vld.idx.msk [tilespmem:v53+s10+$0x0], $0xffff;
	v24 =	vmax.f32 v24, v46;
	v62 =	vmin.f32 v21, v54;
	v21 =	vmax.f32 v21, v54  }
0x122: {  	v54 =	vor.u32 v4, v19;
	v22 =	vmax.f32 v22, v25;
	v25 =	vmin.f32 v40, v43  }
0x123: {  	v40 =	vor.u32 v1, v19;
	v48 =	vmax.f32 v23, v25;
	v23 =	vmin.f32 v23, v25  }
0x124: {  	v34 =	vld.idx.msk [tilespmem:v57+s10+$0x0], $0xffff;
	v25 =	vmax.f32 v44, v49;
	v22 =	vmax.f32 v22, v23;
	v23 =	vmin.f32 v44, v49  }
0x125: {  	v49 =	vor.u32 v3, v19;
	v51 =	vmax.f32 v48, v23;
	v23 =	vmin.f32 v48, v23  }
0x126: {  	v36 =	vmin.f32 v21, v60;
	v21 =	vmax.f32 v21, v60;
	v60 =	vor.u32 v5, v19  }
0x127: {  	v22 =	vmax.f32 v22, v23;
	v23 =	vmin.f32 v24, v52;
	v24 =	vmax.f32 v24, v52  }
0x128: {  	v55 =	vmax.f32 v25, v23;
	v23 =	vmin.f32 v25, v23;
	v58 =	vmin.f32 v24, v56  }
0x129: {  	v20 =	vld.idx.msk [tilespmem:v20+s10+$0x0], $0xffff;
	v24 =	vmax.f32 v24, v56;
	v39 =	vmin.f32 v21, v34;
	v21 =	vmax.f32 v21, v34  }
0x12a: {  	v25 =	vmin.f32 v51, v23;
	v23 =	vmax.f32 v51, v23;
	v59 =	vmin.f32 v55, v58  }
0x12b: {  	v63 =	vmin.f32 v24, v62;
	v24 =	vmax.f32 v24, v62;
	v27 =	vmin.f32 v21, v38  }
0x12c: {  	v46 =	vld.idx.msk [tilespmem:v40+s10+$0x0], $0xffff;
	v21 =	vmax.f32 v21, v38;
	v38 =	vor.u32 v7, v19;
	v22 =	vmax.f32 v22, v25  }
0x12d: {  	v25 =	vmax.f32 v55, v58;
	v61 =	vmax.f32 v23, v59;
	v23 =	vmin.f32 v23, v59  }
0x12e: {  	v52 =	vld.idx.msk [tilespmem:v45+s10+$0x0], $0xffff;
	v48 =	vmin.f32 v21, v20;
	v22 =	vmax.f32 v22, v23;
	v23 =	vmin.f32 v25, v63  }
0x12f: {  	v20 =	vmax.f32 v21, v20;
	v35 =	vmax.f32 v61, v23;
	v23 =	vmin.f32 v61, v23  }
0x130: {  	v25 =	vmax.f32 v25, v63;
	v22 =	vmax.f32 v22, v23;
	v23 =	vmin.f32 v24, v36  }
0x131: {  	v57 =	vld.idx.msk [tilespmem:v49+s10+$0x0], $0xffff;
	v24 =	vmax.f32 v24, v36;
	v53 =	vmin.f32 v20, v46;
	v20 =	vmax.f32 v20, v46  }
0x132: {  	v61 =	vld.idx.msk [tilespmem:v54+s10+$0x0], $0xffff;
	v37 =	vmax.f32 v25, v23;
	v23 =	vmin.f32 v25, v23;
	v42 =	vmin.f32 v24, v39  }
0x133: {  	v24 =	vmax.f32 v24, v39;
	v59 =	vmin.f32 v20, v52;
	v20 =	vmax.f32 v20, v52  }
0x134: {  	v45 =	vld.idx.msk [tilespmem:v38+s10+$0x0], $0xffff;
	v38 =	vor.u32 v13, v19;
	v41 =	vmax.f32 v35, v23;
	v23 =	vmin.f32 v35, v23  }
0x135: {  	v36 =	vld.idx.msk [tilespmem:v60+s10+$0x0], $0xffff;
	v43 =	vmax.f32 v37, v42;
	v22 =	vmax.f32 v22, v23;
	v23 =	vmin.f32 v37, v42  }
0x136: {  	v63 =	vmin.f32 v20, v57;
	v20 =	vmax.f32 v20, v57;
	v44 =	vmax.f32 v41, v23  }
0x137: {  	v23 =	vmin.f32 v41, v23;
	v37 =	vmin.f32 v20, v61;
	v20 =	vmax.f32 v20, v61  }
0x138: {  	v22 =	vmax.f32 v22, v23;
	v23 =	vmin.f32 v24, v27;
	v24 =	vmax.f32 v24, v27  }
0x139: {  	v47 =	vmax.f32 v43, v23;
	v23 =	vmin.f32 v43, v23;
	v50 =	vmin.f32 v24, v48  }
0x13a: {  	v41 =	vld.idx.msk [tilespmem:v33+s10+$0x0], $0xffff;
	v21 =	vmax.f32 v24, v48;
	v43 =	vmin.f32 v20, v36;
	v20 =	vmax.f32 v20, v36  }
0x13b: {  	v48 =	vor.u32 v9, v19;
	v25 =	vmin.f32 v44, v23;
	v23 =	vmax.f32 v44, v23  }
0x13c: {  	v51 =	vmax.f32 v47, v50;
	v56 =	vmin.f32 v21, v53;
	v21 =	vmax.f32 v21, v53  }
0x13d: {  	v44 =	vor.u32 v8, v19;
	v22 =	vmax.f32 v22, v25;
	v25 =	vmin.f32 v47, v50  }
0x13e: {  	v53 =	vor.u32 v10, v19;
	v24 =	vmax.f32 v51, v56;
	v55 =	vmax.f32 v23, v25  }
0x13f: {  	v23 =	vmin.f32 v23, v25;
	v47 =	vmin.f32 v20, v41;
	v20 =	vmax.f32 v20, v41  }
0x140: {  	v22 =	vmax.f32 v22, v23;
	v23 =	vmin.f32 v51, v56;
	v52 =	vmin.f32 v20, v45  }
0x141: {  	v20 =	vmax.f32 v20, v45;
	v58 =	vmax.f32 v55, v23;
	v23 =	vmin.f32 v55, v23  }
0x142: {  	v22 =	vmax.f32 v22, v23;
	v23 =	vmin.f32 v21, v59;
	v21 =	vmax.f32 v21, v59  }
0x143: {  	v59 =	vor.u32 v11, v19;
	v62 =	vmax.f32 v24, v23;
	v23 =	vmin.f32 v24, v23  }
0x144: {  	v51 =	vld.idx.msk [tilespmem:v44+s10+$0x0], $0xffff;
	v34 =	vmin.f32 v21, v63;
	v21 =	vmax.f32 v21, v63;
	v63 =	vor.u32 v12, v19  }
0x145: {  	v56 =	vld.idx.msk [tilespmem:v48+s10+$0x0], $0xffff;
	v24 =	vmin.f32 v58, v23;
	v23 =	vmax.f32 v58, v23;
	v35 =	vmax.f32 v62, v34  }
0x146: {  	v40 =	vmin.f32 v21, v37;
	v22 =	vmax.f32 v22, v24;
	v24 =	vmin.f32 v62, v34  }
0x147: {  	v60 =	vld.idx.msk [tilespmem:v53+s10+$0x0], $0xffff;
	v21 =	vmax.f32 v21, v37;
	v39 =	vmax.f32 v23, v24;
	v23 =	vmin.f32 v23, v24  }
0x148: {  	v24 =	vmax.f32 v35, v40;
	v22 =	vmax.f32 v22, v23;
	v23 =	vmin.f32 v35, v40  }
0x149: {  	v58 =	vmin.f32 v20, v51;
	v20 =	vmax.f32 v20, v51;
	v42 =	vmax.f32 v39, v23  }
0x14a: {  	v23 =	vmin.f32 v39, v23;
	v62 =	vmin.f32 v20, v56;
	v20 =	vmax.f32 v20, v56  }
0x14b: {  	v39 =	vld.idx.msk [tilespmem:v63+s10+$0x0], $0xffff;
	v63 =	vor.u32 v3, v18;
	v22 =	vmax.f32 v22, v23;
	v23 =	vmin.f32 v21, v43  }
0x14c: {  	v34 =	vld.idx.msk [tilespmem:v59+s10+$0x0], $0xffff;
	v21 =	vmax.f32 v21, v43;
	v36 =	vmin.f32 v20, v60;
	v20 =	vmax.f32 v20, v60  }
0x14d: {  	v46 =	vmax.f32 v24, v23;
	v23 =	vmin.f32 v24, v23;
	v49 =	vmin.f32 v21, v47  }
0x14e: {  	v21 =	vmax.f32 v21, v47;
	v47 =	vor.u32 v15, v19;
	v24 =	vmin.f32 v42, v23  }
0x14f: {  	v23 =	vmax.f32 v42, v23;
	v50 =	vmax.f32 v46, v49;
	v55 =	vmin.f32 v21, v52  }
0x150: {  	v21 =	vmax.f32 v21, v52;
	v42 =	vor.u32 v14, v19;
	v19 =	vadd.s32 v16, v19  }
0x151: {  	v22 =	vmax.f32 v22, v24;
	v24 =	vmin.f32 v46, v49;
	v41 =	vmin.f32 v20, v34  }
0x152: {  	v20 =	vmax.f32 v20, v34;
	v54 =	vmax.f32 v23, v24;
	v23 =	vmin.f32 v23, v24  }
0x153: {  	v44 =	vld.idx.msk [tilespmem:v38+s10+$0x0], $0xffff;
	v24 =	vmax.f32 v50, v55;
	v46 =	vmin.f32 v20, v39;
	v20 =	vmax.f32 v20, v39  }
0x154: {  	v38 =	vld.idx.msk [tilespmem:v63+s10+$0x0], $0xffff;
	v63 =	vor.u32 v10, v18;
	v22 =	vmax.f32 v22, v23;
	v23 =	vmin.f32 v50, v55  }
0x155: {  	v57 =	vmax.f32 v54, v23;
	v23 =	vmin.f32 v54, v23;
	v54 =	vor.u32 v1, v18  }
0x156: {  	v22 =	vmax.f32 v22, v23;
	v23 =	vmin.f32 v21, v58;
	v21 =	vmax.f32 v21, v58  }
0x157: {  	v61 =	vmax.f32 v24, v23;
	v23 =	vmin.f32 v24, v23;
	v32 =	vmin.f32 v21, v62  }
0x158: {  	v21 =	vmax.f32 v21, v62;
	v24 =	vmin.f32 v57, v23;
	v23 =	vmax.f32 v57, v23  }
0x159: {  	v33 =	vmin.f32 v61, v32;
	v37 =	vmin.f32 v21, v36;
	v22 =	vmax.f32 v22, v24  }
0x15a: {  	v24 =	vmax.f32 v61, v32;
	v35 =	vmax.f32 v23, v33;
	v23 =	vmin.f32 v23, v33  }
0x15b: {  	v58 =	vor.u32 v2, v18;
	v22 =	vmax.f32 v22, v23;
	v23 =	vmin.f32 v24, v37  }
0x15c: {  	v21 =	vmax.f32 v21, v36;
	v40 =	vmax.f32 v35, v23;
	v23 =	vmin.f32 v35, v23  }
0x15d: {  	v24 =	vmax.f32 v24, v37;
	v22 =	vmax.f32 v22, v23;
	v23 =	vmin.f32 v21, v41  }
0x15e: {  	v35 =	vor.u32 v4, v18;
	v21 =	vmax.f32 v21, v41;
	v43 =	vmax.f32 v24, v23  }
0x15f: {  	v23 =	vmin.f32 v24, v23;
	v48 =	vmin.f32 v21, v46;
	v21 =	vmax.f32 v21, v46  }
0x160: {  	v50 =	vld.idx.msk [tilespmem:v42+s10+$0x0], $0xffff;
	v45 =	vmin.f32 v40, v23;
	v23 =	vmax.f32 v40, v23;
	v49 =	vmin.f32 v43, v48  }
0x161: {  	v25 =	vmax.f32 v43, v48;
	v40 =	vor.u32 v5, v18;
	v22 =	vmax.f32 v22, v45  }
0x162: {  	v51 =	vmax.f32 v23, v49;
	v23 =	vmin.f32 v23, v49;
	v45 =	vor.u32 v6, v18  }
0x163: {  	v49 =	vor.u32 v7, v18;
	v22 =	vmax.f32 v22, v23;
	v23 =	vmin.f32 v20, v44  }
0x164: {  	v20 =	vmax.f32 v20, v44;
	v52 =	vmax.f32 v21, v23;
	v21 =	vmin.f32 v21, v23  }
0x165: {  	v23 =	vld.idx.msk [tilespmem:v47+s10+$0x0], $0xffff;
	v29 =	vmin.f32 v20, v50;
	v20 =	vmax.f32 v20, v50;
	v53 =	vmax.f32 v25, v21  }
0x166: {  	v19 =	vld.idx.msk [tilespmem:v19+s10+$0x0], $0xffff;
	v21 =	vmin.f32 v25, v21;
	v55 =	vmin.f32 v52, v29;
	v24 =	vmax.f32 v52, v29  }
0x167: {  	v25 =	vmin.f32 v51, v21;
	v21 =	vmax.f32 v51, v21;
	v56 =	vmax.f32 v53, v55  }
0x168: {  	v46 =	vld.idx.msk [tilespmem:v40+s10+$0x0], $0xffff;
	v40 =	vor.u32 v12, v18;
	v22 =	vmax.f32 v22, v25;
	v25 =	vmin.f32 v53, v55  }
0x169: {  	v53 =	vor.u32 v8, v18;
	v59 =	vmax.f32 v21, v25;
	v21 =	vmin.f32 v21, v25  }
0x16a: {  	v57 =	vmin.f32 v20, v23;
	v21 =	vmax.f32 v22, v21;
	v20 =	vmax.f32 v20, v23  }
0x16b: {  	v23 =	vld.idx.msk [tilespmem:v54+s10+$0x0], $0xffff;
	v60 =	vmin.f32 v24, v57;
	v24 =	vmax.f32 v24, v57;
	v62 =	vmin.f32 v20, v19  }
0x16c: {  	v19 =	vmax.f32 v20, v19;
	v22 =	vmin.f32 v56, v60;
	v25 =	vmax.f32 v56, v60  }
0x16d: {  	v20 =	vmin.f32 v24, v62;
	v61 =	vmax.f32 v59, v22;
	v22 =	vmin.f32 v59, v22  }
0x16e: {  	v24 =	vmax.f32 v24, v62;
	v33 =	vmax.f32 v25, v20;
	v21 =	vmax.f32 v21, v22;
	v22 =	vld.idx.msk [tilespmem:v58+s10+$0x0], $0xffff  }
0x16f: {  	v20 =	vmin.f32 v25, v20;
	v59 =	vor.u32 v9, v18;
	v60 =	vld.idx.msk [tilespmem:v53+s10+$0x0], $0xffff;
	v53 =	vor.u32 v15, v18  }
0x170: {  	v25 =	vmin.f32 v61, v20;
	v20 =	vmax.f32 v61, v20;
	v34 =	vmin.f32 v19, v23  }
0x171: {  	v21 =	vmax.f32 v21, v25;
	v19 =	vmax.f32 v19, v23;
	v36 =	vmin.f32 v24, v34  }
0x172: {  	v23 =	vmax.f32 v24, v34;
	v37 =	vmax.f32 v33, v36;
	v25 =	vmin.f32 v33, v36  }
0x173: {  	v41 =	vmax.f32 v20, v25;
	v20 =	vmin.f32 v20, v25;
	v39 =	vmin.f32 v19, v22  }
0x174: {  	v20 =	vmax.f32 v21, v20;
	v19 =	vmax.f32 v19, v22;
	v22 =	vld.idx.msk [tilespmem:v35+s10+$0x0], $0xffff;
	v42 =	vmin.f32 v23, v39  }
0x175: {  	v35 =	vor.u32 v11, v18;
	v23 =	vmax.f32 v23, v39;
	v21 =	vmin.f32 v37, v42  }
0x176: {  	v44 =	vmin.f32 v19, v38;
	v43 =	vmax.f32 v41, v21;
	v21 =	vmin.f32 v41, v21  }
0x177: {  	v19 =	vmax.f32 v19, v38;
	v24 =	vmax.f32 v37, v42;
	v20 =	vmax.f32 v20, v21  }
0x178: {  	v21 =	vmin.f32 v23, v44;
	v23 =	vmax.f32 v23, v44;
	v44 =	vor.u32 v13, v18  }
0x179: {  	v51 =	vld.idx.msk [tilespmem:v45+s10+$0x0], $0xffff;
	v47 =	vmax.f32 v24, v21;
	v21 =	vmin.f32 v24, v21;
	v48 =	vmin.f32 v19, v22  }
0x17a: {  	v19 =	vmax.f32 v19, v22;
	v24 =	vmin.f32 v43, v21;
	v21 =	vmax.f32 v43, v21  }
0x17b: {  	v56 =	vld.idx.msk [tilespmem:v49+s10+$0x0], $0xffff;
	v50 =	vmin.f32 v23, v48;
	v22 =	vmax.f32 v23, v48;
	v52 =	vmin.f32 v19, v46  }
0x17c: {  	v19 =	vmax.f32 v19, v46;
	v48 =	vor.u32 v14, v18;
	v18 =	vadd.s32 v16, v18  }
0x17d: {  	v20 =	vmax.f32 v20, v24;
	v23 =	vmax.f32 v47, v50;
	v24 =	vmin.f32 v47, v50  }
0x17e: {  	v33 =	vld.idx.msk [tilespmem:v59+s10+$0x0], $0xffff;
	v55 =	vmin.f32 v22, v52;
	v22 =	vmax.f32 v22, v52;
	v58 =	vmin.f32 v19, v51  }
0x17f: {  	v37 =	vld.idx.msk [tilespmem:v63+s10+$0x0], $0xffff;
	v19 =	vmax.f32 v19, v51;
	v54 =	vmax.f32 v21, v24;
	v21 =	vmin.f32 v21, v24  }
0x180: {  	v62 =	vmin.f32 v19, v56;
	v19 =	vmax.f32 v19, v56;
	v20 =	vmax.f32 v20, v21  }
0x181: {  	v41 =	vld.idx.msk [tilespmem:v35+s10+$0x0], $0xffff;
	v21 =	vmin.f32 v23, v55;
	v23 =	vmax.f32 v23, v55;
	v34 =	vmin.f32 v19, v60  }
0x182: {  	v19 =	vmax.f32 v19, v60;
	v57 =	vmax.f32 v54, v21;
	v21 =	vmin.f32 v54, v21  }
0x183: {  	v39 =	vmin.f32 v19, v33;
	v19 =	vmax.f32 v19, v33;
	v20 =	vmax.f32 v20, v21  }
0x184: {  	v21 =	vmin.f32 v22, v58;
	v22 =	vmax.f32 v22, v58;
	v43 =	vmin.f32 v19, v37  }
0x185: {  	v46 =	vld.idx.msk [tilespmem:v40+s10+$0x0], $0xffff;
	v19 =	vmax.f32 v19, v37;
	v61 =	vmax.f32 v23, v21;
	v21 =	vmin.f32 v23, v21  }
0x186: {  	v47 =	vmin.f32 v19, v41;
	v19 =	vmax.f32 v19, v41;
	v23 =	vmin.f32 v57, v21  }
0x187: {  	v21 =	vmax.f32 v57, v21;
	v20 =	vmax.f32 v20, v23;
	v23 =	vmin.f32 v22, v62  }
0x188: {  	v22 =	vmax.f32 v22, v62;
	v32 =	vmax.f32 v61, v23;
	v23 =	vmin.f32 v61, v23  }
0x189: {  	v50 =	vld.idx.msk [tilespmem:v44+s10+$0x0], $0xffff;
	v36 =	vmax.f32 v21, v23;
	v21 =	vmin.f32 v21, v23;
	v23 =	vmin.f32 v22, v34  }
0x18a: {  	v52 =	vmin.f32 v19, v46;
	v20 =	vmax.f32 v20, v21;
	v21 =	vmin.f32 v32, v23  }
0x18b: {  	v22 =	vmax.f32 v22, v34;
	v38 =	vmax.f32 v36, v21;
	v21 =	vmin.f32 v36, v21  }
0x18c: {  	v23 =	vmax.f32 v32, v23;
	v20 =	vmax.f32 v20, v21;
	v21 =	vmin.f32 v22, v39  }
0x18d: {  	v19 =	vmax.f32 v19, v46;
	v42 =	vmax.f32 v23, v21;
	v21 =	vmin.f32 v23, v21  }
0x18e: {  	v55 =	vmin.f32 v19, v50;
	v22 =	vmax.f32 v22, v39;
	v23 =	vmin.f32 v38, v21  }
0x18f: {  	v21 =	vmax.f32 v38, v21;
	v20 =	vmax.f32 v20, v23;
	v23 =	vmin.f32 v22, v43  }
0x190: {  	v28 =	vld.idx.msk [tilespmem:v48+s10+$0x0], $0xffff;
	v22 =	vmax.f32 v22, v43;
	v45 =	vmax.f32 v42, v23;
	v23 =	vmin.f32 v42, v23  }
0x191: {  	v49 =	vmax.f32 v21, v23;
	v21 =	vmin.f32 v21, v23;
	v23 =	vmin.f32 v22, v47  }
0x192: {  	v57 =	vld.idx.msk [tilespmem:v53+s10+$0x0], $0xffff;
	v19 =	vmax.f32 v19, v50;
	v20 =	vmax.f32 v20, v21;
	v21 =	vmin.f32 v45, v23  }
0x193: {  	v22 =	vmax.f32 v22, v47;
	v51 =	vmax.f32 v49, v21;
	v21 =	vmin.f32 v49, v21  }
0x194: {  	v23 =	vmax.f32 v45, v23;
	v20 =	vmax.f32 v20, v21;
	v21 =	vmin.f32 v22, v52  }
0x195: {  	v18 =	vld.idx.msk [tilespmem:v18+s10+$0x0], $0xffff;
	v58 =	vmin.f32 v19, v28;
	v19 =	vmax.f32 v19, v28;
	v54 =	vmin.f32 v23, v21  }
0x196: {  	v22 =	vmax.f32 v22, v52;
	v21 =	vmax.f32 v23, v21;
	v23 =	vmin.f32 v51, v54  }
0x197: {  	v60 =	vmax.f32 v19, v57;
	v20 =	vmax.f32 v20, v23;
	v23 =	vmin.f32 v22, v55  }
0x198: {  	v19 =	vmin.f32 v19, v57;
	v24 =	vmax.f32 v51, v54;
	v56 =	vmin.f32 v21, v23  }
0x199: {  	v22 =	vmax.f32 v22, v55;
	v21 =	vmax.f32 v21, v23;
	v23 =	vmin.f32 v24, v56  }
0x19a: {  	v18 =	vmin.f32 v60, v18;
	v20 =	vmax.f32 v20, v23;
	v23 =	vmin.f32 v22, v58  }
0x19b: {  	v24 =	vmax.f32 v24, v56;
	v22 =	vmax.f32 v22, v58;
	v59 =	vmin.f32 v21, v23  }
0x19c: {  	v21 =	vmax.f32 v21, v23;
	v61 =	vmax.f32 v22, v19;
	v19 =	vmin.f32 v22, v19  }
0x19d: {  	s11 =	simm.s32 $0x4030;
	v23 =	vmax.f32 v24, v59;
	v24 =	vmin.f32 v24, v59;
	v22 =	vmax.f32 v21, v19  }
0x19e: {  	v19 =	vmin.f32 v21, v19;
	v18 =	vmin.f32 v61, v18;
	v21 =	vld [tilespmem:s11+$0xFFFFFFE0];
	v20 =	vmax.f32 v20, v24  }
0x19f: {  	v62 =	vmax.f32 v23, v19;
	v19 =	vmin.f32 v23, v19;
	v18 =	vmin.f32 v22, v18  }
0x1a0: {  	v19 =	vmax.f32 v20, v19;
	v18 =	vmin.f32 v62, v18  }
0x1a1: {  	v20 =	vld [tilespmem:s11+$0xFFFFFFF0];
	v18 =	vmax.f32 v19, v18  }
0x1a2: {  	v18 =	vmax.f32 v18, $1.000000090e-01  }
0x1a3: {  	vm14 =	vge.f32 v21, v18;
	v21 =	vld [tilespmem:s11+$0x0]  }
0x1a4: {  	v19 =	vmov s10  }
0x1a5: {  	s12 =	simm.s32 $0x1;
	v22 =	vimm.s32 $0x40;
	v23 =	vnsel vm14, $0x40, v19;
	v19 =	vld [tilespmem:s11+$0x10]  }
0x1a6: {  	v63 =	vmov s12;
	s12 =	simm.s32 $0x4070;
	vm0 =	vlt.s32 v22, v23;
	vm15 =	vge.f32 v20, v18  }
0x1a7: {  	s13 =	simm.s32 $0x8;
	s14 =	simm.s32 $0x2;
	s11 =	simm.s32 $0x4;
	v20 =	vld [tilespmem:s12+$0xFFFFFFE0];
	v22 =	vsel vm0, v22, v23;
	v23 =	vnsel vm15, $0x40, v63  }
.LBB2_6:
0x1a8: {  	p0 =	slt.u32 s13, $0x3C;
	vm0 =	vlt.s32 v22, v23;
	vm1 =	vge.f32 v21, v18;
	v21 =	vmov s14  }
0x1a9: {  	s14 =	sadd.s32 $0x3, s10;
	s10 =	smov.u32 s11;
	s11 =	smov.u32 s13;
	v24 =	vld [tilespmem:s12+$0xFFFFFFF0];
	v22 =	vsel vm0, v22, v23;
	v23 =	vnsel vm1, $0x40, v21  }
0x1aa: {  	vm0 =	vlt.s32 v22, v23;
	vm1 =	vge.f32 v19, v18;
	v19 =	vmov s14  }
.Ltmp2:
0x1ab: {  	v21 =	vld [tilespmem:s12+$0x0];
	v22 =	vsel vm0, v22, v23;
	v23 =	vnsel vm1, $0x40, v19;
	(pc) =	sbr.rel @p0 .LBB2_6-.Ltmp2, $4  }
0x1ac: {  	v19 =	vmov s10;
	vm0 =	vge.f32 v20, v18;
	vm1 =	vlt.s32 v22, v23  }
0x1ad: {  	s14 =	sadd.s32 $0x1, s10;
	v25 =	vnsel vm0, $0x40, v19;
	v19 =	vld [tilespmem:s12+$0x10];
	v22 =	vsel vm1, v22, v23  }
0x1ae: {  	v23 =	vmov s14;
	s12 =	sadd.s32 $0x40, s12;
	vm0 =	vlt.s32 v22, v25;
	vm1 =	vge.f32 v24, v18  }
0x1af: {  	s13 =	sadd.s32 $0x4, s13;
	s14 =	sadd.s32 $0x2, s10;
	v20 =	vld [tilespmem:s12+$0xFFFFFFE0];
	v22 =	vsel vm0, v22, v25;
	v23 =	vnsel vm1, $0x40, v23  }
0x1b0: {  	vm0 =	vlt.s32 v22, v23;
	vm1 =	vge.f32 v21, v18;
	v21 =	vmov s14  }
0x1b1: {  	v24 =	vld [tilespmem:s12+$0xFFFFFFF0];
	s10 =	sadd.s32 $0x3, s10;
	v22 =	vsel vm0, v22, v23;
	v21 =	vnsel vm1, $0x40, v21  }
0x1b2: {  	vm0 =	vlt.s32 v22, v21;
	vm1 =	vge.f32 v19, v18;
	v19 =	vmov s10  }
0x1b3: {  	v23 =	vld [tilespmem:s12+$0x0];
	v21 =	vsel vm0, v22, v21;
	v19 =	vnsel vm1, $0x40, v19  }
0x1b4: {  	vm0 =	vge.f32 v20, v18;
	v20 =	vmov s11;
	vm1 =	vlt.s32 v21, v19  }
0x1b5: {  	s29 =	sadd.s32 $0x1, s11;
	v22 =	vld [tilespmem:s12+$0x10];
	v20 =	vnsel vm0, $0x40, v20;
	v19 =	vsel vm1, v21, v19  }
0x1b6: {  	vm1 =	vge.f32 v24, v18;
	v21 =	vmov s29;
	vm0 =	vlt.s32 v19, v20  }
0x1b7: {  	s30 =	sadd.s32 $0x2, s11;
	v19 =	vsel vm0, v19, v20;
	v20 =	vnsel vm1, $0x40, v21  }
0x1b8: {  	vm1 =	vge.f32 v23, v18;
	v21 =	vmov s30;
	vm0 =	vlt.s32 v19, v20  }
0x1b9: {  	s31 =	sadd.s32 $0x3, s11;
	v19 =	vsel vm0, v19, v20;
	v20 =	vnsel vm1, $0x40, v21  }
0x1ba: {  	vm1 =	vge.f32 v22, v18;
	v21 =	vmov s31;
	vm0 =	vlt.s32 v19, v20  }
0x1bb: {  	v19 =	vsel vm0, v19, v20;
	v20 =	vnsel vm1, $0x40, v21  }
0x1bc: {  	vm0 =	vlt.s32 v19, v20  }
0x1bd: {  	v19 =	vsel vm0, v19, v20  }
0x1be: {  	vm0 =	vlt.s32 v19, $0x3F  }
0x1bf: {  	v20 =	vnsel vm0, $0x3F, v19  }
0x1c0: {  	v20 =	vshll.u32 v20, $0x4  }
0x1c1: {  	v21 =	vor.u32 $0x1, v20  }
0x1c2: {  	v22 =	vshll.u32 v21, $0x4  }
0x1c3: {  	v23 =	vor.u32 $0x2, v20;
	v22 =	vor.u32 v0, v22  }
0x1c4: {  	v25 =	vor.u32 $0x3, v20;
	v24 =	vshll.u32 v23, $0x4  }
0x1c5: {  	v26 =	vshll.u32 v25, $0x4;
	v24 =	vor.u32 v0, v24  }
0x1c6: {  	v27 =	vor.u32 $0x4, v20;
	v26 =	vor.u32 v0, v26  }
0x1c7: {  	v28 =	vshll.u32 v27, $0x4  }
0x1c8: {  	v29 =	vor.u32 $0x5, v20;
	v28 =	vor.u32 v0, v28;
	v22 =	vld.idx.msk [tilespmem:v22+s2+$0x0], $0xffff  }
0x1c9: {  	v30 =	vshll.u32 v29, $0x4  }
0x1ca: {  	v31 =	vor.u32 $0x6, v20;
	v30 =	vor.u32 v0, v30;
	v24 =	vld.idx.msk [tilespmem:v24+s2+$0x0], $0xffff  }
0x1cb: {  	v32 =	vshll.u32 v31, $0x4;
	v26 =	vld.idx.msk [tilespmem:v26+s2+$0x0], $0xffff  }
0x1cc: {  	vm0 =	vlt.s32 v21, $0x401;
	v32 =	vor.u32 v0, v32  }
0x1cd: {  	v21 =	vnsel vm0, $0x401, v21;
	vm1 =	vge.f32 v22, v18;
	v22 =	vld.idx.msk [tilespmem:v28+s2+$0x0], $0xffff;
	v28 =	vor.u32 $0x7, v20  }
0x1ce: {  	v21 =	vnsel vm1, $0x401, v21;
	v33 =	vshll.u32 v28, $0x4  }
0x1cf: {  	vm0 =	vge.f32 v24, v18;
	v24 =	vld.idx.msk [tilespmem:v30+s2+$0x0], $0xffff;
	vm1 =	vlt.s32 v21, v23;
	v30 =	vor.u32 v0, v33  }
0x1d0: {  	v23 =	vsel vm1, v21, v23;
	vm1 =	vge.f32 v26, v18;
	v26 =	vor.u32 $0x8, v20  }
0x1d1: {  	v21 =	vsel vm0, v23, v21;
	v23 =	vnsel vm1, $0x401, v25;
	v25 =	vld.idx.msk [tilespmem:v32+s2+$0x0], $0xffff;
	v46 =	vshll.u32 v26, $0x4  }
0x1d2: {  	vm0 =	vlt.s32 v21, v23;
	vm1 =	vge.f32 v22, v18;
	v22 =	vor.u32 v0, v46  }
0x1d3: {  	v21 =	vsel vm0, v21, v23;
	v23 =	vnsel vm1, $0x401, v27;
	v27 =	vor.u32 $0x9, v20  }
0x1d4: {  	vm1 =	vge.f32 v24, v18;
	vm0 =	vlt.s32 v21, v23;
	v24 =	vld.idx.msk [tilespmem:v30+s2+$0x0], $0xffff;
	v30 =	vshll.u32 v27, $0x4  }
0x1d5: {  	v21 =	vsel vm0, v21, v23;
	v23 =	vnsel vm1, $0x401, v29;
	v29 =	vor.u32 v0, v30  }
0x1d6: {  	vm0 =	vlt.s32 v21, v23;
	vm1 =	vge.f32 v25, v18;
	v25 =	vor.u32 $0xA, v20  }
0x1d7: {  	v21 =	vsel vm0, v21, v23;
	v23 =	vnsel vm1, $0x401, v31;
	v22 =	vld.idx.msk [tilespmem:v22+s2+$0x0], $0xffff;
	v30 =	vshll.u32 v25, $0x4  }
0x1d8: {  	v31 =	vor.u32 $0xB, v20;
	vm0 =	vlt.s32 v21, v23;
	v30 =	vor.u32 v0, v30  }
0x1d9: {  	v21 =	vsel vm0, v21, v23;
	vm0 =	vge.f32 v24, v18;
	v23 =	vshll.u32 v31, $0x4  }
0x1da: {  	v24 =	vnsel vm0, $0x401, v28;
	v28 =	vld.idx.msk [tilespmem:v29+s2+$0x0], $0xffff;
	v23 =	vor.u32 v0, v23;
	v29 =	vor.u32 $0xC, v20  }
0x1db: {  	v48 =	vor.u32 $0xD, v20;
	v47 =	vshll.u32 v29, $0x4  }
0x1dc: {  	vm0 =	vlt.s32 v21, v24;
	vm1 =	vge.f32 v22, v18;
	v22 =	vor.u32 v0, v47  }
0x1dd: {  	v21 =	vsel vm0, v21, v24;
	v24 =	vnsel vm1, $0x401, v26;
	v26 =	vld.idx.msk [tilespmem:v30+s2+$0x0], $0xffff;
	v30 =	vshll.u32 v48, $0x4  }
0x1de: {  	v49 =	vor.u32 $0xE, v20;
	vm0 =	vlt.s32 v21, v24;
	v30 =	vor.u32 v0, v30  }
0x1df: {  	v21 =	vsel vm0, v21, v24;
	v23 =	vld.idx.msk [tilespmem:v23+s2+$0x0], $0xffff;
	v24 =	vshll.u32 v49, $0x4  }
0x1e0: {  	vm0 =	vge.f32 v28, v18;
	v28 =	vor.u32 $0xF, v20;
	v24 =	vor.u32 v0, v24  }
0x1e1: {  	v20 =	vadd.s32 $0x10, v20;
	v27 =	vnsel vm0, $0x401, v27;
	v34 =	vshll.u32 v28, $0x4;
	v22 =	vld.idx.msk [tilespmem:v22+s2+$0x0], $0xffff  }
0x1e2: {  	vm0 =	vlt.s32 v21, v27;
	vm1 =	vge.f32 v26, v18;
	v26 =	vor.u32 v0, v34  }
0x1e3: {  	v21 =	vsel vm0, v21, v27;
	v25 =	vnsel vm1, $0x401, v25;
	v27 =	vld.idx.msk [tilespmem:v30+s2+$0x0], $0xffff;
	v30 =	vshll.u32 v20, $0x4  }
0x1e4: {  	vm0 =	vlt.s32 v21, v25;
	vm1 =	vge.f32 v23, v18;
	v23 =	vor.u32 v0, v30  }
0x1e5: {  	v21 =	vsel vm0, v21, v25;
	v25 =	vnsel vm1, $0x401, v31;
	v24 =	vld.idx.msk [tilespmem:v24+s2+$0x0], $0xffff  }
0x1e6: {  	vm0 =	vlt.s32 v21, v25;
	vm1 =	vge.f32 v22, v18  }
0x1e7: {  	v21 =	vsel vm0, v21, v25;
	v22 =	vnsel vm1, $0x401, v29;
	v25 =	vld.idx.msk [tilespmem:v26+s2+$0x0], $0xffff  }
0x1e8: {  	vm0 =	vlt.s32 v21, v22;
	vm1 =	vge.f32 v27, v18  }
0x1e9: {  	v21 =	vsel vm0, v21, v22;
	v22 =	vnsel vm1, $0x401, v48;
	v23 =	vld.idx.msk [tilespmem:v23+s2+$0x0], $0xffff  }
0x1ea: {  	vm0 =	vlt.s32 v21, v22;
	vm1 =	vge.f32 v24, v18  }
0x1eb: {  	v21 =	vsel vm0, v21, v22;
	v22 =	vnsel vm1, $0x401, v49  }
0x1ec: {  	vm0 =	vlt.s32 v21, v22;
	vm1 =	vge.f32 v25, v18  }
0x1ed: {  	v21 =	vsel vm0, v21, v22;
	v22 =	vnsel vm1, $0x401, v28  }
0x1ee: {  	vm0 =	vlt.s32 v21, v22;
	vm1 =	vge.f32 v23, v18  }
0x1ef: {  	v18 =	vsel vm0, v21, v22;
	v20 =	vnsel vm1, $0x401, v20  }
0x1f0: {  	vm0 =	vlt.s32 v18, v20  }
0x1f1: {  	v18 =	vsel vm0, v18, v20;
	vm0 =	veq.s32 v19, $0x40  }
0x1f2: {  	v18 =	vsel vm0, $0x0, v18  }
0x1f3: {  	vm0 =	vgt.s32 v18, $0x1  }
0x1f4: {  	v19 =	vnsel vm0, $0x1, v18  }
0x1f5: {  	v20 =	vcvt.s32.f32 v19;
	_ =	sdelay $0x1  }
0x1f6: {  	(erf) = vrcp.f32 v20;
	_ =	sdelay $0x8  }
0x1f7: {  	v20 =	vpop (erf)  }
0x1f8: {  	v20 =	vmul.f32 $1.020000000e+03, v20;
	_ =	sdelay $0x1  }
0x1f9: {  	v20 =	vtrunc.f32 v20  }
0x1fa: {  	v20 =	vcvt.f32.s32 v20;
	_ =	sdelay $0x1  }
0x1fb: {  	v21 =	vadd.s32 $0x1, v20  }
0x1fc: {  	v22 =	vmul.u32 v19, v21;
	_ =	sdelay $0x1  }
0x1fd: {  	vm0 =	vlt.s32 v22, $0x3FD  }
0x1fe: {  	v20 =	vsel vm0, v21, v20  }
0x1ff: {  	v19 =	vmul.u32 v19, v20  }
0x200: {  	vm0 =	veq.s32 v18, $0x2  }
0x201: {  	vm2 =	veq.s32 v18, $0x1;
	vm1 =	vgt.s32 v19, $0x3FC;
	v19 =	vsel vm0, $0x1, v17  }
0x202: {  	v21 =	vsel vm1, $0xFFFFFFFF, v17;
	v22 =	vsel vm2, $0x2, v19  }
0x203: {  	v21 =	vadd.s32 v21, v20;
	v20 =	vadd.s32 $0x1, v22  }
0x204: {  	v19 =	vmul.u32 v18, v21;
	v23 =	vmul.u32 v18, v20  }
0x205: {  	v20 =	vimm.s32 $0x3  }
0x206: {  	vm0 =	vge.s32 v20, v23;
	vm1 =	vle.s32 v23, v19  }
0x207: {  	vm0 =	vmand vm0, vm1  }
0x208: {  	v24 =	vnsel vm0, $0x0, v18  }
0x209: {  	v25 =	vadd.s32 $0x1, v20;
	v24 =	vadd.s32 v23, v24  }
0x20a: {  	vm1 =	vge.s32 v25, v24;
	vm2 =	vle.s32 v24, v19  }
0x20b: {  	vm1 =	vmand vm1, vm2  }
0x20c: {  	v25 =	vnsel vm1, $0x0, v18  }
0x20d: {  	v26 =	vadd.s32 $0x2, v20;
	v25 =	vadd.s32 v24, v25  }
0x20e: {  	vm2 =	vge.s32 v26, v25;
	vm3 =	vle.s32 v25, v19  }
0x20f: {  	vm2 =	vmand vm2, vm3  }
0x210: {  	v26 =	vnsel vm2, $0x0, v18  }
0x211: {  	v27 =	vadd.s32 $0x3, v20;
	v26 =	vadd.s32 v25, v26  }
0x212: {  	vm3 =	vge.s32 v27, v26;
	vm4 =	vle.s32 v26, v19  }
0x213: {  	vm3 =	vmand vm3, vm4  }
0x214: {  	v27 =	vnsel vm3, $0x0, v18  }
0x215: {  	v28 =	vadd.s32 $0x4, v20;
	v27 =	vadd.s32 v26, v27  }
0x216: {  	vm11 =	vge.s32 v28, v27;
	vm5 =	vle.s32 v27, v19  }
0x217: {  	vm4 =	vmand vm11, vm5  }
0x218: {  	v28 =	vnsel vm4, $0x0, v18  }
0x219: {  	v29 =	vadd.s32 $0x5, v20;
	v28 =	vadd.s32 v27, v28  }
0x21a: {  	vm12 =	vge.s32 v29, v28;
	vm6 =	vle.s32 v28, v19  }
0x21b: {  	vm5 =	vmand vm12, vm6  }
0x21c: {  	v29 =	vnsel vm5, $0x0, v18  }
0x21d: {  	v30 =	vadd.s32 $0x6, v20;
	v29 =	vadd.s32 v28, v29  }
0x21e: {  	vm13 =	vge.s32 v30, v29;
	vm7 =	vle.s32 v29, v19  }
0x21f: {  	vm6 =	vmand vm13, vm7  }
0x220: {  	v30 =	vnsel vm6, $0x0, v18  }
0x221: {  	v53 =	vimm.s32 $0x0;
	v31 =	vadd.s32 $0x7, v20;
	v30 =	vadd.s32 v29, v30  }
0x222: {  	v54 =	vor.u32 $0x2, v53;
	vm14 =	vge.s32 v31, v30;
	vm8 =	vle.s32 v30, v19  }
0x223: {  	v35 =	vor.u32 $0x3, v53;
	v22 =	vmax.u32 v22, $0x1;
	vm7 =	vmand vm14, vm8  }
0x224: {  	v37 =	vor.u32 $0x5, v53;
	v22 =	vmul.u32 v18, v22;
	v31 =	vnsel vm7, $0x0, v18  }
0x225: {  	v56 =	vor.u32 $0x6, v53;
	v20 =	vadd.s32 $0x8, v20;
	v31 =	vadd.s32 v30, v31  }
0x226: {  	v22 =	vsel vm0, v23, v22;
	vm0 =	vge.s32 v20, v31;
	vm15 =	vle.s32 v31, v19  }
0x227: {  	v50 =	vadd.s32 $0x1, v20;
	v23 =	vsel vm1, v24, v22;
	vm0 =	vmand vm0, vm15  }
0x228: {  	v52 =	vadd.s32 $0x2, v20;
	v24 =	vsel vm2, v25, v23;
	v25 =	vnsel vm0, $0x0, v18  }
0x229: {  	v22 =	vsub.s32 v53, v22;
	v26 =	vsel vm3, v26, v24;
	v25 =	vadd.s32 v31, v25  }
0x22a: {  	v27 =	vsel vm4, v27, v26;
	vm1 =	vge.s32 v50, v25;
	vm2 =	vle.s32 v25, v19  }
0x22b: {  	v36 =	vsub.s32 $0x0, v22;
	v28 =	vsel vm5, v28, v27;
	vm1 =	vmand vm1, vm2  }
0x22c: {  	v22 =	vmin.u32 v22, v36;
	v29 =	vsel vm6, v29, v28;
	v51 =	vnsel vm1, $0x0, v18  }
0x22d: {  	v22 =	vcvt.s32.f32 v22;
	v30 =	vsel vm7, v30, v29;
	v32 =	vadd.s32 v25, v51  }
0x22e: {  	v31 =	vsel vm0, v31, v30;
	vm0 =	vge.s32 v52, v32;
	vm2 =	vle.s32 v32, v19  }
0x22f: {  	vm2 =	vmand vm0, vm2;
	vm0 =	vgt.s32 v21, $0x0;
	v21 =	vor.u32 $0x1, v53  }
0x230: {  	v57 =	vor.u32 $0x7, v53;
	v62 =	vadd.s32 $0x3, v20;
	v21 =	vsub.s32 v21, v23  }
0x231: {  	v41 =	vadd.s32 $0x4, v20;
	v22 =	vmul.f32 $1.666666720e-01, v22;
	v55 =	vsub.s32 $0x0, v21  }
0x232: {  	v46 =	vadd.s32 $0x5, v20;
	v24 =	vsub.s32 v54, v24;
	v21 =	vmin.u32 v21, v55  }
0x233: {  	v22 =	vsub.f32 $1.000000000e+00, v22;
	v38 =	vsub.s32 $0x0, v24;
	v21 =	vcvt.s32.f32 v21  }
0x234: {  	v25 =	vsel vm1, v25, v31;
	v51 =	vadd.s32 $0x6, v20;
	v23 =	vor.u32 $0x4, v53  }
0x235: {  	v23 =	vsub.s32 v23, v27;
	v39 =	vmul.f32 $1.666666720e-01, v21;
	v21 =	vmin.u32 v24, v38  }
0x236: {  	v24 =	vcvt.s32.f32 v21;
	v21 =	vsub.s32 v35, v26;
	v26 =	vsub.s32 $0x0, v23  }
0x237: {  	v55 =	vadd.s32 $0x7, v20;
	v27 =	vsub.s32 $0x0, v21;
	v23 =	vmin.u32 v23, v26  }
0x238: {  	v26 =	vsub.s32 v37, v28;
	v28 =	vsub.s32 v56, v29;
	v29 =	vsub.s32 v57, v30  }
0x239: {  	v57 =	vsub.f32 $1.000000000e+00, v39;
	v27 =	vmin.u32 v21, v27;
	v23 =	vcvt.s32.f32 v23  }
0x23a: {  	v21 =	vsub.s32 $0x0, v26;
	v30 =	vsub.s32 $0x0, v28;
	v34 =	vsub.s32 $0x0, v29  }
0x23b: {  	v24 =	vmul.f32 $1.666666720e-01, v24;
	v26 =	vmin.u32 v26, v21;
	v21 =	vadd.s32 $0x8, v53  }
0x23c: {  	v28 =	vmin.u32 v28, v30;
	v29 =	vmin.u32 v29, v34;
	v27 =	vcvt.s32.f32 v27  }
0x23d: {  	v38 =	vmax.f32 v57, $5.000000000e-01;
	v30 =	vor.u32 $0x1, v21;
	v33 =	vor.u32 $0x2, v21  }
0x23e: {  	v58 =	vor.u32 $0x3, v21;
	v59 =	vor.u32 $0x4, v21;
	v60 =	vsub.s32 v21, v31  }
0x23f: {  	v31 =	vnsel vm2, $0x0, v18;
	v63 =	vor.u32 $0x5, v21;
	v26 =	vcvt.s32.f32 v26  }
0x240: {  	v52 =	vor.u32 $0x6, v21;
	v23 =	vmul.f32 $1.666666720e-01, v23;
	v28 =	vcvt.s32.f32 v28  }
0x241: {  	v24 =	vsub.f32 $1.000000000e+00, v24;
	v29 =	vcvt.s32.f32 v29;
	v61 =	vsub.s32 $0x0, v60  }
0x242: {  	v31 =	vadd.s32 v32, v31;
	v32 =	vsel vm2, v32, v25;
	v25 =	vsub.s32 v30, v25  }
0x243: {  	v27 =	vmul.f32 $1.666666720e-01, v27;
	vm1 =	vge.s32 v62, v31;
	vm2 =	vle.s32 v31, v19  }
0x244: {  	v36 =	vmin.u32 v60, v61;
	v30 =	vsub.s32 v33, v32;
	v42 =	vsub.s32 $0x0, v25  }
0x245: {  	v26 =	vmul.f32 $1.666666720e-01, v26;
	v23 =	vsub.f32 $1.000000000e+00, v23;
	v28 =	vmul.f32 $1.666666720e-01, v28  }
0x246: {  	v29 =	vmul.f32 $1.666666720e-01, v29;
	v62 =	vor.u32 $0x7, v21;
	vm1 =	vmand vm1, vm2  }
0x247: {  	v25 =	vmin.u32 v25, v42;
	v43 =	vsub.s32 $0x0, v30;
	v27 =	vsub.f32 $1.000000000e+00, v27  }
0x248: {  	v40 =	vnsel vm1, $0x0, v18;
	v32 =	vsel vm1, v31, v32;
	v30 =	vmin.u32 v30, v43  }
0x249: {  	v26 =	vsub.f32 $1.000000000e+00, v26;
	v28 =	vsub.f32 $1.000000000e+00, v28;
	v31 =	vadd.s32 v31, v40  }
0x24a: {  	v23 =	vmax.f32 v23, $5.000000000e-01;
	vm1 =	vge.s32 v41, v31;
	vm2 =	vle.s32 v31, v19  }
0x24b: {  	v25 =	vcvt.s32.f32 v25;
	v44 =	vsub.s32 v58, v32;
	vm1 =	vmand vm1, vm2  }
0x24c: {  	v27 =	vmax.f32 v27, $5.000000000e-01;
	v58 =	vmax.f32 v22, $5.000000000e-01;
	v45 =	vnsel vm1, $0x0, v18  }
0x24d: {  	v22 =	vmax.f32 v24, $5.000000000e-01;
	v32 =	vsel vm1, v31, v32;
	v31 =	vadd.s32 v31, v45  }
0x24e: {  	v47 =	vsub.s32 $0x0, v44;
	vm1 =	vge.s32 v46, v31;
	vm2 =	vle.s32 v31, v19  }
0x24f: {  	v26 =	vmax.f32 v26, $5.000000000e-01;
	v28 =	vmax.f32 v28, $5.000000000e-01;
	vm1 =	vmand vm1, vm2  }
0x250: {  	v33 =	vmin.u32 v44, v47;
	v35 =	vsub.s32 v59, v32;
	v50 =	vnsel vm1, $0x0, v18  }
0x251: {  	v48 =	vsub.s32 $0x0, v35;
	v32 =	vsel vm1, v31, v32;
	v31 =	vadd.s32 v31, v50  }
0x252: {  	v37 =	vsub.s32 v63, v32;
	vm1 =	vge.s32 v51, v31;
	vm2 =	vle.s32 v31, v19  }
0x253: {  	v49 =	vmin.u32 v35, v48;
	v53 =	vsub.s32 $0x0, v37;
	vm1 =	vmand vm1, vm2  }
0x254: {  	v37 =	vmin.u32 v37, v53;
	vm2 =	vgt.s32 v18, $0x0;
	v32 =	vsel vm1, v31, v32  }
0x255: {  	v54 =	vnsel vm1, $0x0, v18;
	vm0 =	vmand vm2, vm0;
	v60 =	vcvt.s32.f32 v37  }
0x256: {  	v31 =	vadd.s32 v31, v54;
	v35 =	vsub.s32 v52, v32;
	v24 =	vnsel vm0, $0x3F000000, v26  }
0x257: {  	v26 =	vnsel vm0, $0x3F000000, v28;
	v28 =	vsub.f32 $1.000000000e+00, v29;
	v29 =	vcvt.s32.f32 v36  }
0x258: {  	s10 =	simm.s32 $0x40;
	v27 =	vnsel vm0, $0x3F000000, v27;
	v59 =	vnsel vm0, $0x3F000000, v23;
	v23 =	vmul.f32 $1.666666720e-01, v25  }
0x259: {  	v25 =	vcvt.s32.f32 v30;
	v30 =	vcvt.s32.f32 v49;
	v61 =	vnsel vm0, $0x3F000000, v38;
	[tilespmem:s10+$0x20] =	vst v26  }
0x25a: {  	vm1 =	vge.s32 v55, v31;
	v56 =	vsub.s32 $0x0, v35;
	vm2 =	vle.s32 v31, v19;
	[tilespmem:s10+$0x10] =	vst v24  }
0x25b: {  	v26 =	vnsel vm0, $0x3F000000, v22;
	[tilespmem:s10+$0x0] =	vst v59;
	v35 =	vmin.u32 v35, v56;
	vm1 =	vmand vm1, vm2  }
0x25c: {  	[tilespmem:s10+$0xFFFFFFF0] =	vst v27;
	v24 =	vmax.f32 v28, $5.000000000e-01;
	v22 =	vmul.f32 $1.666666720e-01, v29;
	v28 =	vcvt.s32.f32 v33  }
0x25d: {  	v29 =	vnsel vm0, $0x3F000000, v58;
	[tilespmem:s10+$0xFFFFFFE0] =	vst v26;
	v26 =	vmul.f32 $1.666666720e-01, v60;
	v24 =	vnsel vm0, $0x3F000000, v24  }
0x25e: {  	v63 =	vnsel vm1, $0x0, v18;
	[tilespmem:s10+$0x30] =	vst v24;
	v24 =	vmul.f32 $1.666666720e-01, v25;
	v27 =	vmul.f32 $1.666666720e-01, v28  }
0x25f: {  	[tilespmem:s10+$0xFFFFFFD0] =	vst v61;
	v28 =	vmul.f32 $1.666666720e-01, v30;
	v30 =	vcvt.s32.f32 v35;
	v25 =	vsel vm1, v31, v32  }
0x260: {  	s11 =	simm.s32 $0x8;
	[tilespmem:s10+$0xFFFFFFC0] =	vst v29;
	v29 =	vsub.f32 $1.000000000e+00, v26;
	v26 =	vadd.s32 v31, v63;
	v31 =	vsub.s32 v62, v25  }
.LBB2_8:
0x261: {  	s11 =	sadd.s32 $0x8, s11;
	v28 =	vsub.f32 $1.000000000e+00, v28;
	v30 =	vmul.f32 $1.666666720e-01, v30;
	v32 =	vsub.s32 $0x0, v31  }
0x262: {  	v24 =	vsub.f32 $1.000000000e+00, v24;
	v27 =	vsub.f32 $1.000000000e+00, v27;
	p0 =	slt.u32 s11, $0x3F8;
	v31 =	vmin.u32 v31, v32  }
0x263: {  	v23 =	vsub.f32 $1.000000000e+00, v23;
	v30 =	vsub.f32 $1.000000000e+00, v30;
	v31 =	vcvt.s32.f32 v31  }
0x264: {  	v22 =	vsub.f32 $1.000000000e+00, v22;
	v29 =	vmax.f32 v29, $5.000000000e-01;
	v28 =	vmax.f32 v28, $5.000000000e-01  }
0x265: {  	v27 =	vmax.f32 v27, $5.000000000e-01;
	v30 =	vmax.f32 v30, $5.000000000e-01;
	v31 =	vmul.f32 $1.666666720e-01, v31  }
0x266: {  	v22 =	vmax.f32 v22, $5.000000000e-01;
	v23 =	vmax.f32 v23, $5.000000000e-01;
	v24 =	vmax.f32 v24, $5.000000000e-01  }
0x267: {  	s10 =	sadd.s32 $0x80, s10;
	v29 =	vnsel vm0, $0x3F000000, v29;
	v30 =	vnsel vm0, $0x3F000000, v30;
	v31 =	vsub.f32 $1.000000000e+00, v31  }
0x268: {  	v24 =	vnsel vm0, $0x3F000000, v24;
	v27 =	vnsel vm0, $0x3F000000, v27;
	v28 =	vnsel vm0, $0x3F000000, v28;
	[tilespmem:s10+$0x20] =	vst v30  }
0x269: {  	v22 =	vnsel vm0, $0x3F000000, v22;
	v23 =	vnsel vm0, $0x3F000000, v23;
	[tilespmem:s10+$0x10] =	vst v29;
	v29 =	vmax.f32 v31, $5.000000000e-01  }
0x26a: {  	v21 =	vadd.s32 $0x8, v21;
	[tilespmem:s10+$0x0] =	vst v28;
	v28 =	vnsel vm0, $0x3F000000, v29  }
0x26b: {  	v20 =	vadd.s32 $0x8, v20;
	v30 =	vor.u32 $0x2, v21;
	v29 =	vor.u32 $0x1, v21;
	[tilespmem:s10+$0x30] =	vst v28  }
0x26c: {  	vm2 =	vle.s32 v26, v19;
	vm1 =	vge.s32 v20, v26;
	v28 =	vor.u32 $0x3, v21;
	[tilespmem:s10+$0xFFFFFFF0] =	vst v27  }
0x26d: {  	vm1 =	vmand vm1, vm2;
	v31 =	vor.u32 $0x5, v21;
	v27 =	vor.u32 $0x4, v21;
	[tilespmem:s10+$0xFFFFFFE0] =	vst v24  }
0x26e: {  	v32 =	vor.u32 $0x6, v21;
	v24 =	vsel vm1, v26, v25;
	v25 =	vnsel vm1, $0x0, v18;
	[tilespmem:s10+$0xFFFFFFD0] =	vst v23  }
0x26f: {  	v23 =	vadd.s32 v26, v25;
	v25 =	vsub.s32 v21, v24;
	v26 =	vadd.s32 $0x1, v20;
	[tilespmem:s10+$0xFFFFFFC0] =	vst v22  }
0x270: {  	v22 =	vsub.s32 $0x0, v25;
	vm1 =	vge.s32 v26, v23;
	vm2 =	vle.s32 v23, v19  }
0x271: {  	v33 =	vor.u32 $0x7, v21;
	v22 =	vmin.u32 v25, v22;
	vm1 =	vmand vm1, vm2  }
0x272: {  	v22 =	vcvt.s32.f32 v22;
	v24 =	vsel vm1, v23, v24;
	v25 =	vnsel vm1, $0x0, v18  }
0x273: {  	v26 =	vadd.s32 $0x2, v20;
	v23 =	vadd.s32 v23, v25;
	v25 =	vsub.s32 v29, v24  }
0x274: {  	v29 =	vsub.s32 $0x0, v25;
	vm1 =	vge.s32 v26, v23;
	vm2 =	vle.s32 v23, v19  }
0x275: {  	v22 =	vmul.f32 $1.666666720e-01, v22;
	v25 =	vmin.u32 v25, v29;
	vm1 =	vmand vm1, vm2  }
0x276: {  	v25 =	vcvt.s32.f32 v25;
	v24 =	vsel vm1, v23, v24;
	v26 =	vnsel vm1, $0x0, v18  }
0x277: {  	v26 =	vadd.s32 v23, v26;
	v29 =	vsub.s32 v30, v24;
	v23 =	vadd.s32 $0x3, v20  }
0x278: {  	v30 =	vsub.s32 $0x0, v29;
	vm1 =	vge.s32 v23, v26;
	vm2 =	vle.s32 v26, v19  }
0x279: {  	v23 =	vmul.f32 $1.666666720e-01, v25;
	v25 =	vmin.u32 v29, v30;
	vm1 =	vmand vm1, vm2  }
0x27a: {  	v25 =	vcvt.s32.f32 v25;
	v29 =	vsel vm1, v26, v24;
	v24 =	vnsel vm1, $0x0, v18  }
0x27b: {  	v26 =	vadd.s32 v26, v24;
	v28 =	vsub.s32 v28, v29;
	v24 =	vadd.s32 $0x4, v20  }
0x27c: {  	v30 =	vsub.s32 $0x0, v28;
	vm1 =	vge.s32 v24, v26;
	vm2 =	vle.s32 v26, v19  }
0x27d: {  	v24 =	vmul.f32 $1.666666720e-01, v25;
	v25 =	vmin.u32 v28, v30;
	vm1 =	vmand vm1, vm2  }
0x27e: {  	v25 =	vcvt.s32.f32 v25;
	v28 =	vsel vm1, v26, v29;
	v29 =	vnsel vm1, $0x0, v18  }
0x27f: {  	v26 =	vadd.s32 v26, v29;
	v29 =	vsub.s32 v27, v28;
	v27 =	vadd.s32 $0x5, v20  }
0x280: {  	v30 =	vsub.s32 $0x0, v29;
	vm1 =	vge.s32 v27, v26;
	vm2 =	vle.s32 v26, v19  }
0x281: {  	v27 =	vmul.f32 $1.666666720e-01, v25;
	v25 =	vmin.u32 v29, v30;
	vm1 =	vmand vm1, vm2  }
0x282: {  	v25 =	vcvt.s32.f32 v25;
	v29 =	vsel vm1, v26, v28;
	v28 =	vnsel vm1, $0x0, v18  }
0x283: {  	v26 =	vadd.s32 v26, v28;
	v30 =	vsub.s32 v31, v29;
	v28 =	vadd.s32 $0x6, v20  }
0x284: {  	v31 =	vsub.s32 $0x0, v30;
	vm1 =	vge.s32 v28, v26;
	vm2 =	vle.s32 v26, v19  }
0x285: {  	v28 =	vmul.f32 $1.666666720e-01, v25;
	v25 =	vmin.u32 v30, v31;
	vm1 =	vmand vm1, vm2  }
0x286: {  	v25 =	vcvt.s32.f32 v25;
	v29 =	vsel vm1, v26, v29;
	v30 =	vnsel vm1, $0x0, v18  }
.Ltmp3:
0x287: {  	v31 =	vadd.s32 $0x7, v20;
	v26 =	vadd.s32 v26, v30;
	v30 =	vsub.s32 v32, v29;
	(pc) =	sbr.rel @p0 .LBB2_8-.Ltmp3, $4  }
0x288: {  	v32 =	vsub.s32 $0x0, v30;
	vm1 =	vge.s32 v31, v26;
	vm2 =	vle.s32 v26, v19  }
0x289: {  	v31 =	vmul.f32 $1.666666720e-01, v25;
	v25 =	vmin.u32 v30, v32;
	vm1 =	vmand vm1, vm2  }
0x28a: {  	v30 =	vcvt.s32.f32 v25;
	v25 =	vsel vm1, v26, v29;
	v32 =	vnsel vm1, $0x0, v18  }
0x28b: {  	v29 =	vsub.f32 $1.000000000e+00, v31;
	v26 =	vadd.s32 v26, v32;
	v31 =	vsub.s32 v33, v25  }
0x28c: {  	v18 =	vsub.f32 $1.000000000e+00, v28  }
0x28d: {  	v53 =	vmul.f32 $1.666666720e-01, v30;
	v54 =	vsub.s32 $0x0, v31;
	v20 =	vadd.s32 $0x8, v20  }
0x28e: {  	vm2 =	vle.s32 v26, v19;
	v19 =	vsub.f32 $1.000000000e+00, v24;
	vm1 =	vge.s32 v20, v26  }
0x28f: {  	v21 =	vadd.s32 $0x8, v21;
	v30 =	vmin.u32 v31, v54;
	vm1 =	vmand vm1, vm2  }
0x290: {  	v57 =	vsub.f32 $1.000000000e+00, v27;
	v55 =	vcvt.s32.f32 v30;
	v25 =	vsel vm1, v26, v25  }
0x291: {  	v23 =	vsub.f32 $1.000000000e+00, v23;
	v18 =	vmax.f32 v18, $5.000000000e-01;
	v21 =	vsub.s32 v21, v25  }
0x292: {  	v60 =	vmax.f32 v57, $5.000000000e-01;
	v20 =	vmul.f32 $1.666666720e-01, v55;
	v59 =	vsub.s32 $0x0, v21  }
0x293: {  	s10 =	sadd.s32 $0x80, s10;
	v19 =	vmax.f32 v19, $5.000000000e-01;
	v18 =	vnsel vm0, $0x3F000000, v18;
	v21 =	vmin.u32 v21, v59  }
0x294: {  	v63 =	vnsel vm0, $0x3F000000, v60;
	[tilespmem:s10+$0x0] =	vst v18;
	v20 =	vsub.f32 $1.000000000e+00, v20;
	v21 =	vcvt.s32.f32 v21  }
0x295: {  	v58 =	vmax.f32 v29, $5.000000000e-01;
	v56 =	vsub.f32 $1.000000000e+00, v53;
	v19 =	vnsel vm0, $0x3F000000, v19;
	[tilespmem:s10+$0xFFFFFFF0] =	vst v63  }
0x296: {  	v25 =	vnsel vm0, $0x3F000000, v58;
	[tilespmem:s10+$0xFFFFFFE0] =	vst v19;
	v20 =	vmax.f32 v20, $5.000000000e-01;
	v61 =	vmul.f32 $-1.666666720e-01, v21  }
0x297: {  	v62 =	vsub.f32 $1.000000000e+00, v22;
	v24 =	vmax.f32 v56, $5.000000000e-01;
	[tilespmem:s10+$0x10] =	vst v25;
	v18 =	vnsel vm0, $0x3F000000, v20  }
0x298: {  	v24 =	vnsel vm0, $0x3F000000, v24;
	[tilespmem:s10+$0x30] =	vst v18;
	v18 =	vmax.f32 v23, $5.000000000e-01;
	v20 =	vadd.f32 $1.000000000e+00, v61  }
0x299: {  	[tilespmem:s10+$0x20] =	vst v24;
	v21 =	vmax.f32 v62, $5.000000000e-01;
	v18 =	vnsel vm0, $0x3F000000, v18  }
0x29a: {  	s9 =	sadd.s32 $0x1, s9;
	v19 =	vnsel vm0, $0x3F000000, v21;
	[tilespmem:s10+$0xFFFFFFD0] =	vst v18;
	v18 =	vmax.f32 v20, $5.000000000e-01  }
0x29b: {  	p0 =	sne.s32 s9, s5;
	[tilespmem:s10+$0xFFFFFFC0] =	vst v19;
	v18 =	vnsel vm0, $0x3F000000, v18  }
.Ltmp4:
0x29c: {  	[tilespmem:$0x4000] =	vst v18;
	(pc) =	sbr.rel @p0 .LBB2_1-.Ltmp4, $4  }
0x29d: {  	[hbm4b:s4+s6] =	stream.strided.scatter [tilespmem:s2], [sflag:$0x1], $0x4010, s8, s6, $0x38;
	[tilespmem:$0x4410] =	vst v63  }
0x29e: {  	_ =	swait.ge [sflag:s7], $0x4010  }
0x29f: {  	[sflag:s7] =	ssyncset.done $0x0  }
0x2a0: {  	[sflag:s7] =	ssyncadd.s32 $0xFFFFBFF0  }
0x2a1: {  	_ =	sfence.sel $0x180000  }
0x2a2: {  	[bflag:$0x0] =	sbarrier.arrive $0xFFFF  }
0x2a3: {  	p0 =	sne.s32 s1, $0x0;
	_ =	strace $0x90000047  }
0x2a4: {  	s0 =	sadd.s32 @!p0 $0x100000, s0;
	[bflag:$0x2] =	sbarrier.arrive $0xFFFF  }
0x2a5: {  	[sflag:s0] =	ssyncadd.tile.s32 @!p0 $0x1;
	_ =	shalt  }
.Lfunc_end2:
_tile_overlayer_lowered:
.L_overlay_start_2:
0x2a6: {  	(tag) =	ssettag $0x2  }
0x2a7: {  	s0 =	rddreg [dreg:$0x0];
	s2 =	stileid.u32  }
0x2a8: {  	s1 =	rddreg [dreg:$0x1];
	p0 =	sne.s32 s2, $0x0  }
0x2a9: {  	s3 =	rddreg [dreg:$0x2];
	[bflag:$0x3] =	sbarrier.arrive $0xFFFF;
	s2 =	simm.s32 @!p0 $0x1C02  }
0x2aa: {  	[timem:s3], [sflag:s2] =	dma.local @!p0 [hbm:s0], s1  }
0x2ab: {  	s0 =	simm.s32 @!p0 $0x2  }
0x2ac: {  	_ =	swait.ge @!p0 [sflag:s0], s1  }
0x2ad: {  	s1 =	ssub.s32 @!p0 $0x0, s1;
	[sflag:s0] =	ssyncset.done @!p0 $0x0  }
0x2ae: {  	[sflag:s0] =	ssyncadd.s32 @!p0 s1  }
0x2af: {  	[bflag:$0x3] =	sbarrier.arrive $0xFFFF  }
0x2b0: {  	_ =	shalt  }

</sc_bundles>
